<compile_context>
chip_gen: v7x
topology: tpu7x:2x2x1
jax: 0.10.2.dev20260603
libtpu: 0.0.44.dev20260713+nightly
codegen_flags: <defaults>
</compile_context>

<pallas_src>
import functools

import jax
import jax.numpy as jnp
from jax import lax
from jax.experimental import pallas as pl
from jax.experimental.pallas import tpu as pltpu
from jax.experimental.pallas import tpu_sc as plsc

_VOCAB = 100000
_EMBED = 64
_CTX = 20
_HID = 256
_BATCH = 1024

_CH = 2048
_NFULL = _VOCAB // _CH
_MAIN = _NFULL * _CH
_TAILW = _VOCAB - _MAIN
_NSLOT = 3
_HROWS = _CH // 4


_IDX_CHUNK = 128


def _sc_gather(table, idx):
    info = plsc.get_sparse_core_info()
    nc, ns = info.num_cores, info.num_subcores
    nw = nc * ns
    n = idx.shape[0]
    assert n % (nw * _IDX_CHUNK) == 0
    per_w = n // nw
    chunks = per_w // _IDX_CHUNK
    idx3 = idx.reshape(nw, chunks, _IDX_CHUNK)
    mesh = plsc.VectorSubcoreMesh(core_axis_name="c", subcore_axis_name="s")

    @functools.partial(
        pl.kernel,
        mesh=mesh,
        out_type=jax.ShapeDtypeStruct((n, _EMBED), jnp.float32),
        scratch_types=[
            pltpu.VMEM((chunks, _IDX_CHUNK), jnp.int32),
            pltpu.VMEM((per_w, _EMBED), jnp.float32),
            pltpu.SemaphoreType.DMA,
        ],
        compiler_params=pltpu.CompilerParams(use_tc_tiling_on_sc=False),
    )
    def gather_k(table_hbm, idx_hbm, out_hbm, idx_v, rows_v, sem):
        wid = lax.axis_index("s") * nc + lax.axis_index("c")
        base = wid * per_w
        pltpu.sync_copy(idx_hbm.at[wid], idx_v)
        cps = []
        for i in range(chunks):
            cps.append(pltpu.async_copy(
                table_hbm.at[idx_v.at[i]],
                rows_v.at[pl.ds(i * _IDX_CHUNK, _IDX_CHUNK)],
                sem,
            ))
        for cp in cps:
            cp.wait()
        pltpu.sync_copy(rows_v, out_hbm.at[pl.ds(base, per_w)])

    return gather_k(table, idx3)



_TDIMS = (((0,), (0,)), ((), ()))
_TDIMS_X = (((0,), (1,)), ((), ()))


def _mega_body(x_ref, w1_ref, b1c_ref, b2m_ref, b2t_ref, w2t_ref, w2_hbm,
               logits_hbm, probas_hbm,
               w2_buf, out_buf, tail_buf, in_sem, out_sem, tail_sem):
    ht = jnp.maximum(
        lax.dot_general(w1_ref[...], x_ref[...], _TDIMS_X,
                        preferred_element_type=jnp.float32)
        + b1c_ref[...], 0.0)

    def in_cp(j, slot):
        return pltpu.make_async_copy(
            w2_hbm.at[:, pl.ds(pl.multiple_of(j * _CH, _CH), _CH)],
            w2_buf.at[slot],
            in_sem.at[slot])

    def out_cp(hbm, j, slot, q):
        return pltpu.make_async_copy(
            out_buf.at[slot, pl.ds(q * _HROWS, _HROWS)],
            hbm.at[pl.ds(j * _CH + q * _HROWS, _HROWS)],
            out_sem.at[slot, q])

    def tail_cp(hbm, half):
        return pltpu.make_async_copy(
            tail_buf.at[pl.ds(half * (_TAILW // 2), _TAILW // 2)],
            hbm.at[pl.ds(_MAIN + half * (_TAILW // 2), _TAILW // 2)],
            tail_sem.at[half])

    def sweep(out_hbm, stats, fin, carry0):
        for r in range(_NSLOT):
            in_cp(r, r).start()
        ttile = lax.dot_general(w2t_ref[...], ht, _TDIMS,
                                preferred_element_type=jnp.float32)
        ttile = fin(ttile + b2t_ref[...])
        tail_buf[...] = ttile
        tail_cp(out_hbm, 0).start()
        tail_cp(out_hbm, 1).start()
        if stats:
            m0 = jnp.max(ttile, axis=0, keepdims=True)
            s0 = jnp.sum(jnp.exp(ttile - m0), axis=0, keepdims=True)
            carry0 = (m0, s0)

        def step(k, carry):
            for r in range(_NSLOT):
                j = k * _NSLOT + r
                in_cp(j, r).wait()
                tile = lax.dot_general(w2_buf[r, :, :], ht, _TDIMS,
                                       preferred_element_type=jnp.float32)
                tile = fin(tile + jnp.transpose(b2m_ref[pl.ds(j, 1), :]))

                @pl.when(k >= 1)
                def _():
                    for q in range(4):
                        out_cp(out_hbm, j, r, q).wait()

                out_buf[r, :, :] = tile
                for q in range(4):
                    out_cp(out_hbm, j, r, q).start()

                @pl.when(k < _NFULL // _NSLOT - 1)
                def _():
                    in_cp(j + _NSLOT, r).start()

                if stats:
                    m, s = carry
                    tmax = jnp.max(tile, axis=0, keepdims=True)
                    m_new = jnp.maximum(m, tmax)
                    s = (s * jnp.exp(m - m_new)
                         + jnp.sum(jnp.exp(tile - m_new), axis=0,
                                   keepdims=True))
                    carry = (m_new, s)
            return carry

        carry = lax.fori_loop(0, _NFULL // _NSLOT, step, carry0)
        return carry

    def drain(out_hbm):
        for r in range(_NSLOT):
            for q in range(4):
                out_cp(out_hbm, _NFULL - _NSLOT + r, r, q).wait()
        tail_cp(out_hbm, 0).wait()
        tail_cp(out_hbm, 1).wait()

    m, s = sweep(logits_hbm, True, lambda t: t, None)
    logz = m + jnp.log(s)
    drain(logits_hbm)
    sweep(probas_hbm, False, lambda t: t - logz, 0)
    drain(probas_hbm)


def _mega(x, w1, b1c, b2m, b2t, w2t, w2):
    return pl.pallas_call(
        _mega_body,
        in_specs=[
            pl.BlockSpec(memory_space=pltpu.MemorySpace.VMEM),
            pl.BlockSpec(memory_space=pltpu.MemorySpace.VMEM),
            pl.BlockSpec(memory_space=pltpu.MemorySpace.VMEM),
            pl.BlockSpec(memory_space=pltpu.MemorySpace.VMEM),
            pl.BlockSpec(memory_space=pltpu.MemorySpace.VMEM),
            pl.BlockSpec(memory_space=pltpu.MemorySpace.VMEM),
            pl.BlockSpec(memory_space=pltpu.MemorySpace.HBM),
        ],
        out_specs=[
            pl.BlockSpec(memory_space=pltpu.MemorySpace.HBM),
            pl.BlockSpec(memory_space=pltpu.MemorySpace.HBM),
        ],
        out_shape=[
            jax.ShapeDtypeStruct((_VOCAB, _BATCH), jnp.float32),
            jax.ShapeDtypeStruct((_VOCAB, _BATCH), jnp.float32),
        ],
        scratch_shapes=[
            pltpu.VMEM((_NSLOT, _HID, _CH), jnp.float32),
            pltpu.VMEM((_NSLOT, _CH, _BATCH), jnp.float32),
            pltpu.VMEM((_TAILW, _BATCH), jnp.float32),
            pltpu.SemaphoreType.DMA((_NSLOT,)),
            pltpu.SemaphoreType.DMA((_NSLOT, 4)),
            pltpu.SemaphoreType.DMA((2,)),
        ],
        compiler_params=pltpu.CompilerParams(
            vmem_limit_bytes=63 * 1024 * 1024),
    )(x, w1, b1c, b2m, b2t, w2t, w2)



def kernel(inputs, embed_table, W1, b1, W2, b2):
    idx = inputs.reshape(-1).astype(jnp.int32)
    x = _sc_gather(embed_table, idx)
    x = x.reshape(_BATCH, _CTX * _EMBED)
    b1c = b1.reshape(_HID, 1)
    b2m = b2[:_MAIN].reshape(_NFULL, _CH)
    b2t = b2[_MAIN:].reshape(_TAILW, 1)
    w2t = W2[:, _MAIN:]
    logitsT, probasT = _mega(x, W1, b1c, b2m, b2t, w2t, W2)
    return (logitsT.T, probasT.T)

# --- scband reference (transcript-rebuilt; emitter-appended) ---
"""Pipeline reference for scband-ngram-lm-22806276341811 (READ-ONLY COPY).

The authoritative reference and input builder live on the scoring server;
editing this copy changes nothing except your own understanding.
"""

import jax, jax.numpy as jnp
import numpy as np

VOCAB = 100000
EMBED_DIM = 64
CONTEXT = 20
HIDDEN = 256
BATCH = 1024

def setup_inputs(seed: int = 0) -> dict:
    key = jax.random.key(seed)
    k1, k2, k3, k4 = jax.random.split(key, 4)
    inputs = jax.random.randint(k1, (BATCH, CONTEXT), 0, VOCAB, dtype=jnp.int64) if jax.config.jax_enable_x64 else jax.random.randint(k1, (BATCH, CONTEXT), 0, VOCAB, dtype=jnp.int32)
    embed_table = jax.random.normal(k2, (VOCAB, EMBED_DIM), dtype=jnp.float32) * 0.02
    W1 = jax.random.normal(k3, (CONTEXT * EMBED_DIM, HIDDEN), dtype=jnp.float32) * 0.02
    b1 = jnp.zeros((HIDDEN,), dtype=jnp.float32)
    W2 = jax.random.normal(k4, (HIDDEN, VOCAB), dtype=jnp.float32) * 0.02
    b2 = jnp.zeros((VOCAB,), dtype=jnp.float32)
    return {"inputs": inputs, "embed_table": embed_table, "W1": W1, "b1": b1, "W2": W2, "b2": b2}

def reference(inputs, embed_table, W1, b1, W2, b2):
    # nn.Embedding lookup -> gather rows
    embed = jnp.take(embed_table, inputs, axis=0)            # [B, CONTEXT, EMBED_DIM]
    embed = embed.reshape((embed.shape[0], -1))              # [B, CONTEXT*EMBED_DIM]
    # fnn: Linear -> ReLU -> Linear
    h = jnp.maximum(embed @ W1 + b1, 0.0)                    # [B, HIDDEN]
    logits = h @ W2 + b2                                     # [B, VOCAB]
    # F.log_softmax with inferred dim (dim=1 for 2D input)
    probas = jax.nn.log_softmax(logits, axis=-1)
    return (logits, probas)

if __name__ == "__main__":
    import jax
    _d = setup_inputs()
    print(jax.jit(kernel)(*tuple(_d.values())))

</pallas_src>

<mosaic_0001>
#map = affine_map<(d0, d1) -> (0, 0)>
#map1 = affine_map<(d0, d1) -> (0, 0, 0)>
module attributes {stable_mosaic.version = 14 : i64} {
  func.func @gather_k(%arg0: i32, %arg1: i32, %arg2: memref<100000x64xf32, #tpu.memory_space<hbm>>, %arg3: memref<32x5x128xi32, #tpu.memory_space<hbm>>, %arg4: memref<20480x64xf32, #tpu.memory_space<hbm>>, %arg5: memref<5x128xi32, #tpu.memory_space<vmem>>, %arg6: memref<640x64xf32, #tpu.memory_space<vmem>>, %arg7: memref<!tpu.dma_semaphore, #tpu.memory_space<semaphore_mem>>) attributes {dimension_semantics = [#tpu.dimension_semantics<core_parallel>, #tpu.dimension_semantics<subcore_parallel>], iteration_bounds = array<i64: 2, 16>, scalar_prefetch = 0 : i64, scratch_operands = 3 : i64, tpu.core_type = #tpu.core_type<sc_vector_subcore>, window_params = [{transform_indices = #map}, {transform_indices = #map1}, {transform_indices = #map}]} {
    %mul3A = arith.constant 2 : i32
    %mul3A_0 = arith.muli %arg1, %mul3A : i32
    %add3A = arith.addi %mul3A_0, %arg0 : i32
    %mul3A_1 = arith.constant 640 : i32
    %mul3A_2 = arith.muli %add3A, %mul3A_1 : i32
    "tpu.region"() ({
      %run_scoped3A = tpu.sem_alloc : memref<!tpu.dma_semaphore, #tpu.memory_space<semaphore_mem>>
      %dma_start3A_101 = arith.constant 0 : i32
      %dma_start3A_102 = arith.constant 0 : i32
      %dma_start3A_103 = tpu.memref_slice %arg3[%add3A, %dma_start3A_101, %dma_start3A_102] : memref<32x5x128xi32, #tpu.memory_space<hbm>> -> memref<1x5x128xi32, #tpu.memory_space<hbm>>
      %dma_start3A_104 = tpu.memref_squeeze %dma_start3A_103 : memref<1x5x128xi32, #tpu.memory_space<hbm>> -> memref<5x128xi32, #tpu.memory_space<hbm>>
      %dma_start3A_105 = arith.constant 0 : i32
      %dma_start3A_106 = arith.constant 0 : i32
      %dma_start3A_107 = tpu.memref_slice %arg3[%add3A, %dma_start3A_105, %dma_start3A_106] : memref<32x5x128xi32, #tpu.memory_space<hbm>> -> memref<1x5x128xi32, #tpu.memory_space<hbm>>
      %dma_start3A_108 = tpu.memref_squeeze %dma_start3A_107 : memref<1x5x128xi32, #tpu.memory_space<hbm>> -> memref<5x128xi32, #tpu.memory_space<hbm>>
      tpu.enqueue_dma source(%dma_start3A_108 : memref<5x128xi32, #tpu.memory_space<hbm>>) target(%arg5 : memref<5x128xi32, #tpu.memory_space<vmem>>) target_semaphore(%run_scoped3A : memref<!tpu.dma_semaphore, #tpu.memory_space<semaphore_mem>>)
      %dma_wait3A_109 = arith.constant 0 : i32
      %dma_wait3A_110 = arith.constant 0 : i32
      %dma_wait3A_111 = tpu.memref_slice %arg3[%add3A, %dma_wait3A_109, %dma_wait3A_110] : memref<32x5x128xi32, #tpu.memory_space<hbm>> -> memref<1x5x128xi32, #tpu.memory_space<hbm>>
      %dma_wait3A_112 = tpu.memref_squeeze %dma_wait3A_111 : memref<1x5x128xi32, #tpu.memory_space<hbm>> -> memref<5x128xi32, #tpu.memory_space<hbm>>
      %dma_wait3A_113 = arith.constant 0 : i32
      %dma_wait3A_114 = arith.constant 0 : i32
      %dma_wait3A_115 = tpu.memref_slice %arg3[%add3A, %dma_wait3A_113, %dma_wait3A_114] : memref<32x5x128xi32, #tpu.memory_space<hbm>> -> memref<1x5x128xi32, #tpu.memory_space<hbm>>
      %dma_wait3A_116 = tpu.memref_squeeze %dma_wait3A_115 : memref<1x5x128xi32, #tpu.memory_space<hbm>> -> memref<5x128xi32, #tpu.memory_space<hbm>>
      tpu.wait_dma2 semaphore(%run_scoped3A : memref<!tpu.dma_semaphore, #tpu.memory_space<semaphore_mem>>) src(%dma_wait3A_116 : memref<5x128xi32, #tpu.memory_space<hbm>>) dst(%arg5 : memref<5x128xi32, #tpu.memory_space<vmem>>)
      tpu.yield
    }) : () -> ()
    %dma_start3A = arith.constant 0 : i32
    %dma_start3A_3 = arith.constant 0 : i32
    %dma_start3A_4 = arith.constant 0 : i32
    %dma_start3A_5 = tpu.memref_slice %arg6[%dma_start3A_3, %dma_start3A_4] : memref<640x64xf32, #tpu.memory_space<vmem>> -> memref<128x64xf32, #tpu.memory_space<vmem>>
    %dma_start3A_6 = arith.constant 0 : i32
    %dma_start3A_7 = tpu.memref_slice %arg5[%dma_start3A, %dma_start3A_6] : memref<5x128xi32, #tpu.memory_space<vmem>> -> memref<1x128xi32, #tpu.memory_space<vmem>>
    %dma_start3A_8 = tpu.memref_squeeze %dma_start3A_7 : memref<1x128xi32, #tpu.memory_space<vmem>> -> memref<128xi32, #tpu.memory_space<vmem>>
    %dma_start3A_9 = arith.constant 0 : i32
    %dma_start3A_10 = arith.constant 0 : i32
    %dma_start3A_11 = tpu.memref_slice %arg2[%dma_start3A_9, %dma_start3A_10] : memref<100000x64xf32, #tpu.memory_space<hbm>> -> memref<100000x64xf32, #tpu.memory_space<hbm>>
    tpu.enqueue_indirect_dma source(%dma_start3A_11 : memref<100000x64xf32, #tpu.memory_space<hbm>>) target(%dma_start3A_5 : memref<128x64xf32, #tpu.memory_space<vmem>>) offsets(%dma_start3A_8 : memref<128xi32, #tpu.memory_space<vmem>>) semaphore(%arg7 : memref<!tpu.dma_semaphore, #tpu.memory_space<semaphore_mem>>)
    %dma_start3A_12 = arith.constant 1 : i32
    %dma_start3A_13 = arith.constant 128 : i32
    %dma_start3A_14 = arith.constant 0 : i32
    %dma_start3A_15 = tpu.memref_slice %arg6[%dma_start3A_13, %dma_start3A_14] : memref<640x64xf32, #tpu.memory_space<vmem>> -> memref<128x64xf32, #tpu.memory_space<vmem>>
    %dma_start3A_16 = arith.constant 0 : i32
    %dma_start3A_17 = tpu.memref_slice %arg5[%dma_start3A_12, %dma_start3A_16] : memref<5x128xi32, #tpu.memory_space<vmem>> -> memref<1x128xi32, #tpu.memory_space<vmem>>
    %dma_start3A_18 = tpu.memref_squeeze %dma_start3A_17 : memref<1x128xi32, #tpu.memory_space<vmem>> -> memref<128xi32, #tpu.memory_space<vmem>>
    %dma_start3A_19 = arith.constant 0 : i32
    %dma_start3A_20 = arith.constant 0 : i32
    %dma_start3A_21 = tpu.memref_slice %arg2[%dma_start3A_19, %dma_start3A_20] : memref<100000x64xf32, #tpu.memory_space<hbm>> -> memref<100000x64xf32, #tpu.memory_space<hbm>>
    tpu.enqueue_indirect_dma source(%dma_start3A_21 : memref<100000x64xf32, #tpu.memory_space<hbm>>) target(%dma_start3A_15 : memref<128x64xf32, #tpu.memory_space<vmem>>) offsets(%dma_start3A_18 : memref<128xi32, #tpu.memory_space<vmem>>) semaphore(%arg7 : memref<!tpu.dma_semaphore, #tpu.memory_space<semaphore_mem>>)
    %dma_start3A_22 = arith.constant 2 : i32
    %dma_start3A_23 = arith.constant 256 : i32
    %dma_start3A_24 = arith.constant 0 : i32
    %dma_start3A_25 = tpu.memref_slice %arg6[%dma_start3A_23, %dma_start3A_24] : memref<640x64xf32, #tpu.memory_space<vmem>> -> memref<128x64xf32, #tpu.memory_space<vmem>>
    %dma_start3A_26 = arith.constant 0 : i32
    %dma_start3A_27 = tpu.memref_slice %arg5[%dma_start3A_22, %dma_start3A_26] : memref<5x128xi32, #tpu.memory_space<vmem>> -> memref<1x128xi32, #tpu.memory_space<vmem>>
    %dma_start3A_28 = tpu.memref_squeeze %dma_start3A_27 : memref<1x128xi32, #tpu.memory_space<vmem>> -> memref<128xi32, #tpu.memory_space<vmem>>
    %dma_start3A_29 = arith.constant 0 : i32
    %dma_start3A_30 = arith.constant 0 : i32
    %dma_start3A_31 = tpu.memref_slice %arg2[%dma_start3A_29, %dma_start3A_30] : memref<100000x64xf32, #tpu.memory_space<hbm>> -> memref<100000x64xf32, #tpu.memory_space<hbm>>
    tpu.enqueue_indirect_dma source(%dma_start3A_31 : memref<100000x64xf32, #tpu.memory_space<hbm>>) target(%dma_start3A_25 : memref<128x64xf32, #tpu.memory_space<vmem>>) offsets(%dma_start3A_28 : memref<128xi32, #tpu.memory_space<vmem>>) semaphore(%arg7 : memref<!tpu.dma_semaphore, #tpu.memory_space<semaphore_mem>>)
    %dma_start3A_32 = arith.constant 3 : i32
    %dma_start3A_33 = arith.constant 384 : i32
    %dma_start3A_34 = arith.constant 0 : i32
    %dma_start3A_35 = tpu.memref_slice %arg6[%dma_start3A_33, %dma_start3A_34] : memref<640x64xf32, #tpu.memory_space<vmem>> -> memref<128x64xf32, #tpu.memory_space<vmem>>
    %dma_start3A_36 = arith.constant 0 : i32
    %dma_start3A_37 = tpu.memref_slice %arg5[%dma_start3A_32, %dma_start3A_36] : memref<5x128xi32, #tpu.memory_space<vmem>> -> memref<1x128xi32, #tpu.memory_space<vmem>>
    %dma_start3A_38 = tpu.memref_squeeze %dma_start3A_37 : memref<1x128xi32, #tpu.memory_space<vmem>> -> memref<128xi32, #tpu.memory_space<vmem>>
    %dma_start3A_39 = arith.constant 0 : i32
    %dma_start3A_40 = arith.constant 0 : i32
    %dma_start3A_41 = tpu.memref_slice %arg2[%dma_start3A_39, %dma_start3A_40] : memref<100000x64xf32, #tpu.memory_space<hbm>> -> memref<100000x64xf32, #tpu.memory_space<hbm>>
    tpu.enqueue_indirect_dma source(%dma_start3A_41 : memref<100000x64xf32, #tpu.memory_space<hbm>>) target(%dma_start3A_35 : memref<128x64xf32, #tpu.memory_space<vmem>>) offsets(%dma_start3A_38 : memref<128xi32, #tpu.memory_space<vmem>>) semaphore(%arg7 : memref<!tpu.dma_semaphore, #tpu.memory_space<semaphore_mem>>)
    %dma_start3A_42 = arith.constant 4 : i32
    %dma_start3A_43 = arith.constant 512 : i32
    %dma_start3A_44 = arith.constant 0 : i32
    %dma_start3A_45 = tpu.memref_slice %arg6[%dma_start3A_43, %dma_start3A_44] : memref<640x64xf32, #tpu.memory_space<vmem>> -> memref<128x64xf32, #tpu.memory_space<vmem>>
    %dma_start3A_46 = arith.constant 0 : i32
    %dma_start3A_47 = tpu.memref_slice %arg5[%dma_start3A_42, %dma_start3A_46] : memref<5x128xi32, #tpu.memory_space<vmem>> -> memref<1x128xi32, #tpu.memory_space<vmem>>
    %dma_start3A_48 = tpu.memref_squeeze %dma_start3A_47 : memref<1x128xi32, #tpu.memory_space<vmem>> -> memref<128xi32, #tpu.memory_space<vmem>>
    %dma_start3A_49 = arith.constant 0 : i32
    %dma_start3A_50 = arith.constant 0 : i32
    %dma_start3A_51 = tpu.memref_slice %arg2[%dma_start3A_49, %dma_start3A_50] : memref<100000x64xf32, #tpu.memory_space<hbm>> -> memref<100000x64xf32, #tpu.memory_space<hbm>>
    tpu.enqueue_indirect_dma source(%dma_start3A_51 : memref<100000x64xf32, #tpu.memory_space<hbm>>) target(%dma_start3A_45 : memref<128x64xf32, #tpu.memory_space<vmem>>) offsets(%dma_start3A_48 : memref<128xi32, #tpu.memory_space<vmem>>) semaphore(%arg7 : memref<!tpu.dma_semaphore, #tpu.memory_space<semaphore_mem>>)
    %dma_wait3A = arith.constant 0 : i32
    %dma_wait3A_52 = arith.constant 0 : i32
    %dma_wait3A_53 = arith.constant 0 : i32
    %dma_wait3A_54 = tpu.memref_slice %arg6[%dma_wait3A_52, %dma_wait3A_53] : memref<640x64xf32, #tpu.memory_space<vmem>> -> memref<128x64xf32, #tpu.memory_space<vmem>>
    %dma_wait3A_55 = arith.constant 0 : i32
    %dma_wait3A_56 = tpu.memref_slice %arg5[%dma_wait3A, %dma_wait3A_55] : memref<5x128xi32, #tpu.memory_space<vmem>> -> memref<1x128xi32, #tpu.memory_space<vmem>>
    %dma_wait3A_57 = tpu.memref_squeeze %dma_wait3A_56 : memref<1x128xi32, #tpu.memory_space<vmem>> -> memref<128xi32, #tpu.memory_space<vmem>>
    %dma_wait3A_58 = arith.constant 0 : i32
    %dma_wait3A_59 = arith.constant 0 : i32
    %dma_wait3A_60 = tpu.memref_slice %arg2[%dma_wait3A_58, %dma_wait3A_59] : memref<100000x64xf32, #tpu.memory_space<hbm>> -> memref<100000x64xf32, #tpu.memory_space<hbm>>
    tpu.wait_indirect_dma semaphore(%arg7 : memref<!tpu.dma_semaphore, #tpu.memory_space<semaphore_mem>>) src(%dma_wait3A_60 : memref<100000x64xf32, #tpu.memory_space<hbm>>) dst(%dma_wait3A_54 : memref<128x64xf32, #tpu.memory_space<vmem>>)
    %dma_wait3A_61 = arith.constant 1 : i32
    %dma_wait3A_62 = arith.constant 128 : i32
    %dma_wait3A_63 = arith.constant 0 : i32
    %dma_wait3A_64 = tpu.memref_slice %arg6[%dma_wait3A_62, %dma_wait3A_63] : memref<640x64xf32, #tpu.memory_space<vmem>> -> memref<128x64xf32, #tpu.memory_space<vmem>>
    %dma_wait3A_65 = arith.constant 0 : i32
    %dma_wait3A_66 = tpu.memref_slice %arg5[%dma_wait3A_61, %dma_wait3A_65] : memref<5x128xi32, #tpu.memory_space<vmem>> -> memref<1x128xi32, #tpu.memory_space<vmem>>
    %dma_wait3A_67 = tpu.memref_squeeze %dma_wait3A_66 : memref<1x128xi32, #tpu.memory_space<vmem>> -> memref<128xi32, #tpu.memory_space<vmem>>
    %dma_wait3A_68 = arith.constant 0 : i32
    %dma_wait3A_69 = arith.constant 0 : i32
    %dma_wait3A_70 = tpu.memref_slice %arg2[%dma_wait3A_68, %dma_wait3A_69] : memref<100000x64xf32, #tpu.memory_space<hbm>> -> memref<100000x64xf32, #tpu.memory_space<hbm>>
    tpu.wait_indirect_dma semaphore(%arg7 : memref<!tpu.dma_semaphore, #tpu.memory_space<semaphore_mem>>) src(%dma_wait3A_70 : memref<100000x64xf32, #tpu.memory_space<hbm>>) dst(%dma_wait3A_64 : memref<128x64xf32, #tpu.memory_space<vmem>>)
    %dma_wait3A_71 = arith.constant 2 : i32
    %dma_wait3A_72 = arith.constant 256 : i32
    %dma_wait3A_73 = arith.constant 0 : i32
    %dma_wait3A_74 = tpu.memref_slice %arg6[%dma_wait3A_72, %dma_wait3A_73] : memref<640x64xf32, #tpu.memory_space<vmem>> -> memref<128x64xf32, #tpu.memory_space<vmem>>
    %dma_wait3A_75 = arith.constant 0 : i32
    %dma_wait3A_76 = tpu.memref_slice %arg5[%dma_wait3A_71, %dma_wait3A_75] : memref<5x128xi32, #tpu.memory_space<vmem>> -> memref<1x128xi32, #tpu.memory_space<vmem>>
    %dma_wait3A_77 = tpu.memref_squeeze %dma_wait3A_76 : memref<1x128xi32, #tpu.memory_space<vmem>> -> memref<128xi32, #tpu.memory_space<vmem>>
    %dma_wait3A_78 = arith.constant 0 : i32
    %dma_wait3A_79 = arith.constant 0 : i32
    %dma_wait3A_80 = tpu.memref_slice %arg2[%dma_wait3A_78, %dma_wait3A_79] : memref<100000x64xf32, #tpu.memory_space<hbm>> -> memref<100000x64xf32, #tpu.memory_space<hbm>>
    tpu.wait_indirect_dma semaphore(%arg7 : memref<!tpu.dma_semaphore, #tpu.memory_space<semaphore_mem>>) src(%dma_wait3A_80 : memref<100000x64xf32, #tpu.memory_space<hbm>>) dst(%dma_wait3A_74 : memref<128x64xf32, #tpu.memory_space<vmem>>)
    %dma_wait3A_81 = arith.constant 3 : i32
    %dma_wait3A_82 = arith.constant 384 : i32
    %dma_wait3A_83 = arith.constant 0 : i32
    %dma_wait3A_84 = tpu.memref_slice %arg6[%dma_wait3A_82, %dma_wait3A_83] : memref<640x64xf32, #tpu.memory_space<vmem>> -> memref<128x64xf32, #tpu.memory_space<vmem>>
    %dma_wait3A_85 = arith.constant 0 : i32
    %dma_wait3A_86 = tpu.memref_slice %arg5[%dma_wait3A_81, %dma_wait3A_85] : memref<5x128xi32, #tpu.memory_space<vmem>> -> memref<1x128xi32, #tpu.memory_space<vmem>>
    %dma_wait3A_87 = tpu.memref_squeeze %dma_wait3A_86 : memref<1x128xi32, #tpu.memory_space<vmem>> -> memref<128xi32, #tpu.memory_space<vmem>>
    %dma_wait3A_88 = arith.constant 0 : i32
    %dma_wait3A_89 = arith.constant 0 : i32
    %dma_wait3A_90 = tpu.memref_slice %arg2[%dma_wait3A_88, %dma_wait3A_89] : memref<100000x64xf32, #tpu.memory_space<hbm>> -> memref<100000x64xf32, #tpu.memory_space<hbm>>
    tpu.wait_indirect_dma semaphore(%arg7 : memref<!tpu.dma_semaphore, #tpu.memory_space<semaphore_mem>>) src(%dma_wait3A_90 : memref<100000x64xf32, #tpu.memory_space<hbm>>) dst(%dma_wait3A_84 : memref<128x64xf32, #tpu.memory_space<vmem>>)
    %dma_wait3A_91 = arith.constant 4 : i32
    %dma_wait3A_92 = arith.constant 512 : i32
    %dma_wait3A_93 = arith.constant 0 : i32
    %dma_wait3A_94 = tpu.memref_slice %arg6[%dma_wait3A_92, %dma_wait3A_93] : memref<640x64xf32, #tpu.memory_space<vmem>> -> memref<128x64xf32, #tpu.memory_space<vmem>>
    %dma_wait3A_95 = arith.constant 0 : i32
    %dma_wait3A_96 = tpu.memref_slice %arg5[%dma_wait3A_91, %dma_wait3A_95] : memref<5x128xi32, #tpu.memory_space<vmem>> -> memref<1x128xi32, #tpu.memory_space<vmem>>
    %dma_wait3A_97 = tpu.memref_squeeze %dma_wait3A_96 : memref<1x128xi32, #tpu.memory_space<vmem>> -> memref<128xi32, #tpu.memory_space<vmem>>
    %dma_wait3A_98 = arith.constant 0 : i32
    %dma_wait3A_99 = arith.constant 0 : i32
    %dma_wait3A_100 = tpu.memref_slice %arg2[%dma_wait3A_98, %dma_wait3A_99] : memref<100000x64xf32, #tpu.memory_space<hbm>> -> memref<100000x64xf32, #tpu.memory_space<hbm>>
    tpu.wait_indirect_dma semaphore(%arg7 : memref<!tpu.dma_semaphore, #tpu.memory_space<semaphore_mem>>) src(%dma_wait3A_100 : memref<100000x64xf32, #tpu.memory_space<hbm>>) dst(%dma_wait3A_94 : memref<128x64xf32, #tpu.memory_space<vmem>>)
    "tpu.region"() ({
      %run_scoped3A = tpu.sem_alloc : memref<!tpu.dma_semaphore, #tpu.memory_space<semaphore_mem>>
      %dma_start3A_101 = arith.constant 0 : i32
      %dma_start3A_102 = tpu.memref_slice %arg4[%mul3A_2, %dma_start3A_101] : memref<20480x64xf32, #tpu.memory_space<hbm>> -> memref<640x64xf32, #tpu.memory_space<hbm>>
      %dma_start3A_103 = arith.constant 0 : i32
      %dma_start3A_104 = tpu.memref_slice %arg4[%mul3A_2, %dma_start3A_103] : memref<20480x64xf32, #tpu.memory_space<hbm>> -> memref<640x64xf32, #tpu.memory_space<hbm>>
      tpu.enqueue_dma source(%arg6 : memref<640x64xf32, #tpu.memory_space<vmem>>) target(%dma_start3A_104 : memref<640x64xf32, #tpu.memory_space<hbm>>) target_semaphore(%run_scoped3A : memref<!tpu.dma_semaphore, #tpu.memory_space<semaphore_mem>>)
      %dma_wait3A_105 = arith.constant 0 : i32
      %dma_wait3A_106 = tpu.memref_slice %arg4[%mul3A_2, %dma_wait3A_105] : memref<20480x64xf32, #tpu.memory_space<hbm>> -> memref<640x64xf32, #tpu.memory_space<hbm>>
      %dma_wait3A_107 = arith.constant 0 : i32
      %dma_wait3A_108 = tpu.memref_slice %arg4[%mul3A_2, %dma_wait3A_107] : memref<20480x64xf32, #tpu.memory_space<hbm>> -> memref<640x64xf32, #tpu.memory_space<hbm>>
      tpu.wait_dma2 semaphore(%run_scoped3A : memref<!tpu.dma_semaphore, #tpu.memory_space<semaphore_mem>>) src(%arg6 : memref<640x64xf32, #tpu.memory_space<vmem>>) dst(%dma_wait3A_108 : memref<640x64xf32, #tpu.memory_space<hbm>>)
      tpu.yield
    }) : () -> ()
    return
  }
}

module attributes {stable_mosaic.version = 14 : i64} {
  func.func @_mega_body(%arg0: memref<1024x1280xf32, #tpu.memory_space<vmem>>, %arg1: memref<1280x256xf32, #tpu.memory_space<vmem>>, %arg2: memref<256x1xf32, #tpu.memory_space<vmem>>, %arg3: memref<48x2048xf32, #tpu.memory_space<vmem>>, %arg4: memref<1696x1xf32, #tpu.memory_space<vmem>>, %arg5: memref<256x1696xf32, #tpu.memory_space<vmem>>, %arg6: memref<256x100000xf32, #tpu.memory_space<hbm>>, %arg7: memref<100000x1024xf32, #tpu.memory_space<hbm>>, %arg8: memref<100000x1024xf32, #tpu.memory_space<hbm>>, %arg9: memref<3x256x2048xf32, #tpu.memory_space<vmem>>, %arg10: memref<3x2048x1024xf32, #tpu.memory_space<vmem>>, %arg11: memref<1696x1024xf32, #tpu.memory_space<vmem>>, %arg12: memref<3x!tpu.dma_semaphore, #tpu.memory_space<semaphore_mem>>, %arg13: memref<3x4x!tpu.dma_semaphore, #tpu.memory_space<semaphore_mem>>, %arg14: memref<2x!tpu.dma_semaphore, #tpu.memory_space<semaphore_mem>>) attributes {dimension_semantics = [], scalar_prefetch = 0 : i64, scratch_operands = 6 : i64, tpu.core_type = #tpu.core_type<tc>} {
    %get3A = arith.constant 0 : index
    %get3A_0 = arith.constant 0 : index
    %get3A_1 = vector.load %arg1[%get3A, %get3A_0] : memref<1280x256xf32, #tpu.memory_space<vmem>>, vector<1280x256xf32>
    %get3A_2 = arith.constant 0 : index
    %get3A_3 = arith.constant 0 : index
    %get3A_4 = vector.load %arg0[%get3A_2, %get3A_3] : memref<1024x1280xf32, #tpu.memory_space<vmem>>, vector<1024x1280xf32>
    %dot_general3A = arith.constant dense<0.000000e+00> : vector<256x1024xf32>
    %dot_general3A_5 = tpu.matmul %get3A_1, %get3A_4, %dot_general3A {dimension_numbers = #tpu.dot_dimension_numbers<[0], [1], [1], [0], [0, 1, 1, 0], [], []>, transpose_lhs_hint = false} : vector<1280x256xf32>, vector<1024x1280xf32>, vector<256x1024xf32> -> vector<256x1024xf32>
    %get3A_6 = arith.constant 0 : index
    %get3A_7 = arith.constant 0 : index
    %get3A_8 = vector.load %arg2[%get3A_6, %get3A_7] : memref<256x1xf32, #tpu.memory_space<vmem>>, vector<256x1xf32>
    %add3A = vector.broadcast %get3A_8 : vector<256x1xf32> to vector<256x1024xf32>
    %add3A_9 = arith.addf %dot_general3A_5, %add3A : vector<256x1024xf32>
    %max3A = arith.constant 0.000000e+00 : f32
    %max3A_10 = vector.broadcast %max3A : f32 to vector<256x1024xf32>
    %max3A_11 = arith.maximumf %add3A_9, %max3A_10 : vector<256x1024xf32>
    %multiple_of3A = arith.constant 0 : i32
    %multiple_of3A_12 = tpu.assume_multiple %multiple_of3A, 2048 : i32
    %dma_start3A = arith.constant 0 : i32
    %dma_start3A_13 = arith.constant 0 : i32
    %dma_start3A_14 = tpu.memref_slice %arg12[%dma_start3A_13] : memref<3x!tpu.dma_semaphore, #tpu.memory_space<semaphore_mem>> -> memref<1x!tpu.dma_semaphore, #tpu.memory_space<semaphore_mem>>
    %dma_start3A_15 = tpu.memref_squeeze %dma_start3A_14 : memref<1x!tpu.dma_semaphore, #tpu.memory_space<semaphore_mem>> -> memref<!tpu.dma_semaphore, #tpu.memory_space<semaphore_mem>>
    %dma_start3A_16 = arith.constant 0 : i32
    %dma_start3A_17 = arith.constant 0 : i32
    %dma_start3A_18 = tpu.memref_slice %arg9[%dma_start3A, %dma_start3A_16, %dma_start3A_17] : memref<3x256x2048xf32, #tpu.memory_space<vmem>> -> memref<1x256x2048xf32, #tpu.memory_space<vmem>>
    %dma_start3A_19 = tpu.memref_squeeze %dma_start3A_18 : memref<1x256x2048xf32, #tpu.memory_space<vmem>> -> memref<256x2048xf32, #tpu.memory_space<vmem>>
    %dma_start3A_20 = arith.constant 0 : i32
    %dma_start3A_21 = tpu.memref_slice %arg6[%dma_start3A_20, %multiple_of3A_12] : memref<256x100000xf32, #tpu.memory_space<hbm>> -> memref<256x2048xf32, #tpu.memory_space<hbm>>
    tpu.enqueue_dma source(%dma_start3A_21 : memref<256x2048xf32, #tpu.memory_space<hbm>>) target(%dma_start3A_19 : memref<256x2048xf32, #tpu.memory_space<vmem>>) target_semaphore(%dma_start3A_15 : memref<!tpu.dma_semaphore, #tpu.memory_space<semaphore_mem>>)
    %multiple_of3A_22 = arith.constant 2048 : i32
    %multiple_of3A_23 = tpu.assume_multiple %multiple_of3A_22, 2048 : i32
    %dma_start3A_24 = arith.constant 1 : i32
    %dma_start3A_25 = arith.constant 1 : i32
    %dma_start3A_26 = tpu.memref_slice %arg12[%dma_start3A_25] : memref<3x!tpu.dma_semaphore, #tpu.memory_space<semaphore_mem>> -> memref<1x!tpu.dma_semaphore, #tpu.memory_space<semaphore_mem>>
    %dma_start3A_27 = tpu.memref_squeeze %dma_start3A_26 : memref<1x!tpu.dma_semaphore, #tpu.memory_space<semaphore_mem>> -> memref<!tpu.dma_semaphore, #tpu.memory_space<semaphore_mem>>
    %dma_start3A_28 = arith.constant 0 : i32
    %dma_start3A_29 = arith.constant 0 : i32
    %dma_start3A_30 = tpu.memref_slice %arg9[%dma_start3A_24, %dma_start3A_28, %dma_start3A_29] : memref<3x256x2048xf32, #tpu.memory_space<vmem>> -> memref<1x256x2048xf32, #tpu.memory_space<vmem>>
    %dma_start3A_31 = tpu.memref_squeeze %dma_start3A_30 : memref<1x256x2048xf32, #tpu.memory_space<vmem>> -> memref<256x2048xf32, #tpu.memory_space<vmem>>
    %dma_start3A_32 = arith.constant 0 : i32
    %dma_start3A_33 = tpu.memref_slice %arg6[%dma_start3A_32, %multiple_of3A_23] : memref<256x100000xf32, #tpu.memory_space<hbm>> -> memref<256x2048xf32, #tpu.memory_space<hbm>>
    tpu.enqueue_dma source(%dma_start3A_33 : memref<256x2048xf32, #tpu.memory_space<hbm>>) target(%dma_start3A_31 : memref<256x2048xf32, #tpu.memory_space<vmem>>) target_semaphore(%dma_start3A_27 : memref<!tpu.dma_semaphore, #tpu.memory_space<semaphore_mem>>)
    %multiple_of3A_34 = arith.constant 4096 : i32
    %multiple_of3A_35 = tpu.assume_multiple %multiple_of3A_34, 2048 : i32
    %dma_start3A_36 = arith.constant 2 : i32
    %dma_start3A_37 = arith.constant 2 : i32
    %dma_start3A_38 = tpu.memref_slice %arg12[%dma_start3A_37] : memref<3x!tpu.dma_semaphore, #tpu.memory_space<semaphore_mem>> -> memref<1x!tpu.dma_semaphore, #tpu.memory_space<semaphore_mem>>
    %dma_start3A_39 = tpu.memref_squeeze %dma_start3A_38 : memref<1x!tpu.dma_semaphore, #tpu.memory_space<semaphore_mem>> -> memref<!tpu.dma_semaphore, #tpu.memory_space<semaphore_mem>>
    %dma_start3A_40 = arith.constant 0 : i32
    %dma_start3A_41 = arith.constant 0 : i32
    %dma_start3A_42 = tpu.memref_slice %arg9[%dma_start3A_36, %dma_start3A_40, %dma_start3A_41] : memref<3x256x2048xf32, #tpu.memory_space<vmem>> -> memref<1x256x2048xf32, #tpu.memory_space<vmem>>
    %dma_start3A_43 = tpu.memref_squeeze %dma_start3A_42 : memref<1x256x2048xf32, #tpu.memory_space<vmem>> -> memref<256x2048xf32, #tpu.memory_space<vmem>>
    %dma_start3A_44 = arith.constant 0 : i32
    %dma_start3A_45 = tpu.memref_slice %arg6[%dma_start3A_44, %multiple_of3A_35] : memref<256x100000xf32, #tpu.memory_space<hbm>> -> memref<256x2048xf32, #tpu.memory_space<hbm>>
    tpu.enqueue_dma source(%dma_start3A_45 : memref<256x2048xf32, #tpu.memory_space<hbm>>) target(%dma_start3A_43 : memref<256x2048xf32, #tpu.memory_space<vmem>>) target_semaphore(%dma_start3A_39 : memref<!tpu.dma_semaphore, #tpu.memory_space<semaphore_mem>>)
    %get3A_46 = arith.constant 0 : index
    %get3A_47 = arith.constant 0 : index
    %get3A_48 = vector.load %arg5[%get3A_46, %get3A_47] : memref<256x1696xf32, #tpu.memory_space<vmem>>, vector<256x1696xf32>
    %dot_general3A_49 = arith.constant dense<0.000000e+00> : vector<1696x1024xf32>
    %dot_general3A_50 = tpu.matmul %get3A_48, %max3A_11, %dot_general3A_49 {dimension_numbers = #tpu.dot_dimension_numbers<[0], [0], [1], [1], [0, 1, 1, 1], [], []>, transpose_lhs_hint = false} : vector<256x1696xf32>, vector<256x1024xf32>, vector<1696x1024xf32> -> vector<1696x1024xf32>
    %get3A_51 = arith.constant 0 : index
    %get3A_52 = arith.constant 0 : index
    %get3A_53 = vector.load %arg4[%get3A_51, %get3A_52] : memref<1696x1xf32, #tpu.memory_space<vmem>>, vector<1696x1xf32>
    %add3A_54 = vector.broadcast %get3A_53 : vector<1696x1xf32> to vector<1696x1024xf32>
    %add3A_55 = arith.addf %dot_general3A_50, %add3A_54 : vector<1696x1024xf32>
    %swap3A = arith.constant 0 : index
    %swap3A_56 = arith.constant 0 : index
    %swap3A_57 = vector.load %arg11[%swap3A, %swap3A_56] : memref<1696x1024xf32, #tpu.memory_space<vmem>>, vector<1696x1024xf32>
    tpu.vector_store %arg11[%swap3A, %swap3A_56], %add3A_55 {strides = array<i32>} : memref<1696x1024xf32, #tpu.memory_space<vmem>>, vector<1696x1024xf32>,
    %dma_start3A_58 = arith.constant 0 : i32
    %dma_start3A_59 = tpu.memref_slice %arg14[%dma_start3A_58] : memref<2x!tpu.dma_semaphore, #tpu.memory_space<semaphore_mem>> -> memref<1x!tpu.dma_semaphore, #tpu.memory_space<semaphore_mem>>
    %dma_start3A_60 = tpu.memref_squeeze %dma_start3A_59 : memref<1x!tpu.dma_semaphore, #tpu.memory_space<semaphore_mem>> -> memref<!tpu.dma_semaphore, #tpu.memory_space<semaphore_mem>>
    %dma_start3A_61 = arith.constant 98304 : i32
    %dma_start3A_62 = arith.constant 0 : i32
    %dma_start3A_63 = tpu.memref_slice %arg7[%dma_start3A_61, %dma_start3A_62] : memref<100000x1024xf32, #tpu.memory_space<hbm>> -> memref<848x1024xf32, #tpu.memory_space<hbm>>
    %dma_start3A_64 = arith.constant 0 : i32
    %dma_start3A_65 = arith.constant 0 : i32
    %dma_start3A_66 = tpu.memref_slice %arg11[%dma_start3A_64, %dma_start3A_65] : memref<1696x1024xf32, #tpu.memory_space<vmem>> -> memref<848x1024xf32, #tpu.memory_space<vmem>>
    tpu.enqueue_dma source(%dma_start3A_66 : memref<848x1024xf32, #tpu.memory_space<vmem>>) target(%dma_start3A_63 : memref<848x1024xf32, #tpu.memory_space<hbm>>) target_semaphore(%dma_start3A_60 : memref<!tpu.dma_semaphore, #tpu.memory_space<semaphore_mem>>)
    %dma_start3A_67 = arith.constant 1 : i32
    %dma_start3A_68 = tpu.memref_slice %arg14[%dma_start3A_67] : memref<2x!tpu.dma_semaphore, #tpu.memory_space<semaphore_mem>> -> memref<1x!tpu.dma_semaphore, #tpu.memory_space<semaphore_mem>>
    %dma_start3A_69 = tpu.memref_squeeze %dma_start3A_68 : memref<1x!tpu.dma_semaphore, #tpu.memory_space<semaphore_mem>> -> memref<!tpu.dma_semaphore, #tpu.memory_space<semaphore_mem>>
    %dma_start3A_70 = arith.constant 99152 : i32
    %dma_start3A_71 = arith.constant 0 : i32
    %dma_start3A_72 = tpu.memref_slice %arg7[%dma_start3A_70, %dma_start3A_71] : memref<100000x1024xf32, #tpu.memory_space<hbm>> -> memref<848x1024xf32, #tpu.memory_space<hbm>>
    %dma_start3A_73 = arith.constant 848 : i32
    %dma_start3A_74 = arith.constant 0 : i32
    %dma_start3A_75 = tpu.memref_slice %arg11[%dma_start3A_73, %dma_start3A_74] : memref<1696x1024xf32, #tpu.memory_space<vmem>> -> memref<848x1024xf32, #tpu.memory_space<vmem>>
    tpu.enqueue_dma source(%dma_start3A_75 : memref<848x1024xf32, #tpu.memory_space<vmem>>) target(%dma_start3A_72 : memref<848x1024xf32, #tpu.memory_space<hbm>>) target_semaphore(%dma_start3A_69 : memref<!tpu.dma_semaphore, #tpu.memory_space<semaphore_mem>>)
    %reduce_max3A = arith.constant dense<0xFF800000> : vector<1024xf32>
    %reduce_max3A_76 = vector.multi_reduction <maximumf>, %add3A_55, %reduce_max3A [0] : vector<1696x1024xf32> to vector<1024xf32>
    %broadcast_in_dim3A = vector.shape_cast %reduce_max3A_76 : vector<1024xf32> to vector<1x1024xf32>
    %sub3A = vector.broadcast %broadcast_in_dim3A : vector<1x1024xf32> to vector<1696x1024xf32>
    %sub3A_77 = arith.subf %add3A_55, %sub3A : vector<1696x1024xf32>
    %exp3A = math.exp %sub3A_77 : vector<1696x1024xf32>
    %reduce_sum3A = arith.constant dense<0.000000e+00> : vector<1024xf32>
    %reduce_sum3A_78 = vector.multi_reduction <add>, %exp3A, %reduce_sum3A [0] : vector<1696x1024xf32> to vector<1024xf32>
    %broadcast_in_dim3A_79 = vector.shape_cast %reduce_sum3A_78 : vector<1024xf32> to vector<1x1024xf32>
    %scan3A = arith.constant 0 : i32
    %scan3A_80 = arith.constant 16 : i32
    %scan3A_81 = arith.addi %scan3A, %scan3A_80 : i32
    %scan3A_82 = arith.constant 1 : i32
    %scan3A_83:2 = scf.for %scan3A_483 = %scan3A to %scan3A_81 step %scan3A_82 iter_args(%scan3A_484 = %broadcast_in_dim3A, %scan3A_485 = %broadcast_in_dim3A_79) -> (vector<1x1024xf32>, vector<1x1024xf32>)  : i32 {
      %mul3A = arith.constant 3 : i32
      %mul3A_486 = arith.muli %scan3A_483, %mul3A : i32
      %add3A_487 = arith.constant 0 : i32
      %add3A_488 = arith.addi %mul3A_486, %add3A_487 : i32
      %mul3A_489 = arith.constant 2048 : i32
      %mul3A_490 = arith.muli %add3A_488, %mul3A_489 : i32
      %multiple_of3A_491 = tpu.assume_multiple %mul3A_490, 2048 : i32
      %dma_wait3A_492 = arith.constant 0 : i32
      %dma_wait3A_493 = arith.constant 0 : i32
      %dma_wait3A_494 = tpu.memref_slice %arg12[%dma_wait3A_493] : memref<3x!tpu.dma_semaphore, #tpu.memory_space<semaphore_mem>> -> memref<1x!tpu.dma_semaphore, #tpu.memory_space<semaphore_mem>>
      %dma_wait3A_495 = tpu.memref_squeeze %dma_wait3A_494 : memref<1x!tpu.dma_semaphore, #tpu.memory_space<semaphore_mem>> -> memref<!tpu.dma_semaphore, #tpu.memory_space<semaphore_mem>>
      %dma_wait3A_496 = arith.constant 0 : i32
      %dma_wait3A_497 = arith.constant 0 : i32
      %dma_wait3A_498 = tpu.memref_slice %arg9[%dma_wait3A_492, %dma_wait3A_496, %dma_wait3A_497] : memref<3x256x2048xf32, #tpu.memory_space<vmem>> -> memref<1x256x2048xf32, #tpu.memory_space<vmem>>
      %dma_wait3A_499 = tpu.memref_squeeze %dma_wait3A_498 : memref<1x256x2048xf32, #tpu.memory_space<vmem>> -> memref<256x2048xf32, #tpu.memory_space<vmem>>
      %dma_wait3A_500 = arith.constant 0 : i32
      %dma_wait3A_501 = tpu.memref_slice %arg6[%dma_wait3A_500, %multiple_of3A_491] : memref<256x100000xf32, #tpu.memory_space<hbm>> -> memref<256x2048xf32, #tpu.memory_space<hbm>>
      tpu.wait_dma2 semaphore(%dma_wait3A_495 : memref<!tpu.dma_semaphore, #tpu.memory_space<semaphore_mem>>) src(%dma_wait3A_501 : memref<256x2048xf32, #tpu.memory_space<hbm>>) dst(%dma_wait3A_499 : memref<256x2048xf32, #tpu.memory_space<vmem>>)
      %get3A_502 = arith.constant 0 : index
      %get3A_503 = arith.constant 0 : index
      %get3A_504 = arith.constant 0 : index
      %get3A_505 = vector.load %arg9[%get3A_502, %get3A_503, %get3A_504] : memref<3x256x2048xf32, #tpu.memory_space<vmem>>, vector<1x256x2048xf32>
      %get3A_506 = vector.shape_cast %get3A_505 : vector<1x256x2048xf32> to vector<256x2048xf32>
      %dot_general3A_507 = arith.constant dense<0.000000e+00> : vector<2048x1024xf32>
      %dot_general3A_508 = tpu.matmul %get3A_506, %max3A_11, %dot_general3A_507 {dimension_numbers = #tpu.dot_dimension_numbers<[0], [0], [1], [1], [0, 1, 1, 1], [], []>, transpose_lhs_hint = false} : vector<256x2048xf32>, vector<256x1024xf32>, vector<2048x1024xf32> -> vector<2048x1024xf32>
      %get3A_509 = arith.index_cast %add3A_488 : i32 to index
      %get3A_510 = arith.constant 0 : index
      %get3A_511 = vector.load %arg3[%get3A_509, %get3A_510] : memref<48x2048xf32, #tpu.memory_space<vmem>>, vector<1x2048xf32>
      %transpose3A = tpu.transpose %get3A_511, [1, 0] : vector<1x2048xf32> -> vector<2048x1xf32>
      %add3A_512 = vector.broadcast %transpose3A : vector<2048x1xf32> to vector<2048x1024xf32>
      %add3A_513 = arith.addf %dot_general3A_508, %add3A_512 : vector<2048x1024xf32>
      %ge3A = arith.constant 1 : i32
      %ge3A_514 = arith.cmpi sge, %scan3A_483, %ge3A : i32
      %convert_element_type3A = arith.extui %ge3A_514 : i1 to i32
      %cond3A = arith.constant 0 : i32
      %cond3A_515 = arith.cmpi ne, %convert_element_type3A, %cond3A : i32
      scf.if %cond3A_515 {
        %mul3A_840 = arith.constant 2048 : i32
        %mul3A_841 = arith.muli %add3A_488, %mul3A_840 : i32
        %add3A_842 = arith.constant 0 : i32
        %add3A_843 = arith.addi %mul3A_841, %add3A_842 : i32
        %dma_wait3A_844 = arith.constant 0 : i32
        %dma_wait3A_845 = arith.constant 0 : i32
        %dma_wait3A_846 = arith.constant 0 : i32
        %dma_wait3A_847 = tpu.memref_slice %arg13[%dma_wait3A_845, %dma_wait3A_846] : memref<3x4x!tpu.dma_semaphore, #tpu.memory_space<semaphore_mem>> -> memref<1x1x!tpu.dma_semaphore, #tpu.memory_space<semaphore_mem>>
        %dma_wait3A_848 = tpu.memref_squeeze %dma_wait3A_847 : memref<1x1x!tpu.dma_semaphore, #tpu.memory_space<semaphore_mem>> -> memref<!tpu.dma_semaphore, #tpu.memory_space<semaphore_mem>>
        %dma_wait3A_849 = arith.constant 0 : i32
        %dma_wait3A_850 = tpu.memref_slice %arg7[%add3A_843, %dma_wait3A_849] : memref<100000x1024xf32, #tpu.memory_space<hbm>> -> memref<512x1024xf32, #tpu.memory_space<hbm>>
        %dma_wait3A_851 = arith.constant 0 : i32
        %dma_wait3A_852 = arith.constant 0 : i32
        %dma_wait3A_853 = tpu.memref_slice %arg10[%dma_wait3A_844, %dma_wait3A_851, %dma_wait3A_852] : memref<3x2048x1024xf32, #tpu.memory_space<vmem>> -> memref<1x512x1024xf32, #tpu.memory_space<vmem>>
        %dma_wait3A_854 = tpu.memref_squeeze %dma_wait3A_853 : memref<1x512x1024xf32, #tpu.memory_space<vmem>> -> memref<512x1024xf32, #tpu.memory_space<vmem>>
        tpu.wait_dma2 semaphore(%dma_wait3A_848 : memref<!tpu.dma_semaphore, #tpu.memory_space<semaphore_mem>>) src(%dma_wait3A_854 : memref<512x1024xf32, #tpu.memory_space<vmem>>) dst(%dma_wait3A_850 : memref<512x1024xf32, #tpu.memory_space<hbm>>)
        %mul3A_855 = arith.constant 2048 : i32
        %mul3A_856 = arith.muli %add3A_488, %mul3A_855 : i32
        %add3A_857 = arith.constant 512 : i32
        %add3A_858 = arith.addi %mul3A_856, %add3A_857 : i32
        %dma_wait3A_859 = arith.constant 0 : i32
        %dma_wait3A_860 = arith.constant 0 : i32
        %dma_wait3A_861 = arith.constant 1 : i32
        %dma_wait3A_862 = tpu.memref_slice %arg13[%dma_wait3A_860, %dma_wait3A_861] : memref<3x4x!tpu.dma_semaphore, #tpu.memory_space<semaphore_mem>> -> memref<1x1x!tpu.dma_semaphore, #tpu.memory_space<semaphore_mem>>
        %dma_wait3A_863 = tpu.memref_squeeze %dma_wait3A_862 : memref<1x1x!tpu.dma_semaphore, #tpu.memory_space<semaphore_mem>> -> memref<!tpu.dma_semaphore, #tpu.memory_space<semaphore_mem>>
        %dma_wait3A_864 = arith.constant 0 : i32
        %dma_wait3A_865 = tpu.memref_slice %arg7[%add3A_858, %dma_wait3A_864] : memref<100000x1024xf32, #tpu.memory_space<hbm>> -> memref<512x1024xf32, #tpu.memory_space<hbm>>
        %dma_wait3A_866 = arith.constant 512 : i32
        %dma_wait3A_867 = arith.constant 0 : i32
        %dma_wait3A_868 = tpu.memref_slice %arg10[%dma_wait3A_859, %dma_wait3A_866, %dma_wait3A_867] : memref<3x2048x1024xf32, #tpu.memory_space<vmem>> -> memref<1x512x1024xf32, #tpu.memory_space<vmem>>
        %dma_wait3A_869 = tpu.memref_squeeze %dma_wait3A_868 : memref<1x512x1024xf32, #tpu.memory_space<vmem>> -> memref<512x1024xf32, #tpu.memory_space<vmem>>
        tpu.wait_dma2 semaphore(%dma_wait3A_863 : memref<!tpu.dma_semaphore, #tpu.memory_space<semaphore_mem>>) src(%dma_wait3A_869 : memref<512x1024xf32, #tpu.memory_space<vmem>>) dst(%dma_wait3A_865 : memref<512x1024xf32, #tpu.memory_space<hbm>>)
        %mul3A_870 = arith.constant 2048 : i32
        %mul3A_871 = arith.muli %add3A_488, %mul3A_870 : i32
        %add3A_872 = arith.constant 1024 : i32
        %add3A_873 = arith.addi %mul3A_871, %add3A_872 : i32
        %dma_wait3A_874 = arith.constant 0 : i32
        %dma_wait3A_875 = arith.constant 0 : i32
        %dma_wait3A_876 = arith.constant 2 : i32
        %dma_wait3A_877 = tpu.memref_slice %arg13[%dma_wait3A_875, %dma_wait3A_876] : memref<3x4x!tpu.dma_semaphore, #tpu.memory_space<semaphore_mem>> -> memref<1x1x!tpu.dma_semaphore, #tpu.memory_space<semaphore_mem>>
        %dma_wait3A_878 = tpu.memref_squeeze %dma_wait3A_877 : memref<1x1x!tpu.dma_semaphore, #tpu.memory_space<semaphore_mem>> -> memref<!tpu.dma_semaphore, #tpu.memory_space<semaphore_mem>>
        %dma_wait3A_879 = arith.constant 0 : i32
        %dma_wait3A_880 = tpu.memref_slice %arg7[%add3A_873, %dma_wait3A_879] : memref<100000x1024xf32, #tpu.memory_space<hbm>> -> memref<512x1024xf32, #tpu.memory_space<hbm>>
        %dma_wait3A_881 = arith.constant 1024 : i32
        %dma_wait3A_882 = arith.constant 0 : i32
        %dma_wait3A_883 = tpu.memref_slice %arg10[%dma_wait3A_874, %dma_wait3A_881, %dma_wait3A_882] : memref<3x2048x1024xf32, #tpu.memory_space<vmem>> -> memref<1x512x1024xf32, #tpu.memory_space<vmem>>
        %dma_wait3A_884 = tpu.memref_squeeze %dma_wait3A_883 : memref<1x512x1024xf32, #tpu.memory_space<vmem>> -> memref<512x1024xf32, #tpu.memory_space<vmem>>
        tpu.wait_dma2 semaphore(%dma_wait3A_878 : memref<!tpu.dma_semaphore, #tpu.memory_space<semaphore_mem>>) src(%dma_wait3A_884 : memref<512x1024xf32, #tpu.memory_space<vmem>>) dst(%dma_wait3A_880 : memref<512x1024xf32, #tpu.memory_space<hbm>>)
        %mul3A_885 = arith.constant 2048 : i32
        %mul3A_886 = arith.muli %add3A_488, %mul3A_885 : i32
        %add3A_887 = arith.constant 1536 : i32
        %add3A_888 = arith.addi %mul3A_886, %add3A_887 : i32
        %dma_wait3A_889 = arith.constant 0 : i32
        %dma_wait3A_890 = arith.constant 0 : i32
        %dma_wait3A_891 = arith.constant 3 : i32
        %dma_wait3A_892 = tpu.memref_slice %arg13[%dma_wait3A_890, %dma_wait3A_891] : memref<3x4x!tpu.dma_semaphore, #tpu.memory_space<semaphore_mem>> -> memref<1x1x!tpu.dma_semaphore, #tpu.memory_space<semaphore_mem>>
        %dma_wait3A_893 = tpu.memref_squeeze %dma_wait3A_892 : memref<1x1x!tpu.dma_semaphore, #tpu.memory_space<semaphore_mem>> -> memref<!tpu.dma_semaphore, #tpu.memory_space<semaphore_mem>>
        %dma_wait3A_894 = arith.constant 0 : i32
        %dma_wait3A_895 = tpu.memref_slice %arg7[%add3A_888, %dma_wait3A_894] : memref<100000x1024xf32, #tpu.memory_space<hbm>> -> memref<512x1024xf32, #tpu.memory_space<hbm>>
        %dma_wait3A_896 = arith.constant 1536 : i32
        %dma_wait3A_897 = arith.constant 0 : i32
        %dma_wait3A_898 = tpu.memref_slice %arg10[%dma_wait3A_889, %dma_wait3A_896, %dma_wait3A_897] : memref<3x2048x1024xf32, #tpu.memory_space<vmem>> -> memref<1x512x1024xf32, #tpu.memory_space<vmem>>
        %dma_wait3A_899 = tpu.memref_squeeze %dma_wait3A_898 : memref<1x512x1024xf32, #tpu.memory_space<vmem>> -> memref<512x1024xf32, #tpu.memory_space<vmem>>
        tpu.wait_dma2 semaphore(%dma_wait3A_893 : memref<!tpu.dma_semaphore, #tpu.memory_space<semaphore_mem>>) src(%dma_wait3A_899 : memref<512x1024xf32, #tpu.memory_space<vmem>>) dst(%dma_wait3A_895 : memref<512x1024xf32, #tpu.memory_space<hbm>>)
      } else {
      }
      %swap3A_516 = arith.constant 0 : index
      %swap3A_517 = arith.constant 0 : index
      %swap3A_518 = arith.constant 0 : index
      %swap3A_519 = vector.load %arg10[%swap3A_516, %swap3A_517, %swap3A_518] : memref<3x2048x1024xf32, #tpu.memory_space<vmem>>, vector<1x2048x1024xf32>
      %swap3A_520 = vector.shape_cast %swap3A_519 : vector<1x2048x1024xf32> to vector<2048x1024xf32>
      %swap3A_521 = vector.shape_cast %add3A_513 : vector<2048x1024xf32> to vector<1x2048x1024xf32>
      tpu.vector_store %arg10[%swap3A_516, %swap3A_517, %swap3A_518], %swap3A_521 {strides = array<i32>} : memref<3x2048x1024xf32, #tpu.memory_space<vmem>>, vector<1x2048x1024xf32>,
      %mul3A_522 = arith.constant 2048 : i32
      %mul3A_523 = arith.muli %add3A_488, %mul3A_522 : i32
      %add3A_524 = arith.constant 0 : i32
      %add3A_525 = arith.addi %mul3A_523, %add3A_524 : i32
      %dma_start3A_526 = arith.constant 0 : i32
      %dma_start3A_527 = arith.constant 0 : i32
      %dma_start3A_528 = arith.constant 0 : i32
      %dma_start3A_529 = tpu.memref_slice %arg13[%dma_start3A_527, %dma_start3A_528] : memref<3x4x!tpu.dma_semaphore, #tpu.memory_space<semaphore_mem>> -> memref<1x1x!tpu.dma_semaphore, #tpu.memory_space<semaphore_mem>>
      %dma_start3A_530 = tpu.memref_squeeze %dma_start3A_529 : memref<1x1x!tpu.dma_semaphore, #tpu.memory_space<semaphore_mem>> -> memref<!tpu.dma_semaphore, #tpu.memory_space<semaphore_mem>>
      %dma_start3A_531 = arith.constant 0 : i32
      %dma_start3A_532 = tpu.memref_slice %arg7[%add3A_525, %dma_start3A_531] : memref<100000x1024xf32, #tpu.memory_space<hbm>> -> memref<512x1024xf32, #tpu.memory_space<hbm>>
      %dma_start3A_533 = arith.constant 0 : i32
      %dma_start3A_534 = arith.constant 0 : i32
      %dma_start3A_535 = tpu.memref_slice %arg10[%dma_start3A_526, %dma_start3A_533, %dma_start3A_534] : memref<3x2048x1024xf32, #tpu.memory_space<vmem>> -> memref<1x512x1024xf32, #tpu.memory_space<vmem>>
      %dma_start3A_536 = tpu.memref_squeeze %dma_start3A_535 : memref<1x512x1024xf32, #tpu.memory_space<vmem>> -> memref<512x1024xf32, #tpu.memory_space<vmem>>
      tpu.enqueue_dma source(%dma_start3A_536 : memref<512x1024xf32, #tpu.memory_space<vmem>>) target(%dma_start3A_532 : memref<512x1024xf32, #tpu.memory_space<hbm>>) target_semaphore(%dma_start3A_530 : memref<!tpu.dma_semaphore, #tpu.memory_space<semaphore_mem>>)
      %mul3A_537 = arith.constant 2048 : i32
      %mul3A_538 = arith.muli %add3A_488, %mul3A_537 : i32
      %add3A_539 = arith.constant 512 : i32
      %add3A_540 = arith.addi %mul3A_538, %add3A_539 : i32
      %dma_start3A_541 = arith.constant 0 : i32
      %dma_start3A_542 = arith.constant 0 : i32
      %dma_start3A_543 = arith.constant 1 : i32
      %dma_start3A_544 = tpu.memref_slice %arg13[%dma_start3A_542, %dma_start3A_543] : memref<3x4x!tpu.dma_semaphore, #tpu.memory_space<semaphore_mem>> -> memref<1x1x!tpu.dma_semaphore, #tpu.memory_space<semaphore_mem>>
      %dma_start3A_545 = tpu.memref_squeeze %dma_start3A_544 : memref<1x1x!tpu.dma_semaphore, #tpu.memory_space<semaphore_mem>> -> memref<!tpu.dma_semaphore, #tpu.memory_space<semaphore_mem>>
      %dma_start3A_546 = arith.constant 0 : i32
      %dma_start3A_547 = tpu.memref_slice %arg7[%add3A_540, %dma_start3A_546] : memref<100000x1024xf32, #tpu.memory_space<hbm>> -> memref<512x1024xf32, #tpu.memory_space<hbm>>
      %dma_start3A_548 = arith.constant 512 : i32
      %dma_start3A_549 = arith.constant 0 : i32
      %dma_start3A_550 = tpu.memref_slice %arg10[%dma_start3A_541, %dma_start3A_548, %dma_start3A_549] : memref<3x2048x1024xf32, #tpu.memory_space<vmem>> -> memref<1x512x1024xf32, #tpu.memory_space<vmem>>
      %dma_start3A_551 = tpu.memref_squeeze %dma_start3A_550 : memref<1x512x1024xf32, #tpu.memory_space<vmem>> -> memref<512x1024xf32, #tpu.memory_space<vmem>>
      tpu.enqueue_dma source(%dma_start3A_551 : memref<512x1024xf32, #tpu.memory_space<vmem>>) target(%dma_start3A_547 : memref<512x1024xf32, #tpu.memory_space<hbm>>) target_semaphore(%dma_start3A_545 : memref<!tpu.dma_semaphore, #tpu.memory_space<semaphore_mem>>)
      %mul3A_552 = arith.constant 2048 : i32
      %mul3A_553 = arith.muli %add3A_488, %mul3A_552 : i32
      %add3A_554 = arith.constant 1024 : i32
      %add3A_555 = arith.addi %mul3A_553, %add3A_554 : i32
      %dma_start3A_556 = arith.constant 0 : i32
      %dma_start3A_557 = arith.constant 0 : i32
      %dma_start3A_558 = arith.constant 2 : i32
      %dma_start3A_559 = tpu.memref_slice %arg13[%dma_start3A_557, %dma_start3A_558] : memref<3x4x!tpu.dma_semaphore, #tpu.memory_space<semaphore_mem>> -> memref<1x1x!tpu.dma_semaphore, #tpu.memory_space<semaphore_mem>>
      %dma_start3A_560 = tpu.memref_squeeze %dma_start3A_559 : memref<1x1x!tpu.dma_semaphore, #tpu.memory_space<semaphore_mem>> -> memref<!tpu.dma_semaphore, #tpu.memory_space<semaphore_mem>>
      %dma_start3A_561 = arith.constant 0 : i32
      %dma_start3A_562 = tpu.memref_slice %arg7[%add3A_555, %dma_start3A_561] : memref<100000x1024xf32, #tpu.memory_space<hbm>> -> memref<512x1024xf32, #tpu.memory_space<hbm>>
      %dma_start3A_563 = arith.constant 1024 : i32
      %dma_start3A_564 = arith.constant 0 : i32
      %dma_start3A_565 = tpu.memref_slice %arg10[%dma_start3A_556, %dma_start3A_563, %dma_start3A_564] : memref<3x2048x1024xf32, #tpu.memory_space<vmem>> -> memref<1x512x1024xf32, #tpu.memory_space<vmem>>
      %dma_start3A_566 = tpu.memref_squeeze %dma_start3A_565 : memref<1x512x1024xf32, #tpu.memory_space<vmem>> -> memref<512x1024xf32, #tpu.memory_space<vmem>>
      tpu.enqueue_dma source(%dma_start3A_566 : memref<512x1024xf32, #tpu.memory_space<vmem>>) target(%dma_start3A_562 : memref<512x1024xf32, #tpu.memory_space<hbm>>) target_semaphore(%dma_start3A_560 : memref<!tpu.dma_semaphore, #tpu.memory_space<semaphore_mem>>)
      %mul3A_567 = arith.constant 2048 : i32
      %mul3A_568 = arith.muli %add3A_488, %mul3A_567 : i32
      %add3A_569 = arith.constant 1536 : i32
      %add3A_570 = arith.addi %mul3A_568, %add3A_569 : i32
      %dma_start3A_571 = arith.constant 0 : i32
      %dma_start3A_572 = arith.constant 0 : i32
      %dma_start3A_573 = arith.constant 3 : i32
      %dma_start3A_574 = tpu.memref_slice %arg13[%dma_start3A_572, %dma_start3A_573] : memref<3x4x!tpu.dma_semaphore, #tpu.memory_space<semaphore_mem>> -> memref<1x1x!tpu.dma_semaphore, #tpu.memory_space<semaphore_mem>>
      %dma_start3A_575 = tpu.memref_squeeze %dma_start3A_574 : memref<1x1x!tpu.dma_semaphore, #tpu.memory_space<semaphore_mem>> -> memref<!tpu.dma_semaphore, #tpu.memory_space<semaphore_mem>>
      %dma_start3A_576 = arith.constant 0 : i32
      %dma_start3A_577 = tpu.memref_slice %arg7[%add3A_570, %dma_start3A_576] : memref<100000x1024xf32, #tpu.memory_space<hbm>> -> memref<512x1024xf32, #tpu.memory_space<hbm>>
      %dma_start3A_578 = arith.constant 1536 : i32
      %dma_start3A_579 = arith.constant 0 : i32
      %dma_start3A_580 = tpu.memref_slice %arg10[%dma_start3A_571, %dma_start3A_578, %dma_start3A_579] : memref<3x2048x1024xf32, #tpu.memory_space<vmem>> -> memref<1x512x1024xf32, #tpu.memory_space<vmem>>
      %dma_start3A_581 = tpu.memref_squeeze %dma_start3A_580 : memref<1x512x1024xf32, #tpu.memory_space<vmem>> -> memref<512x1024xf32, #tpu.memory_space<vmem>>
      tpu.enqueue_dma source(%dma_start3A_581 : memref<512x1024xf32, #tpu.memory_space<vmem>>) target(%dma_start3A_577 : memref<512x1024xf32, #tpu.memory_space<hbm>>) target_semaphore(%dma_start3A_575 : memref<!tpu.dma_semaphore, #tpu.memory_space<semaphore_mem>>)
      %lt3A = arith.constant 15 : i32
      %lt3A_582 = arith.cmpi slt, %scan3A_483, %lt3A : i32
      %convert_element_type3A_583 = arith.extui %lt3A_582 : i1 to i32
      %cond3A_584 = arith.constant 0 : i32
      %cond3A_585 = arith.cmpi ne, %convert_element_type3A_583, %cond3A_584 : i32
      scf.if %cond3A_585 {
        %add3A_840 = arith.constant 3 : i32
        %add3A_841 = arith.addi %add3A_488, %add3A_840 : i32
        %mul3A_842 = arith.constant 2048 : i32
        %mul3A_843 = arith.muli %add3A_841, %mul3A_842 : i32
        %multiple_of3A_844 = tpu.assume_multiple %mul3A_843, 2048 : i32
        %dma_start3A_845 = arith.constant 0 : i32
        %dma_start3A_846 = arith.constant 0 : i32
        %dma_start3A_847 = tpu.memref_slice %arg12[%dma_start3A_846] : memref<3x!tpu.dma_semaphore, #tpu.memory_space<semaphore_mem>> -> memref<1x!tpu.dma_semaphore, #tpu.memory_space<semaphore_mem>>
        %dma_start3A_848 = tpu.memref_squeeze %dma_start3A_847 : memref<1x!tpu.dma_semaphore, #tpu.memory_space<semaphore_mem>> -> memref<!tpu.dma_semaphore, #tpu.memory_space<semaphore_mem>>
        %dma_start3A_849 = arith.constant 0 : i32
        %dma_start3A_850 = arith.constant 0 : i32
        %dma_start3A_851 = tpu.memref_slice %arg9[%dma_start3A_845, %dma_start3A_849, %dma_start3A_850] : memref<3x256x2048xf32, #tpu.memory_space<vmem>> -> memref<1x256x2048xf32, #tpu.memory_space<vmem>>
        %dma_start3A_852 = tpu.memref_squeeze %dma_start3A_851 : memref<1x256x2048xf32, #tpu.memory_space<vmem>> -> memref<256x2048xf32, #tpu.memory_space<vmem>>
        %dma_start3A_853 = arith.constant 0 : i32
        %dma_start3A_854 = tpu.memref_slice %arg6[%dma_start3A_853, %multiple_of3A_844] : memref<256x100000xf32, #tpu.memory_space<hbm>> -> memref<256x2048xf32, #tpu.memory_space<hbm>>
        tpu.enqueue_dma source(%dma_start3A_854 : memref<256x2048xf32, #tpu.memory_space<hbm>>) target(%dma_start3A_852 : memref<256x2048xf32, #tpu.memory_space<vmem>>) target_semaphore(%dma_start3A_848 : memref<!tpu.dma_semaphore, #tpu.memory_space<semaphore_mem>>)
      } else {
      }
      %reduce_max3A_586 = arith.constant dense<0xFF800000> : vector<1024xf32>
      %reduce_max3A_587 = vector.multi_reduction <maximumf>, %add3A_513, %reduce_max3A_586 [0] : vector<2048x1024xf32> to vector<1024xf32>
      %broadcast_in_dim3A_588 = vector.shape_cast %reduce_max3A_587 : vector<1024xf32> to vector<1x1024xf32>
      %max3A_589 = arith.maximumf %scan3A_484, %broadcast_in_dim3A_588 : vector<1x1024xf32>
      %sub3A_590 = arith.subf %scan3A_484, %max3A_589 : vector<1x1024xf32>
      %exp3A_591 = math.exp %sub3A_590 : vector<1x1024xf32>
      %mul3A_592 = arith.mulf %scan3A_485, %exp3A_591 : vector<1x1024xf32>
      %sub3A_593 = vector.broadcast %max3A_589 : vector<1x1024xf32> to vector<2048x1024xf32>
      %sub3A_594 = arith.subf %add3A_513, %sub3A_593 : vector<2048x1024xf32>
      %exp3A_595 = math.exp %sub3A_594 : vector<2048x1024xf32>
      %reduce_sum3A_596 = arith.constant dense<0.000000e+00> : vector<1024xf32>
      %reduce_sum3A_597 = vector.multi_reduction <add>, %exp3A_595, %reduce_sum3A_596 [0] : vector<2048x1024xf32> to vector<1024xf32>
      %broadcast_in_dim3A_598 = vector.shape_cast %reduce_sum3A_597 : vector<1024xf32> to vector<1x1024xf32>
      %add3A_599 = arith.addf %mul3A_592, %broadcast_in_dim3A_598 : vector<1x1024xf32>
      %mul3A_600 = arith.constant 3 : i32
      %mul3A_601 = arith.muli %scan3A_483, %mul3A_600 : i32
      %add3A_602 = arith.constant 1 : i32
      %add3A_603 = arith.addi %mul3A_601, %add3A_602 : i32
      %mul3A_604 = arith.constant 2048 : i32
      %mul3A_605 = arith.muli %add3A_603, %mul3A_604 : i32
      %multiple_of3A_606 = tpu.assume_multiple %mul3A_605, 2048 : i32
      %dma_wait3A_607 = arith.constant 1 : i32
      %dma_wait3A_608 = arith.constant 1 : i32
      %dma_wait3A_609 = tpu.memref_slice %arg12[%dma_wait3A_608] : memref<3x!tpu.dma_semaphore, #tpu.memory_space<semaphore_mem>> -> memref<1x!tpu.dma_semaphore, #tpu.memory_space<semaphore_mem>>
      %dma_wait3A_610 = tpu.memref_squeeze %dma_wait3A_609 : memref<1x!tpu.dma_semaphore, #tpu.memory_space<semaphore_mem>> -> memref<!tpu.dma_semaphore, #tpu.memory_space<semaphore_mem>>
      %dma_wait3A_611 = arith.constant 0 : i32
      %dma_wait3A_612 = arith.constant 0 : i32
      %dma_wait3A_613 = tpu.memref_slice %arg9[%dma_wait3A_607, %dma_wait3A_611, %dma_wait3A_612] : memref<3x256x2048xf32, #tpu.memory_space<vmem>> -> memref<1x256x2048xf32, #tpu.memory_space<vmem>>
      %dma_wait3A_614 = tpu.memref_squeeze %dma_wait3A_613 : memref<1x256x2048xf32, #tpu.memory_space<vmem>> -> memref<256x2048xf32, #tpu.memory_space<vmem>>
      %dma_wait3A_615 = arith.constant 0 : i32
      %dma_wait3A_616 = tpu.memref_slice %arg6[%dma_wait3A_615, %multiple_of3A_606] : memref<256x100000xf32, #tpu.memory_space<hbm>> -> memref<256x2048xf32, #tpu.memory_space<hbm>>
      tpu.wait_dma2 semaphore(%dma_wait3A_610 : memref<!tpu.dma_semaphore, #tpu.memory_space<semaphore_mem>>) src(%dma_wait3A_616 : memref<256x2048xf32, #tpu.memory_space<hbm>>) dst(%dma_wait3A_614 : memref<256x2048xf32, #tpu.memory_space<vmem>>)
      %get3A_617 = arith.constant 1 : index
      %get3A_618 = arith.constant 0 : index
      %get3A_619 = arith.constant 0 : index
      %get3A_620 = vector.load %arg9[%get3A_617, %get3A_618, %get3A_619] : memref<3x256x2048xf32, #tpu.memory_space<vmem>>, vector<1x256x2048xf32>
      %get3A_621 = vector.shape_cast %get3A_620 : vector<1x256x2048xf32> to vector<256x2048xf32>
      %dot_general3A_622 = arith.constant dense<0.000000e+00> : vector<2048x1024xf32>
      %dot_general3A_623 = tpu.matmul %get3A_621, %max3A_11, %dot_general3A_622 {dimension_numbers = #tpu.dot_dimension_numbers<[0], [0], [1], [1], [0, 1, 1, 1], [], []>, transpose_lhs_hint = false} : vector<256x2048xf32>, vector<256x1024xf32>, vector<2048x1024xf32> -> vector<2048x1024xf32>
      %get3A_624 = arith.index_cast %add3A_603 : i32 to index
      %get3A_625 = arith.constant 0 : index
      %get3A_626 = vector.load %arg3[%get3A_624, %get3A_625] : memref<48x2048xf32, #tpu.memory_space<vmem>>, vector<1x2048xf32>
      %transpose3A_627 = tpu.transpose %get3A_626, [1, 0] : vector<1x2048xf32> -> vector<2048x1xf32>
      %add3A_628 = vector.broadcast %transpose3A_627 : vector<2048x1xf32> to vector<2048x1024xf32>
      %add3A_629 = arith.addf %dot_general3A_623, %add3A_628 : vector<2048x1024xf32>
      %ge3A_630 = arith.constant 1 : i32
      %ge3A_631 = arith.cmpi sge, %scan3A_483, %ge3A_630 : i32
      %convert_element_type3A_632 = arith.extui %ge3A_631 : i1 to i32
      %cond3A_633 = arith.constant 0 : i32
      %cond3A_634 = arith.cmpi ne, %convert_element_type3A_632, %cond3A_633 : i32
      scf.if %cond3A_634 {
        %mul3A_840 = arith.constant 2048 : i32
        %mul3A_841 = arith.muli %add3A_603, %mul3A_840 : i32
        %add3A_842 = arith.constant 0 : i32
        %add3A_843 = arith.addi %mul3A_841, %add3A_842 : i32
        %dma_wait3A_844 = arith.constant 1 : i32
        %dma_wait3A_845 = arith.constant 1 : i32
        %dma_wait3A_846 = arith.constant 0 : i32
        %dma_wait3A_847 = tpu.memref_slice %arg13[%dma_wait3A_845, %dma_wait3A_846] : memref<3x4x!tpu.dma_semaphore, #tpu.memory_space<semaphore_mem>> -> memref<1x1x!tpu.dma_semaphore, #tpu.memory_space<semaphore_mem>>
        %dma_wait3A_848 = tpu.memref_squeeze %dma_wait3A_847 : memref<1x1x!tpu.dma_semaphore, #tpu.memory_space<semaphore_mem>> -> memref<!tpu.dma_semaphore, #tpu.memory_space<semaphore_mem>>
        %dma_wait3A_849 = arith.constant 0 : i32
        %dma_wait3A_850 = tpu.memref_slice %arg7[%add3A_843, %dma_wait3A_849] : memref<100000x1024xf32, #tpu.memory_space<hbm>> -> memref<512x1024xf32, #tpu.memory_space<hbm>>
        %dma_wait3A_851 = arith.constant 0 : i32
        %dma_wait3A_852 = arith.constant 0 : i32
        %dma_wait3A_853 = tpu.memref_slice %arg10[%dma_wait3A_844, %dma_wait3A_851, %dma_wait3A_852] : memref<3x2048x1024xf32, #tpu.memory_space<vmem>> -> memref<1x512x1024xf32, #tpu.memory_space<vmem>>
        %dma_wait3A_854 = tpu.memref_squeeze %dma_wait3A_853 : memref<1x512x1024xf32, #tpu.memory_space<vmem>> -> memref<512x1024xf32, #tpu.memory_space<vmem>>
        tpu.wait_dma2 semaphore(%dma_wait3A_848 : memref<!tpu.dma_semaphore, #tpu.memory_space<semaphore_mem>>) src(%dma_wait3A_854 : memref<512x1024xf32, #tpu.memory_space<vmem>>) dst(%dma_wait3A_850 : memref<512x1024xf32, #tpu.memory_space<hbm>>)
        %mul3A_855 = arith.constant 2048 : i32
        %mul3A_856 = arith.muli %add3A_603, %mul3A_855 : i32
        %add3A_857 = arith.constant 512 : i32
        %add3A_858 = arith.addi %mul3A_856, %add3A_857 : i32
        %dma_wait3A_859 = arith.constant 1 : i32
        %dma_wait3A_860 = arith.constant 1 : i32
        %dma_wait3A_861 = arith.constant 1 : i32
        %dma_wait3A_862 = tpu.memref_slice %arg13[%dma_wait3A_860, %dma_wait3A_861] : memref<3x4x!tpu.dma_semaphore, #tpu.memory_space<semaphore_mem>> -> memref<1x1x!tpu.dma_semaphore, #tpu.memory_space<semaphore_mem>>
        %dma_wait3A_863 = tpu.memref_squeeze %dma_wait3A_862 : memref<1x1x!tpu.dma_semaphore, #tpu.memory_space<semaphore_mem>> -> memref<!tpu.dma_semaphore, #tpu.memory_space<semaphore_mem>>
        %dma_wait3A_864 = arith.constant 0 : i32
        %dma_wait3A_865 = tpu.memref_slice %arg7[%add3A_858, %dma_wait3A_864] : memref<100000x1024xf32, #tpu.memory_space<hbm>> -> memref<512x1024xf32, #tpu.memory_space<hbm>>
        %dma_wait3A_866 = arith.constant 512 : i32
        %dma_wait3A_867 = arith.constant 0 : i32
        %dma_wait3A_868 = tpu.memref_slice %arg10[%dma_wait3A_859, %dma_wait3A_866, %dma_wait3A_867] : memref<3x2048x1024xf32, #tpu.memory_space<vmem>> -> memref<1x512x1024xf32, #tpu.memory_space<vmem>>
        %dma_wait3A_869 = tpu.memref_squeeze %dma_wait3A_868 : memref<1x512x1024xf32, #tpu.memory_space<vmem>> -> memref<512x1024xf32, #tpu.memory_space<vmem>>
        tpu.wait_dma2 semaphore(%dma_wait3A_863 : memref<!tpu.dma_semaphore, #tpu.memory_space<semaphore_mem>>) src(%dma_wait3A_869 : memref<512x1024xf32, #tpu.memory_space<vmem>>) dst(%dma_wait3A_865 : memref<512x1024xf32, #tpu.memory_space<hbm>>)
        %mul3A_870 = arith.constant 2048 : i32
        %mul3A_871 = arith.muli %add3A_603, %mul3A_870 : i32
        %add3A_872 = arith.constant 1024 : i32
        %add3A_873 = arith.addi %mul3A_871, %add3A_872 : i32
        %dma_wait3A_874 = arith.constant 1 : i32
        %dma_wait3A_875 = arith.constant 1 : i32
        %dma_wait3A_876 = arith.constant 2 : i32
        %dma_wait3A_877 = tpu.memref_slice %arg13[%dma_wait3A_875, %dma_wait3A_876] : memref<3x4x!tpu.dma_semaphore, #tpu.memory_space<semaphore_mem>> -> memref<1x1x!tpu.dma_semaphore, #tpu.memory_space<semaphore_mem>>
        %dma_wait3A_878 = tpu.memref_squeeze %dma_wait3A_877 : memref<1x1x!tpu.dma_semaphore, #tpu.memory_space<semaphore_mem>> -> memref<!tpu.dma_semaphore, #tpu.memory_space<semaphore_mem>>
        %dma_wait3A_879 = arith.constant 0 : i32
        %dma_wait3A_880 = tpu.memref_slice %arg7[%add3A_873, %dma_wait3A_879] : memref<100000x1024xf32, #tpu.memory_space<hbm>> -> memref<512x1024xf32, #tpu.memory_space<hbm>>
        %dma_wait3A_881 = arith.constant 1024 : i32
        %dma_wait3A_882 = arith.constant 0 : i32
        %dma_wait3A_883 = tpu.memref_slice %arg10[%dma_wait3A_874, %dma_wait3A_881, %dma_wait3A_882] : memref<3x2048x1024xf32, #tpu.memory_space<vmem>> -> memref<1x512x1024xf32, #tpu.memory_space<vmem>>
        %dma_wait3A_884 = tpu.memref_squeeze %dma_wait3A_883 : memref<1x512x1024xf32, #tpu.memory_space<vmem>> -> memref<512x1024xf32, #tpu.memory_space<vmem>>
        tpu.wait_dma2 semaphore(%dma_wait3A_878 : memref<!tpu.dma_semaphore, #tpu.memory_space<semaphore_mem>>) src(%dma_wait3A_884 : memref<512x1024xf32, #tpu.memory_space<vmem>>) dst(%dma_wait3A_880 : memref<512x1024xf32, #tpu.memory_space<hbm>>)
        %mul3A_885 = arith.constant 2048 : i32
        %mul3A_886 = arith.muli %add3A_603, %mul3A_885 : i32
        %add3A_887 = arith.constant 1536 : i32
        %add3A_888 = arith.addi %mul3A_886, %add3A_887 : i32
        %dma_wait3A_889 = arith.constant 1 : i32
        %dma_wait3A_890 = arith.constant 1 : i32
        %dma_wait3A_891 = arith.constant 3 : i32
        %dma_wait3A_892 = tpu.memref_slice %arg13[%dma_wait3A_890, %dma_wait3A_891] : memref<3x4x!tpu.dma_semaphore, #tpu.memory_space<semaphore_mem>> -> memref<1x1x!tpu.dma_semaphore, #tpu.memory_space<semaphore_mem>>
        %dma_wait3A_893 = tpu.memref_squeeze %dma_wait3A_892 : memref<1x1x!tpu.dma_semaphore, #tpu.memory_space<semaphore_mem>> -> memref<!tpu.dma_semaphore, #tpu.memory_space<semaphore_mem>>
        %dma_wait3A_894 = arith.constant 0 : i32
        %dma_wait3A_895 = tpu.memref_slice %arg7[%add3A_888, %dma_wait3A_894] : memref<100000x1024xf32, #tpu.memory_space<hbm>> -> memref<512x1024xf32, #tpu.memory_space<hbm>>
        %dma_wait3A_896 = arith.constant 1536 : i32
        %dma_wait3A_897 = arith.constant 0 : i32
        %dma_wait3A_898 = tpu.memref_slice %arg10[%dma_wait3A_889, %dma_wait3A_896, %dma_wait3A_897] : memref<3x2048x1024xf32, #tpu.memory_space<vmem>> -> memref<1x512x1024xf32, #tpu.memory_space<vmem>>
        %dma_wait3A_899 = tpu.memref_squeeze %dma_wait3A_898 : memref<1x512x1024xf32, #tpu.memory_space<vmem>> -> memref<512x1024xf32, #tpu.memory_space<vmem>>
        tpu.wait_dma2 semaphore(%dma_wait3A_893 : memref<!tpu.dma_semaphore, #tpu.memory_space<semaphore_mem>>) src(%dma_wait3A_899 : memref<512x1024xf32, #tpu.memory_space<vmem>>) dst(%dma_wait3A_895 : memref<512x1024xf32, #tpu.memory_space<hbm>>)
      } else {
      }
      %swap3A_635 = arith.constant 1 : index
      %swap3A_636 = arith.constant 0 : index
      %swap3A_637 = arith.constant 0 : index
      %swap3A_638 = vector.load %arg10[%swap3A_635, %swap3A_636, %swap3A_637] : memref<3x2048x1024xf32, #tpu.memory_space<vmem>>, vector<1x2048x1024xf32>
      %swap3A_639 = vector.shape_cast %swap3A_638 : vector<1x2048x1024xf32> to vector<2048x1024xf32>
      %swap3A_640 = vector.shape_cast %add3A_629 : vector<2048x1024xf32> to vector<1x2048x1024xf32>
      tpu.vector_store %arg10[%swap3A_635, %swap3A_636, %swap3A_637], %swap3A_640 {strides = array<i32>} : memref<3x2048x1024xf32, #tpu.memory_space<vmem>>, vector<1x2048x1024xf32>,
      %mul3A_641 = arith.constant 2048 : i32
      %mul3A_642 = arith.muli %add3A_603, %mul3A_641 : i32
      %add3A_643 = arith.constant 0 : i32
      %add3A_644 = arith.addi %mul3A_642, %add3A_643 : i32
      %dma_start3A_645 = arith.constant 1 : i32
      %dma_start3A_646 = arith.constant 1 : i32
      %dma_start3A_647 = arith.constant 0 : i32
      %dma_start3A_648 = tpu.memref_slice %arg13[%dma_start3A_646, %dma_start3A_647] : memref<3x4x!tpu.dma_semaphore, #tpu.memory_space<semaphore_mem>> -> memref<1x1x!tpu.dma_semaphore, #tpu.memory_space<semaphore_mem>>
      %dma_start3A_649 = tpu.memref_squeeze %dma_start3A_648 : memref<1x1x!tpu.dma_semaphore, #tpu.memory_space<semaphore_mem>> -> memref<!tpu.dma_semaphore, #tpu.memory_space<semaphore_mem>>
      %dma_start3A_650 = arith.constant 0 : i32
      %dma_start3A_651 = tpu.memref_slice %arg7[%add3A_644, %dma_start3A_650] : memref<100000x1024xf32, #tpu.memory_space<hbm>> -> memref<512x1024xf32, #tpu.memory_space<hbm>>
      %dma_start3A_652 = arith.constant 0 : i32
      %dma_start3A_653 = arith.constant 0 : i32
      %dma_start3A_654 = tpu.memref_slice %arg10[%dma_start3A_645, %dma_start3A_652, %dma_start3A_653] : memref<3x2048x1024xf32, #tpu.memory_space<vmem>> -> memref<1x512x1024xf32, #tpu.memory_space<vmem>>
      %dma_start3A_655 = tpu.memref_squeeze %dma_start3A_654 : memref<1x512x1024xf32, #tpu.memory_space<vmem>> -> memref<512x1024xf32, #tpu.memory_space<vmem>>
      tpu.enqueue_dma source(%dma_start3A_655 : memref<512x1024xf32, #tpu.memory_space<vmem>>) target(%dma_start3A_651 : memref<512x1024xf32, #tpu.memory_space<hbm>>) target_semaphore(%dma_start3A_649 : memref<!tpu.dma_semaphore, #tpu.memory_space<semaphore_mem>>)
      %mul3A_656 = arith.constant 2048 : i32
      %mul3A_657 = arith.muli %add3A_603, %mul3A_656 : i32
      %add3A_658 = arith.constant 512 : i32
      %add3A_659 = arith.addi %mul3A_657, %add3A_658 : i32
      %dma_start3A_660 = arith.constant 1 : i32
      %dma_start3A_661 = arith.constant 1 : i32
      %dma_start3A_662 = arith.constant 1 : i32
      %dma_start3A_663 = tpu.memref_slice %arg13[%dma_start3A_661, %dma_start3A_662] : memref<3x4x!tpu.dma_semaphore, #tpu.memory_space<semaphore_mem>> -> memref<1x1x!tpu.dma_semaphore, #tpu.memory_space<semaphore_mem>>
      %dma_start3A_664 = tpu.memref_squeeze %dma_start3A_663 : memref<1x1x!tpu.dma_semaphore, #tpu.memory_space<semaphore_mem>> -> memref<!tpu.dma_semaphore, #tpu.memory_space<semaphore_mem>>
      %dma_start3A_665 = arith.constant 0 : i32
      %dma_start3A_666 = tpu.memref_slice %arg7[%add3A_659, %dma_start3A_665] : memref<100000x1024xf32, #tpu.memory_space<hbm>> -> memref<512x1024xf32, #tpu.memory_space<hbm>>
      %dma_start3A_667 = arith.constant 512 : i32
      %dma_start3A_668 = arith.constant 0 : i32
      %dma_start3A_669 = tpu.memref_slice %arg10[%dma_start3A_660, %dma_start3A_667, %dma_start3A_668] : memref<3x2048x1024xf32, #tpu.memory_space<vmem>> -> memref<1x512x1024xf32, #tpu.memory_space<vmem>>
      %dma_start3A_670 = tpu.memref_squeeze %dma_start3A_669 : memref<1x512x1024xf32, #tpu.memory_space<vmem>> -> memref<512x1024xf32, #tpu.memory_space<vmem>>
      tpu.enqueue_dma source(%dma_start3A_670 : memref<512x1024xf32, #tpu.memory_space<vmem>>) target(%dma_start3A_666 : memref<512x1024xf32, #tpu.memory_space<hbm>>) target_semaphore(%dma_start3A_664 : memref<!tpu.dma_semaphore, #tpu.memory_space<semaphore_mem>>)
      %mul3A_671 = arith.constant 2048 : i32
      %mul3A_672 = arith.muli %add3A_603, %mul3A_671 : i32
      %add3A_673 = arith.constant 1024 : i32
      %add3A_674 = arith.addi %mul3A_672, %add3A_673 : i32
      %dma_start3A_675 = arith.constant 1 : i32
      %dma_start3A_676 = arith.constant 1 : i32
      %dma_start3A_677 = arith.constant 2 : i32
      %dma_start3A_678 = tpu.memref_slice %arg13[%dma_start3A_676, %dma_start3A_677] : memref<3x4x!tpu.dma_semaphore, #tpu.memory_space<semaphore_mem>> -> memref<1x1x!tpu.dma_semaphore, #tpu.memory_space<semaphore_mem>>
      %dma_start3A_679 = tpu.memref_squeeze %dma_start3A_678 : memref<1x1x!tpu.dma_semaphore, #tpu.memory_space<semaphore_mem>> -> memref<!tpu.dma_semaphore, #tpu.memory_space<semaphore_mem>>
      %dma_start3A_680 = arith.constant 0 : i32
      %dma_start3A_681 = tpu.memref_slice %arg7[%add3A_674, %dma_start3A_680] : memref<100000x1024xf32, #tpu.memory_space<hbm>> -> memref<512x1024xf32, #tpu.memory_space<hbm>>
      %dma_start3A_682 = arith.constant 1024 : i32
      %dma_start3A_683 = arith.constant 0 : i32
      %dma_start3A_684 = tpu.memref_slice %arg10[%dma_start3A_675, %dma_start3A_682, %dma_start3A_683] : memref<3x2048x1024xf32, #tpu.memory_space<vmem>> -> memref<1x512x1024xf32, #tpu.memory_space<vmem>>
      %dma_start3A_685 = tpu.memref_squeeze %dma_start3A_684 : memref<1x512x1024xf32, #tpu.memory_space<vmem>> -> memref<512x1024xf32, #tpu.memory_space<vmem>>
      tpu.enqueue_dma source(%dma_start3A_685 : memref<512x1024xf32, #tpu.memory_space<vmem>>) target(%dma_start3A_681 : memref<512x1024xf32, #tpu.memory_space<hbm>>) target_semaphore(%dma_start3A_679 : memref<!tpu.dma_semaphore, #tpu.memory_space<semaphore_mem>>)
      %mul3A_686 = arith.constant 2048 : i32
      %mul3A_687 = arith.muli %add3A_603, %mul3A_686 : i32
      %add3A_688 = arith.constant 1536 : i32
      %add3A_689 = arith.addi %mul3A_687, %add3A_688 : i32
      %dma_start3A_690 = arith.constant 1 : i32
      %dma_start3A_691 = arith.constant 1 : i32
      %dma_start3A_692 = arith.constant 3 : i32
      %dma_start3A_693 = tpu.memref_slice %arg13[%dma_start3A_691, %dma_start3A_692] : memref<3x4x!tpu.dma_semaphore, #tpu.memory_space<semaphore_mem>> -> memref<1x1x!tpu.dma_semaphore, #tpu.memory_space<semaphore_mem>>
      %dma_start3A_694 = tpu.memref_squeeze %dma_start3A_693 : memref<1x1x!tpu.dma_semaphore, #tpu.memory_space<semaphore_mem>> -> memref<!tpu.dma_semaphore, #tpu.memory_space<semaphore_mem>>
      %dma_start3A_695 = arith.constant 0 : i32
      %dma_start3A_696 = tpu.memref_slice %arg7[%add3A_689, %dma_start3A_695] : memref<100000x1024xf32, #tpu.memory_space<hbm>> -> memref<512x1024xf32, #tpu.memory_space<hbm>>
      %dma_start3A_697 = arith.constant 1536 : i32
      %dma_start3A_698 = arith.constant 0 : i32
      %dma_start3A_699 = tpu.memref_slice %arg10[%dma_start3A_690, %dma_start3A_697, %dma_start3A_698] : memref<3x2048x1024xf32, #tpu.memory_space<vmem>> -> memref<1x512x1024xf32, #tpu.memory_space<vmem>>
      %dma_start3A_700 = tpu.memref_squeeze %dma_start3A_699 : memref<1x512x1024xf32, #tpu.memory_space<vmem>> -> memref<512x1024xf32, #tpu.memory_space<vmem>>
      tpu.enqueue_dma source(%dma_start3A_700 : memref<512x1024xf32, #tpu.memory_space<vmem>>) target(%dma_start3A_696 : memref<512x1024xf32, #tpu.memory_space<hbm>>) target_semaphore(%dma_start3A_694 : memref<!tpu.dma_semaphore, #tpu.memory_space<semaphore_mem>>)
      %lt3A_701 = arith.constant 15 : i32
      %lt3A_702 = arith.cmpi slt, %scan3A_483, %lt3A_701 : i32
      %convert_element_type3A_703 = arith.extui %lt3A_702 : i1 to i32
      %cond3A_704 = arith.constant 0 : i32
      %cond3A_705 = arith.cmpi ne, %convert_element_type3A_703, %cond3A_704 : i32
      scf.if %cond3A_705 {
        %add3A_840 = arith.constant 3 : i32
        %add3A_841 = arith.addi %add3A_603, %add3A_840 : i32
        %mul3A_842 = arith.constant 2048 : i32
        %mul3A_843 = arith.muli %add3A_841, %mul3A_842 : i32
        %multiple_of3A_844 = tpu.assume_multiple %mul3A_843, 2048 : i32
        %dma_start3A_845 = arith.constant 1 : i32
        %dma_start3A_846 = arith.constant 1 : i32
        %dma_start3A_847 = tpu.memref_slice %arg12[%dma_start3A_846] : memref<3x!tpu.dma_semaphore, #tpu.memory_space<semaphore_mem>> -> memref<1x!tpu.dma_semaphore, #tpu.memory_space<semaphore_mem>>
        %dma_start3A_848 = tpu.memref_squeeze %dma_start3A_847 : memref<1x!tpu.dma_semaphore, #tpu.memory_space<semaphore_mem>> -> memref<!tpu.dma_semaphore, #tpu.memory_space<semaphore_mem>>
        %dma_start3A_849 = arith.constant 0 : i32
        %dma_start3A_850 = arith.constant 0 : i32
        %dma_start3A_851 = tpu.memref_slice %arg9[%dma_start3A_845, %dma_start3A_849, %dma_start3A_850] : memref<3x256x2048xf32, #tpu.memory_space<vmem>> -> memref<1x256x2048xf32, #tpu.memory_space<vmem>>
        %dma_start3A_852 = tpu.memref_squeeze %dma_start3A_851 : memref<1x256x2048xf32, #tpu.memory_space<vmem>> -> memref<256x2048xf32, #tpu.memory_space<vmem>>
        %dma_start3A_853 = arith.constant 0 : i32
        %dma_start3A_854 = tpu.memref_slice %arg6[%dma_start3A_853, %multiple_of3A_844] : memref<256x100000xf32, #tpu.memory_space<hbm>> -> memref<256x2048xf32, #tpu.memory_space<hbm>>
        tpu.enqueue_dma source(%dma_start3A_854 : memref<256x2048xf32, #tpu.memory_space<hbm>>) target(%dma_start3A_852 : memref<256x2048xf32, #tpu.memory_space<vmem>>) target_semaphore(%dma_start3A_848 : memref<!tpu.dma_semaphore, #tpu.memory_space<semaphore_mem>>)
      } else {
      }
      %reduce_max3A_706 = arith.constant dense<0xFF800000> : vector<1024xf32>
      %reduce_max3A_707 = vector.multi_reduction <maximumf>, %add3A_629, %reduce_max3A_706 [0] : vector<2048x1024xf32> to vector<1024xf32>
      %broadcast_in_dim3A_708 = vector.shape_cast %reduce_max3A_707 : vector<1024xf32> to vector<1x1024xf32>
      %max3A_709 = arith.maximumf %max3A_589, %broadcast_in_dim3A_708 : vector<1x1024xf32>
      %sub3A_710 = arith.subf %max3A_589, %max3A_709 : vector<1x1024xf32>
      %exp3A_711 = math.exp %sub3A_710 : vector<1x1024xf32>
      %mul3A_712 = arith.mulf %add3A_599, %exp3A_711 : vector<1x1024xf32>
      %sub3A_713 = vector.broadcast %max3A_709 : vector<1x1024xf32> to vector<2048x1024xf32>
      %sub3A_714 = arith.subf %add3A_629, %sub3A_713 : vector<2048x1024xf32>
      %exp3A_715 = math.exp %sub3A_714 : vector<2048x1024xf32>
      %reduce_sum3A_716 = arith.constant dense<0.000000e+00> : vector<1024xf32>
      %reduce_sum3A_717 = vector.multi_reduction <add>, %exp3A_715, %reduce_sum3A_716 [0] : vector<2048x1024xf32> to vector<1024xf32>
      %broadcast_in_dim3A_718 = vector.shape_cast %reduce_sum3A_717 : vector<1024xf32> to vector<1x1024xf32>
      %add3A_719 = arith.addf %mul3A_712, %broadcast_in_dim3A_718 : vector<1x1024xf32>
      %mul3A_720 = arith.constant 3 : i32
      %mul3A_721 = arith.muli %scan3A_483, %mul3A_720 : i32
      %add3A_722 = arith.constant 2 : i32
      %add3A_723 = arith.addi %mul3A_721, %add3A_722 : i32
      %mul3A_724 = arith.constant 2048 : i32
      %mul3A_725 = arith.muli %add3A_723, %mul3A_724 : i32
      %multiple_of3A_726 = tpu.assume_multiple %mul3A_725, 2048 : i32
      %dma_wait3A_727 = arith.constant 2 : i32
      %dma_wait3A_728 = arith.constant 2 : i32
      %dma_wait3A_729 = tpu.memref_slice %arg12[%dma_wait3A_728] : memref<3x!tpu.dma_semaphore, #tpu.memory_space<semaphore_mem>> -> memref<1x!tpu.dma_semaphore, #tpu.memory_space<semaphore_mem>>
      %dma_wait3A_730 = tpu.memref_squeeze %dma_wait3A_729 : memref<1x!tpu.dma_semaphore, #tpu.memory_space<semaphore_mem>> -> memref<!tpu.dma_semaphore, #tpu.memory_space<semaphore_mem>>
      %dma_wait3A_731 = arith.constant 0 : i32
      %dma_wait3A_732 = arith.constant 0 : i32
      %dma_wait3A_733 = tpu.memref_slice %arg9[%dma_wait3A_727, %dma_wait3A_731, %dma_wait3A_732] : memref<3x256x2048xf32, #tpu.memory_space<vmem>> -> memref<1x256x2048xf32, #tpu.memory_space<vmem>>
      %dma_wait3A_734 = tpu.memref_squeeze %dma_wait3A_733 : memref<1x256x2048xf32, #tpu.memory_space<vmem>> -> memref<256x2048xf32, #tpu.memory_space<vmem>>
      %dma_wait3A_735 = arith.constant 0 : i32
      %dma_wait3A_736 = tpu.memref_slice %arg6[%dma_wait3A_735, %multiple_of3A_726] : memref<256x100000xf32, #tpu.memory_space<hbm>> -> memref<256x2048xf32, #tpu.memory_space<hbm>>
      tpu.wait_dma2 semaphore(%dma_wait3A_730 : memref<!tpu.dma_semaphore, #tpu.memory_space<semaphore_mem>>) src(%dma_wait3A_736 : memref<256x2048xf32, #tpu.memory_space<hbm>>) dst(%dma_wait3A_734 : memref<256x2048xf32, #tpu.memory_space<vmem>>)
      %get3A_737 = arith.constant 2 : index
      %get3A_738 = arith.constant 0 : index
      %get3A_739 = arith.constant 0 : index
      %get3A_740 = vector.load %arg9[%get3A_737, %get3A_738, %get3A_739] : memref<3x256x2048xf32, #tpu.memory_space<vmem>>, vector<1x256x2048xf32>
      %get3A_741 = vector.shape_cast %get3A_740 : vector<1x256x2048xf32> to vector<256x2048xf32>
      %dot_general3A_742 = arith.constant dense<0.000000e+00> : vector<2048x1024xf32>
      %dot_general3A_743 = tpu.matmul %get3A_741, %max3A_11, %dot_general3A_742 {dimension_numbers = #tpu.dot_dimension_numbers<[0], [0], [1], [1], [0, 1, 1, 1], [], []>, transpose_lhs_hint = false} : vector<256x2048xf32>, vector<256x1024xf32>, vector<2048x1024xf32> -> vector<2048x1024xf32>
      %get3A_744 = arith.index_cast %add3A_723 : i32 to index
      %get3A_745 = arith.constant 0 : index
      %get3A_746 = vector.load %arg3[%get3A_744, %get3A_745] : memref<48x2048xf32, #tpu.memory_space<vmem>>, vector<1x2048xf32>
      %transpose3A_747 = tpu.transpose %get3A_746, [1, 0] : vector<1x2048xf32> -> vector<2048x1xf32>
      %add3A_748 = vector.broadcast %transpose3A_747 : vector<2048x1xf32> to vector<2048x1024xf32>
      %add3A_749 = arith.addf %dot_general3A_743, %add3A_748 : vector<2048x1024xf32>
      %ge3A_750 = arith.constant 1 : i32
      %ge3A_751 = arith.cmpi sge, %scan3A_483, %ge3A_750 : i32
      %convert_element_type3A_752 = arith.extui %ge3A_751 : i1 to i32
      %cond3A_753 = arith.constant 0 : i32
      %cond3A_754 = arith.cmpi ne, %convert_element_type3A_752, %cond3A_753 : i32
      scf.if %cond3A_754 {
        %mul3A_840 = arith.constant 2048 : i32
        %mul3A_841 = arith.muli %add3A_723, %mul3A_840 : i32
        %add3A_842 = arith.constant 0 : i32
        %add3A_843 = arith.addi %mul3A_841, %add3A_842 : i32
        %dma_wait3A_844 = arith.constant 2 : i32
        %dma_wait3A_845 = arith.constant 2 : i32
        %dma_wait3A_846 = arith.constant 0 : i32
        %dma_wait3A_847 = tpu.memref_slice %arg13[%dma_wait3A_845, %dma_wait3A_846] : memref<3x4x!tpu.dma_semaphore, #tpu.memory_space<semaphore_mem>> -> memref<1x1x!tpu.dma_semaphore, #tpu.memory_space<semaphore_mem>>
        %dma_wait3A_848 = tpu.memref_squeeze %dma_wait3A_847 : memref<1x1x!tpu.dma_semaphore, #tpu.memory_space<semaphore_mem>> -> memref<!tpu.dma_semaphore, #tpu.memory_space<semaphore_mem>>
        %dma_wait3A_849 = arith.constant 0 : i32
        %dma_wait3A_850 = tpu.memref_slice %arg7[%add3A_843, %dma_wait3A_849] : memref<100000x1024xf32, #tpu.memory_space<hbm>> -> memref<512x1024xf32, #tpu.memory_space<hbm>>
        %dma_wait3A_851 = arith.constant 0 : i32
        %dma_wait3A_852 = arith.constant 0 : i32
        %dma_wait3A_853 = tpu.memref_slice %arg10[%dma_wait3A_844, %dma_wait3A_851, %dma_wait3A_852] : memref<3x2048x1024xf32, #tpu.memory_space<vmem>> -> memref<1x512x1024xf32, #tpu.memory_space<vmem>>
        %dma_wait3A_854 = tpu.memref_squeeze %dma_wait3A_853 : memref<1x512x1024xf32, #tpu.memory_space<vmem>> -> memref<512x1024xf32, #tpu.memory_space<vmem>>
        tpu.wait_dma2 semaphore(%dma_wait3A_848 : memref<!tpu.dma_semaphore, #tpu.memory_space<semaphore_mem>>) src(%dma_wait3A_854 : memref<512x1024xf32, #tpu.memory_space<vmem>>) dst(%dma_wait3A_850 : memref<512x1024xf32, #tpu.memory_space<hbm>>)
        %mul3A_855 = arith.constant 2048 : i32
        %mul3A_856 = arith.muli %add3A_723, %mul3A_855 : i32
        %add3A_857 = arith.constant 512 : i32
        %add3A_858 = arith.addi %mul3A_856, %add3A_857 : i32
        %dma_wait3A_859 = arith.constant 2 : i32
        %dma_wait3A_860 = arith.constant 2 : i32
        %dma_wait3A_861 = arith.constant 1 : i32
        %dma_wait3A_862 = tpu.memref_slice %arg13[%dma_wait3A_860, %dma_wait3A_861] : memref<3x4x!tpu.dma_semaphore, #tpu.memory_space<semaphore_mem>> -> memref<1x1x!tpu.dma_semaphore, #tpu.memory_space<semaphore_mem>>
        %dma_wait3A_863 = tpu.memref_squeeze %dma_wait3A_862 : memref<1x1x!tpu.dma_semaphore, #tpu.memory_space<semaphore_mem>> -> memref<!tpu.dma_semaphore, #tpu.memory_space<semaphore_mem>>
        %dma_wait3A_864 = arith.constant 0 : i32
        %dma_wait3A_865 = tpu.memref_slice %arg7[%add3A_858, %dma_wait3A_864] : memref<100000x1024xf32, #tpu.memory_space<hbm>> -> memref<512x1024xf32, #tpu.memory_space<hbm>>
        %dma_wait3A_866 = arith.constant 512 : i32
        %dma_wait3A_867 = arith.constant 0 : i32
        %dma_wait3A_868 = tpu.memref_slice %arg10[%dma_wait3A_859, %dma_wait3A_866, %dma_wait3A_867] : memref<3x2048x1024xf32, #tpu.memory_space<vmem>> -> memref<1x512x1024xf32, #tpu.memory_space<vmem>>
        %dma_wait3A_869 = tpu.memref_squeeze %dma_wait3A_868 : memref<1x512x1024xf32, #tpu.memory_space<vmem>> -> memref<512x1024xf32, #tpu.memory_space<vmem>>
        tpu.wait_dma2 semaphore(%dma_wait3A_863 : memref<!tpu.dma_semaphore, #tpu.memory_space<semaphore_mem>>) src(%dma_wait3A_869 : memref<512x1024xf32, #tpu.memory_space<vmem>>) dst(%dma_wait3A_865 : memref<512x1024xf32, #tpu.memory_space<hbm>>)
        %mul3A_870 = arith.constant 2048 : i32
        %mul3A_871 = arith.muli %add3A_723, %mul3A_870 : i32
        %add3A_872 = arith.constant 1024 : i32
        %add3A_873 = arith.addi %mul3A_871, %add3A_872 : i32
        %dma_wait3A_874 = arith.constant 2 : i32
        %dma_wait3A_875 = arith.constant 2 : i32
        %dma_wait3A_876 = arith.constant 2 : i32
        %dma_wait3A_877 = tpu.memref_slice %arg13[%dma_wait3A_875, %dma_wait3A_876] : memref<3x4x!tpu.dma_semaphore, #tpu.memory_space<semaphore_mem>> -> memref<1x1x!tpu.dma_semaphore, #tpu.memory_space<semaphore_mem>>
        %dma_wait3A_878 = tpu.memref_squeeze %dma_wait3A_877 : memref<1x1x!tpu.dma_semaphore, #tpu.memory_space<semaphore_mem>> -> memref<!tpu.dma_semaphore, #tpu.memory_space<semaphore_mem>>
        %dma_wait3A_879 = arith.constant 0 : i32
        %dma_wait3A_880 = tpu.memref_slice %arg7[%add3A_873, %dma_wait3A_879] : memref<100000x1024xf32, #tpu.memory_space<hbm>> -> memref<512x1024xf32, #tpu.memory_space<hbm>>
        %dma_wait3A_881 = arith.constant 1024 : i32
        %dma_wait3A_882 = arith.constant 0 : i32
        %dma_wait3A_883 = tpu.memref_slice %arg10[%dma_wait3A_874, %dma_wait3A_881, %dma_wait3A_882] : memref<3x2048x1024xf32, #tpu.memory_space<vmem>> -> memref<1x512x1024xf32, #tpu.memory_space<vmem>>
        %dma_wait3A_884 = tpu.memref_squeeze %dma_wait3A_883 : memref<1x512x1024xf32, #tpu.memory_space<vmem>> -> memref<512x1024xf32, #tpu.memory_space<vmem>>
        tpu.wait_dma2 semaphore(%dma_wait3A_878 : memref<!tpu.dma_semaphore, #tpu.memory_space<semaphore_mem>>) src(%dma_wait3A_884 : memref<512x1024xf32, #tpu.memory_space<vmem>>) dst(%dma_wait3A_880 : memref<512x1024xf32, #tpu.memory_space<hbm>>)
        %mul3A_885 = arith.constant 2048 : i32
        %mul3A_886 = arith.muli %add3A_723, %mul3A_885 : i32
        %add3A_887 = arith.constant 1536 : i32
        %add3A_888 = arith.addi %mul3A_886, %add3A_887 : i32
        %dma_wait3A_889 = arith.constant 2 : i32
        %dma_wait3A_890 = arith.constant 2 : i32
        %dma_wait3A_891 = arith.constant 3 : i32
        %dma_wait3A_892 = tpu.memref_slice %arg13[%dma_wait3A_890, %dma_wait3A_891] : memref<3x4x!tpu.dma_semaphore, #tpu.memory_space<semaphore_mem>> -> memref<1x1x!tpu.dma_semaphore, #tpu.memory_space<semaphore_mem>>
        %dma_wait3A_893 = tpu.memref_squeeze %dma_wait3A_892 : memref<1x1x!tpu.dma_semaphore, #tpu.memory_space<semaphore_mem>> -> memref<!tpu.dma_semaphore, #tpu.memory_space<semaphore_mem>>
        %dma_wait3A_894 = arith.constant 0 : i32
        %dma_wait3A_895 = tpu.memref_slice %arg7[%add3A_888, %dma_wait3A_894] : memref<100000x1024xf32, #tpu.memory_space<hbm>> -> memref<512x1024xf32, #tpu.memory_space<hbm>>
        %dma_wait3A_896 = arith.constant 1536 : i32
        %dma_wait3A_897 = arith.constant 0 : i32
        %dma_wait3A_898 = tpu.memref_slice %arg10[%dma_wait3A_889, %dma_wait3A_896, %dma_wait3A_897] : memref<3x2048x1024xf32, #tpu.memory_space<vmem>> -> memref<1x512x1024xf32, #tpu.memory_space<vmem>>
        %dma_wait3A_899 = tpu.memref_squeeze %dma_wait3A_898 : memref<1x512x1024xf32, #tpu.memory_space<vmem>> -> memref<512x1024xf32, #tpu.memory_space<vmem>>
        tpu.wait_dma2 semaphore(%dma_wait3A_893 : memref<!tpu.dma_semaphore, #tpu.memory_space<semaphore_mem>>) src(%dma_wait3A_899 : memref<512x1024xf32, #tpu.memory_space<vmem>>) dst(%dma_wait3A_895 : memref<512x1024xf32, #tpu.memory_space<hbm>>)
      } else {
      }
      %swap3A_755 = arith.constant 2 : index
      %swap3A_756 = arith.constant 0 : index
      %swap3A_757 = arith.constant 0 : index
      %swap3A_758 = vector.load %arg10[%swap3A_755, %swap3A_756, %swap3A_757] : memref<3x2048x1024xf32, #tpu.memory_space<vmem>>, vector<1x2048x1024xf32>
      %swap3A_759 = vector.shape_cast %swap3A_758 : vector<1x2048x1024xf32> to vector<2048x1024xf32>
      %swap3A_760 = vector.shape_cast %add3A_749 : vector<2048x1024xf32> to vector<1x2048x1024xf32>
      tpu.vector_store %arg10[%swap3A_755, %swap3A_756, %swap3A_757], %swap3A_760 {strides = array<i32>} : memref<3x2048x1024xf32, #tpu.memory_space<vmem>>, vector<1x2048x1024xf32>,
      %mul3A_761 = arith.constant 2048 : i32
      %mul3A_762 = arith.muli %add3A_723, %mul3A_761 : i32
      %add3A_763 = arith.constant 0 : i32
      %add3A_764 = arith.addi %mul3A_762, %add3A_763 : i32
      %dma_start3A_765 = arith.constant 2 : i32
      %dma_start3A_766 = arith.constant 2 : i32
      %dma_start3A_767 = arith.constant 0 : i32
      %dma_start3A_768 = tpu.memref_slice %arg13[%dma_start3A_766, %dma_start3A_767] : memref<3x4x!tpu.dma_semaphore, #tpu.memory_space<semaphore_mem>> -> memref<1x1x!tpu.dma_semaphore, #tpu.memory_space<semaphore_mem>>
      %dma_start3A_769 = tpu.memref_squeeze %dma_start3A_768 : memref<1x1x!tpu.dma_semaphore, #tpu.memory_space<semaphore_mem>> -> memref<!tpu.dma_semaphore, #tpu.memory_space<semaphore_mem>>
      %dma_start3A_770 = arith.constant 0 : i32
      %dma_start3A_771 = tpu.memref_slice %arg7[%add3A_764, %dma_start3A_770] : memref<100000x1024xf32, #tpu.memory_space<hbm>> -> memref<512x1024xf32, #tpu.memory_space<hbm>>
      %dma_start3A_772 = arith.constant 0 : i32
      %dma_start3A_773 = arith.constant 0 : i32
      %dma_start3A_774 = tpu.memref_slice %arg10[%dma_start3A_765, %dma_start3A_772, %dma_start3A_773] : memref<3x2048x1024xf32, #tpu.memory_space<vmem>> -> memref<1x512x1024xf32, #tpu.memory_space<vmem>>
      %dma_start3A_775 = tpu.memref_squeeze %dma_start3A_774 : memref<1x512x1024xf32, #tpu.memory_space<vmem>> -> memref<512x1024xf32, #tpu.memory_space<vmem>>
      tpu.enqueue_dma source(%dma_start3A_775 : memref<512x1024xf32, #tpu.memory_space<vmem>>) target(%dma_start3A_771 : memref<512x1024xf32, #tpu.memory_space<hbm>>) target_semaphore(%dma_start3A_769 : memref<!tpu.dma_semaphore, #tpu.memory_space<semaphore_mem>>)
      %mul3A_776 = arith.constant 2048 : i32
      %mul3A_777 = arith.muli %add3A_723, %mul3A_776 : i32
      %add3A_778 = arith.constant 512 : i32
      %add3A_779 = arith.addi %mul3A_777, %add3A_778 : i32
      %dma_start3A_780 = arith.constant 2 : i32
      %dma_start3A_781 = arith.constant 2 : i32
      %dma_start3A_782 = arith.constant 1 : i32
      %dma_start3A_783 = tpu.memref_slice %arg13[%dma_start3A_781, %dma_start3A_782] : memref<3x4x!tpu.dma_semaphore, #tpu.memory_space<semaphore_mem>> -> memref<1x1x!tpu.dma_semaphore, #tpu.memory_space<semaphore_mem>>
      %dma_start3A_784 = tpu.memref_squeeze %dma_start3A_783 : memref<1x1x!tpu.dma_semaphore, #tpu.memory_space<semaphore_mem>> -> memref<!tpu.dma_semaphore, #tpu.memory_space<semaphore_mem>>
      %dma_start3A_785 = arith.constant 0 : i32
      %dma_start3A_786 = tpu.memref_slice %arg7[%add3A_779, %dma_start3A_785] : memref<100000x1024xf32, #tpu.memory_space<hbm>> -> memref<512x1024xf32, #tpu.memory_space<hbm>>
      %dma_start3A_787 = arith.constant 512 : i32
      %dma_start3A_788 = arith.constant 0 : i32
      %dma_start3A_789 = tpu.memref_slice %arg10[%dma_start3A_780, %dma_start3A_787, %dma_start3A_788] : memref<3x2048x1024xf32, #tpu.memory_space<vmem>> -> memref<1x512x1024xf32, #tpu.memory_space<vmem>>
      %dma_start3A_790 = tpu.memref_squeeze %dma_start3A_789 : memref<1x512x1024xf32, #tpu.memory_space<vmem>> -> memref<512x1024xf32, #tpu.memory_space<vmem>>
      tpu.enqueue_dma source(%dma_start3A_790 : memref<512x1024xf32, #tpu.memory_space<vmem>>) target(%dma_start3A_786 : memref<512x1024xf32, #tpu.memory_space<hbm>>) target_semaphore(%dma_start3A_784 : memref<!tpu.dma_semaphore, #tpu.memory_space<semaphore_mem>>)
      %mul3A_791 = arith.constant 2048 : i32
      %mul3A_792 = arith.muli %add3A_723, %mul3A_791 : i32
      %add3A_793 = arith.constant 1024 : i32
      %add3A_794 = arith.addi %mul3A_792, %add3A_793 : i32
      %dma_start3A_795 = arith.constant 2 : i32
      %dma_start3A_796 = arith.constant 2 : i32
      %dma_start3A_797 = arith.constant 2 : i32
      %dma_start3A_798 = tpu.memref_slice %arg13[%dma_start3A_796, %dma_start3A_797] : memref<3x4x!tpu.dma_semaphore, #tpu.memory_space<semaphore_mem>> -> memref<1x1x!tpu.dma_semaphore, #tpu.memory_space<semaphore_mem>>
      %dma_start3A_799 = tpu.memref_squeeze %dma_start3A_798 : memref<1x1x!tpu.dma_semaphore, #tpu.memory_space<semaphore_mem>> -> memref<!tpu.dma_semaphore, #tpu.memory_space<semaphore_mem>>
      %dma_start3A_800 = arith.constant 0 : i32
      %dma_start3A_801 = tpu.memref_slice %arg7[%add3A_794, %dma_start3A_800] : memref<100000x1024xf32, #tpu.memory_space<hbm>> -> memref<512x1024xf32, #tpu.memory_space<hbm>>
      %dma_start3A_802 = arith.constant 1024 : i32
      %dma_start3A_803 = arith.constant 0 : i32
      %dma_start3A_804 = tpu.memref_slice %arg10[%dma_start3A_795, %dma_start3A_802, %dma_start3A_803] : memref<3x2048x1024xf32, #tpu.memory_space<vmem>> -> memref<1x512x1024xf32, #tpu.memory_space<vmem>>
      %dma_start3A_805 = tpu.memref_squeeze %dma_start3A_804 : memref<1x512x1024xf32, #tpu.memory_space<vmem>> -> memref<512x1024xf32, #tpu.memory_space<vmem>>
      tpu.enqueue_dma source(%dma_start3A_805 : memref<512x1024xf32, #tpu.memory_space<vmem>>) target(%dma_start3A_801 : memref<512x1024xf32, #tpu.memory_space<hbm>>) target_semaphore(%dma_start3A_799 : memref<!tpu.dma_semaphore, #tpu.memory_space<semaphore_mem>>)
      %mul3A_806 = arith.constant 2048 : i32
      %mul3A_807 = arith.muli %add3A_723, %mul3A_806 : i32
      %add3A_808 = arith.constant 1536 : i32
      %add3A_809 = arith.addi %mul3A_807, %add3A_808 : i32
      %dma_start3A_810 = arith.constant 2 : i32
      %dma_start3A_811 = arith.constant 2 : i32
      %dma_start3A_812 = arith.constant 3 : i32
      %dma_start3A_813 = tpu.memref_slice %arg13[%dma_start3A_811, %dma_start3A_812] : memref<3x4x!tpu.dma_semaphore, #tpu.memory_space<semaphore_mem>> -> memref<1x1x!tpu.dma_semaphore, #tpu.memory_space<semaphore_mem>>
      %dma_start3A_814 = tpu.memref_squeeze %dma_start3A_813 : memref<1x1x!tpu.dma_semaphore, #tpu.memory_space<semaphore_mem>> -> memref<!tpu.dma_semaphore, #tpu.memory_space<semaphore_mem>>
      %dma_start3A_815 = arith.constant 0 : i32
      %dma_start3A_816 = tpu.memref_slice %arg7[%add3A_809, %dma_start3A_815] : memref<100000x1024xf32, #tpu.memory_space<hbm>> -> memref<512x1024xf32, #tpu.memory_space<hbm>>
      %dma_start3A_817 = arith.constant 1536 : i32
      %dma_start3A_818 = arith.constant 0 : i32
      %dma_start3A_819 = tpu.memref_slice %arg10[%dma_start3A_810, %dma_start3A_817, %dma_start3A_818] : memref<3x2048x1024xf32, #tpu.memory_space<vmem>> -> memref<1x512x1024xf32, #tpu.memory_space<vmem>>
      %dma_start3A_820 = tpu.memref_squeeze %dma_start3A_819 : memref<1x512x1024xf32, #tpu.memory_space<vmem>> -> memref<512x1024xf32, #tpu.memory_space<vmem>>
      tpu.enqueue_dma source(%dma_start3A_820 : memref<512x1024xf32, #tpu.memory_space<vmem>>) target(%dma_start3A_816 : memref<512x1024xf32, #tpu.memory_space<hbm>>) target_semaphore(%dma_start3A_814 : memref<!tpu.dma_semaphore, #tpu.memory_space<semaphore_mem>>)
      %lt3A_821 = arith.constant 15 : i32
      %lt3A_822 = arith.cmpi slt, %scan3A_483, %lt3A_821 : i32
      %convert_element_type3A_823 = arith.extui %lt3A_822 : i1 to i32
      %cond3A_824 = arith.constant 0 : i32
      %cond3A_825 = arith.cmpi ne, %convert_element_type3A_823, %cond3A_824 : i32
      scf.if %cond3A_825 {
        %add3A_840 = arith.constant 3 : i32
        %add3A_841 = arith.addi %add3A_723, %add3A_840 : i32
        %mul3A_842 = arith.constant 2048 : i32
        %mul3A_843 = arith.muli %add3A_841, %mul3A_842 : i32
        %multiple_of3A_844 = tpu.assume_multiple %mul3A_843, 2048 : i32
        %dma_start3A_845 = arith.constant 2 : i32
        %dma_start3A_846 = arith.constant 2 : i32
        %dma_start3A_847 = tpu.memref_slice %arg12[%dma_start3A_846] : memref<3x!tpu.dma_semaphore, #tpu.memory_space<semaphore_mem>> -> memref<1x!tpu.dma_semaphore, #tpu.memory_space<semaphore_mem>>
        %dma_start3A_848 = tpu.memref_squeeze %dma_start3A_847 : memref<1x!tpu.dma_semaphore, #tpu.memory_space<semaphore_mem>> -> memref<!tpu.dma_semaphore, #tpu.memory_space<semaphore_mem>>
        %dma_start3A_849 = arith.constant 0 : i32
        %dma_start3A_850 = arith.constant 0 : i32
        %dma_start3A_851 = tpu.memref_slice %arg9[%dma_start3A_845, %dma_start3A_849, %dma_start3A_850] : memref<3x256x2048xf32, #tpu.memory_space<vmem>> -> memref<1x256x2048xf32, #tpu.memory_space<vmem>>
        %dma_start3A_852 = tpu.memref_squeeze %dma_start3A_851 : memref<1x256x2048xf32, #tpu.memory_space<vmem>> -> memref<256x2048xf32, #tpu.memory_space<vmem>>
        %dma_start3A_853 = arith.constant 0 : i32
        %dma_start3A_854 = tpu.memref_slice %arg6[%dma_start3A_853, %multiple_of3A_844] : memref<256x100000xf32, #tpu.memory_space<hbm>> -> memref<256x2048xf32, #tpu.memory_space<hbm>>
        tpu.enqueue_dma source(%dma_start3A_854 : memref<256x2048xf32, #tpu.memory_space<hbm>>) target(%dma_start3A_852 : memref<256x2048xf32, #tpu.memory_space<vmem>>) target_semaphore(%dma_start3A_848 : memref<!tpu.dma_semaphore, #tpu.memory_space<semaphore_mem>>)
      } else {
      }
      %reduce_max3A_826 = arith.constant dense<0xFF800000> : vector<1024xf32>
      %reduce_max3A_827 = vector.multi_reduction <maximumf>, %add3A_749, %reduce_max3A_826 [0] : vector<2048x1024xf32> to vector<1024xf32>
      %broadcast_in_dim3A_828 = vector.shape_cast %reduce_max3A_827 : vector<1024xf32> to vector<1x1024xf32>
      %max3A_829 = arith.maximumf %max3A_709, %broadcast_in_dim3A_828 : vector<1x1024xf32>
      %sub3A_830 = arith.subf %max3A_709, %max3A_829 : vector<1x1024xf32>
      %exp3A_831 = math.exp %sub3A_830 : vector<1x1024xf32>
      %mul3A_832 = arith.mulf %add3A_719, %exp3A_831 : vector<1x1024xf32>
      %sub3A_833 = vector.broadcast %max3A_829 : vector<1x1024xf32> to vector<2048x1024xf32>
      %sub3A_834 = arith.subf %add3A_749, %sub3A_833 : vector<2048x1024xf32>
      %exp3A_835 = math.exp %sub3A_834 : vector<2048x1024xf32>
      %reduce_sum3A_836 = arith.constant dense<0.000000e+00> : vector<1024xf32>
      %reduce_sum3A_837 = vector.multi_reduction <add>, %exp3A_835, %reduce_sum3A_836 [0] : vector<2048x1024xf32> to vector<1024xf32>
      %broadcast_in_dim3A_838 = vector.shape_cast %reduce_sum3A_837 : vector<1024xf32> to vector<1x1024xf32>
      %add3A_839 = arith.addf %mul3A_832, %broadcast_in_dim3A_838 : vector<1x1024xf32>
      scf.yield %max3A_829, %add3A_839 : vector<1x1024xf32>, vector<1x1024xf32>
    }
    %scan3A_84 = arith.constant 16 : i32
    %log3A = math.log %scan3A_83#1 : vector<1x1024xf32>
    %add3A_85 = arith.addf %scan3A_83#0, %log3A : vector<1x1024xf32>
    %dma_wait3A = arith.constant 0 : i32
    %dma_wait3A_86 = arith.constant 0 : i32
    %dma_wait3A_87 = arith.constant 0 : i32
    %dma_wait3A_88 = tpu.memref_slice %arg13[%dma_wait3A_86, %dma_wait3A_87] : memref<3x4x!tpu.dma_semaphore, #tpu.memory_space<semaphore_mem>> -> memref<1x1x!tpu.dma_semaphore, #tpu.memory_space<semaphore_mem>>
    %dma_wait3A_89 = tpu.memref_squeeze %dma_wait3A_88 : memref<1x1x!tpu.dma_semaphore, #tpu.memory_space<semaphore_mem>> -> memref<!tpu.dma_semaphore, #tpu.memory_space<semaphore_mem>>
    %dma_wait3A_90 = arith.constant 92160 : i32
    %dma_wait3A_91 = arith.constant 0 : i32
    %dma_wait3A_92 = tpu.memref_slice %arg7[%dma_wait3A_90, %dma_wait3A_91] : memref<100000x1024xf32, #tpu.memory_space<hbm>> -> memref<512x1024xf32, #tpu.memory_space<hbm>>
    %dma_wait3A_93 = arith.constant 0 : i32
    %dma_wait3A_94 = arith.constant 0 : i32
    %dma_wait3A_95 = tpu.memref_slice %arg10[%dma_wait3A, %dma_wait3A_93, %dma_wait3A_94] : memref<3x2048x1024xf32, #tpu.memory_space<vmem>> -> memref<1x512x1024xf32, #tpu.memory_space<vmem>>
    %dma_wait3A_96 = tpu.memref_squeeze %dma_wait3A_95 : memref<1x512x1024xf32, #tpu.memory_space<vmem>> -> memref<512x1024xf32, #tpu.memory_space<vmem>>
    tpu.wait_dma2 semaphore(%dma_wait3A_89 : memref<!tpu.dma_semaphore, #tpu.memory_space<semaphore_mem>>) src(%dma_wait3A_96 : memref<512x1024xf32, #tpu.memory_space<vmem>>) dst(%dma_wait3A_92 : memref<512x1024xf32, #tpu.memory_space<hbm>>)
    %dma_wait3A_97 = arith.constant 0 : i32
    %dma_wait3A_98 = arith.constant 0 : i32
    %dma_wait3A_99 = arith.constant 1 : i32
    %dma_wait3A_100 = tpu.memref_slice %arg13[%dma_wait3A_98, %dma_wait3A_99] : memref<3x4x!tpu.dma_semaphore, #tpu.memory_space<semaphore_mem>> -> memref<1x1x!tpu.dma_semaphore, #tpu.memory_space<semaphore_mem>>
    %dma_wait3A_101 = tpu.memref_squeeze %dma_wait3A_100 : memref<1x1x!tpu.dma_semaphore, #tpu.memory_space<semaphore_mem>> -> memref<!tpu.dma_semaphore, #tpu.memory_space<semaphore_mem>>
    %dma_wait3A_102 = arith.constant 92672 : i32
    %dma_wait3A_103 = arith.constant 0 : i32
    %dma_wait3A_104 = tpu.memref_slice %arg7[%dma_wait3A_102, %dma_wait3A_103] : memref<100000x1024xf32, #tpu.memory_space<hbm>> -> memref<512x1024xf32, #tpu.memory_space<hbm>>
    %dma_wait3A_105 = arith.constant 512 : i32
    %dma_wait3A_106 = arith.constant 0 : i32
    %dma_wait3A_107 = tpu.memref_slice %arg10[%dma_wait3A_97, %dma_wait3A_105, %dma_wait3A_106] : memref<3x2048x1024xf32, #tpu.memory_space<vmem>> -> memref<1x512x1024xf32, #tpu.memory_space<vmem>>
    %dma_wait3A_108 = tpu.memref_squeeze %dma_wait3A_107 : memref<1x512x1024xf32, #tpu.memory_space<vmem>> -> memref<512x1024xf32, #tpu.memory_space<vmem>>
    tpu.wait_dma2 semaphore(%dma_wait3A_101 : memref<!tpu.dma_semaphore, #tpu.memory_space<semaphore_mem>>) src(%dma_wait3A_108 : memref<512x1024xf32, #tpu.memory_space<vmem>>) dst(%dma_wait3A_104 : memref<512x1024xf32, #tpu.memory_space<hbm>>)
    %dma_wait3A_109 = arith.constant 0 : i32
    %dma_wait3A_110 = arith.constant 0 : i32
    %dma_wait3A_111 = arith.constant 2 : i32
    %dma_wait3A_112 = tpu.memref_slice %arg13[%dma_wait3A_110, %dma_wait3A_111] : memref<3x4x!tpu.dma_semaphore, #tpu.memory_space<semaphore_mem>> -> memref<1x1x!tpu.dma_semaphore, #tpu.memory_space<semaphore_mem>>
    %dma_wait3A_113 = tpu.memref_squeeze %dma_wait3A_112 : memref<1x1x!tpu.dma_semaphore, #tpu.memory_space<semaphore_mem>> -> memref<!tpu.dma_semaphore, #tpu.memory_space<semaphore_mem>>
    %dma_wait3A_114 = arith.constant 93184 : i32
    %dma_wait3A_115 = arith.constant 0 : i32
    %dma_wait3A_116 = tpu.memref_slice %arg7[%dma_wait3A_114, %dma_wait3A_115] : memref<100000x1024xf32, #tpu.memory_space<hbm>> -> memref<512x1024xf32, #tpu.memory_space<hbm>>
    %dma_wait3A_117 = arith.constant 1024 : i32
    %dma_wait3A_118 = arith.constant 0 : i32
    %dma_wait3A_119 = tpu.memref_slice %arg10[%dma_wait3A_109, %dma_wait3A_117, %dma_wait3A_118] : memref<3x2048x1024xf32, #tpu.memory_space<vmem>> -> memref<1x512x1024xf32, #tpu.memory_space<vmem>>
    %dma_wait3A_120 = tpu.memref_squeeze %dma_wait3A_119 : memref<1x512x1024xf32, #tpu.memory_space<vmem>> -> memref<512x1024xf32, #tpu.memory_space<vmem>>
    tpu.wait_dma2 semaphore(%dma_wait3A_113 : memref<!tpu.dma_semaphore, #tpu.memory_space<semaphore_mem>>) src(%dma_wait3A_120 : memref<512x1024xf32, #tpu.memory_space<vmem>>) dst(%dma_wait3A_116 : memref<512x1024xf32, #tpu.memory_space<hbm>>)
    %dma_wait3A_121 = arith.constant 0 : i32
    %dma_wait3A_122 = arith.constant 0 : i32
    %dma_wait3A_123 = arith.constant 3 : i32
    %dma_wait3A_124 = tpu.memref_slice %arg13[%dma_wait3A_122, %dma_wait3A_123] : memref<3x4x!tpu.dma_semaphore, #tpu.memory_space<semaphore_mem>> -> memref<1x1x!tpu.dma_semaphore, #tpu.memory_space<semaphore_mem>>
    %dma_wait3A_125 = tpu.memref_squeeze %dma_wait3A_124 : memref<1x1x!tpu.dma_semaphore, #tpu.memory_space<semaphore_mem>> -> memref<!tpu.dma_semaphore, #tpu.memory_space<semaphore_mem>>
    %dma_wait3A_126 = arith.constant 93696 : i32
    %dma_wait3A_127 = arith.constant 0 : i32
    %dma_wait3A_128 = tpu.memref_slice %arg7[%dma_wait3A_126, %dma_wait3A_127] : memref<100000x1024xf32, #tpu.memory_space<hbm>> -> memref<512x1024xf32, #tpu.memory_space<hbm>>
    %dma_wait3A_129 = arith.constant 1536 : i32
    %dma_wait3A_130 = arith.constant 0 : i32
    %dma_wait3A_131 = tpu.memref_slice %arg10[%dma_wait3A_121, %dma_wait3A_129, %dma_wait3A_130] : memref<3x2048x1024xf32, #tpu.memory_space<vmem>> -> memref<1x512x1024xf32, #tpu.memory_space<vmem>>
    %dma_wait3A_132 = tpu.memref_squeeze %dma_wait3A_131 : memref<1x512x1024xf32, #tpu.memory_space<vmem>> -> memref<512x1024xf32, #tpu.memory_space<vmem>>
    tpu.wait_dma2 semaphore(%dma_wait3A_125 : memref<!tpu.dma_semaphore, #tpu.memory_space<semaphore_mem>>) src(%dma_wait3A_132 : memref<512x1024xf32, #tpu.memory_space<vmem>>) dst(%dma_wait3A_128 : memref<512x1024xf32, #tpu.memory_space<hbm>>)
    %dma_wait3A_133 = arith.constant 1 : i32
    %dma_wait3A_134 = arith.constant 1 : i32
    %dma_wait3A_135 = arith.constant 0 : i32
    %dma_wait3A_136 = tpu.memref_slice %arg13[%dma_wait3A_134, %dma_wait3A_135] : memref<3x4x!tpu.dma_semaphore, #tpu.memory_space<semaphore_mem>> -> memref<1x1x!tpu.dma_semaphore, #tpu.memory_space<semaphore_mem>>
    %dma_wait3A_137 = tpu.memref_squeeze %dma_wait3A_136 : memref<1x1x!tpu.dma_semaphore, #tpu.memory_space<semaphore_mem>> -> memref<!tpu.dma_semaphore, #tpu.memory_space<semaphore_mem>>
    %dma_wait3A_138 = arith.constant 94208 : i32
    %dma_wait3A_139 = arith.constant 0 : i32
    %dma_wait3A_140 = tpu.memref_slice %arg7[%dma_wait3A_138, %dma_wait3A_139] : memref<100000x1024xf32, #tpu.memory_space<hbm>> -> memref<512x1024xf32, #tpu.memory_space<hbm>>
    %dma_wait3A_141 = arith.constant 0 : i32
    %dma_wait3A_142 = arith.constant 0 : i32
    %dma_wait3A_143 = tpu.memref_slice %arg10[%dma_wait3A_133, %dma_wait3A_141, %dma_wait3A_142] : memref<3x2048x1024xf32, #tpu.memory_space<vmem>> -> memref<1x512x1024xf32, #tpu.memory_space<vmem>>
    %dma_wait3A_144 = tpu.memref_squeeze %dma_wait3A_143 : memref<1x512x1024xf32, #tpu.memory_space<vmem>> -> memref<512x1024xf32, #tpu.memory_space<vmem>>
    tpu.wait_dma2 semaphore(%dma_wait3A_137 : memref<!tpu.dma_semaphore, #tpu.memory_space<semaphore_mem>>) src(%dma_wait3A_144 : memref<512x1024xf32, #tpu.memory_space<vmem>>) dst(%dma_wait3A_140 : memref<512x1024xf32, #tpu.memory_space<hbm>>)
    %dma_wait3A_145 = arith.constant 1 : i32
    %dma_wait3A_146 = arith.constant 1 : i32
    %dma_wait3A_147 = arith.constant 1 : i32
    %dma_wait3A_148 = tpu.memref_slice %arg13[%dma_wait3A_146, %dma_wait3A_147] : memref<3x4x!tpu.dma_semaphore, #tpu.memory_space<semaphore_mem>> -> memref<1x1x!tpu.dma_semaphore, #tpu.memory_space<semaphore_mem>>
    %dma_wait3A_149 = tpu.memref_squeeze %dma_wait3A_148 : memref<1x1x!tpu.dma_semaphore, #tpu.memory_space<semaphore_mem>> -> memref<!tpu.dma_semaphore, #tpu.memory_space<semaphore_mem>>
    %dma_wait3A_150 = arith.constant 94720 : i32
    %dma_wait3A_151 = arith.constant 0 : i32
    %dma_wait3A_152 = tpu.memref_slice %arg7[%dma_wait3A_150, %dma_wait3A_151] : memref<100000x1024xf32, #tpu.memory_space<hbm>> -> memref<512x1024xf32, #tpu.memory_space<hbm>>
    %dma_wait3A_153 = arith.constant 512 : i32
    %dma_wait3A_154 = arith.constant 0 : i32
    %dma_wait3A_155 = tpu.memref_slice %arg10[%dma_wait3A_145, %dma_wait3A_153, %dma_wait3A_154] : memref<3x2048x1024xf32, #tpu.memory_space<vmem>> -> memref<1x512x1024xf32, #tpu.memory_space<vmem>>
    %dma_wait3A_156 = tpu.memref_squeeze %dma_wait3A_155 : memref<1x512x1024xf32, #tpu.memory_space<vmem>> -> memref<512x1024xf32, #tpu.memory_space<vmem>>
    tpu.wait_dma2 semaphore(%dma_wait3A_149 : memref<!tpu.dma_semaphore, #tpu.memory_space<semaphore_mem>>) src(%dma_wait3A_156 : memref<512x1024xf32, #tpu.memory_space<vmem>>) dst(%dma_wait3A_152 : memref<512x1024xf32, #tpu.memory_space<hbm>>)
    %dma_wait3A_157 = arith.constant 1 : i32
    %dma_wait3A_158 = arith.constant 1 : i32
    %dma_wait3A_159 = arith.constant 2 : i32
    %dma_wait3A_160 = tpu.memref_slice %arg13[%dma_wait3A_158, %dma_wait3A_159] : memref<3x4x!tpu.dma_semaphore, #tpu.memory_space<semaphore_mem>> -> memref<1x1x!tpu.dma_semaphore, #tpu.memory_space<semaphore_mem>>
    %dma_wait3A_161 = tpu.memref_squeeze %dma_wait3A_160 : memref<1x1x!tpu.dma_semaphore, #tpu.memory_space<semaphore_mem>> -> memref<!tpu.dma_semaphore, #tpu.memory_space<semaphore_mem>>
    %dma_wait3A_162 = arith.constant 95232 : i32
    %dma_wait3A_163 = arith.constant 0 : i32
    %dma_wait3A_164 = tpu.memref_slice %arg7[%dma_wait3A_162, %dma_wait3A_163] : memref<100000x1024xf32, #tpu.memory_space<hbm>> -> memref<512x1024xf32, #tpu.memory_space<hbm>>
    %dma_wait3A_165 = arith.constant 1024 : i32
    %dma_wait3A_166 = arith.constant 0 : i32
    %dma_wait3A_167 = tpu.memref_slice %arg10[%dma_wait3A_157, %dma_wait3A_165, %dma_wait3A_166] : memref<3x2048x1024xf32, #tpu.memory_space<vmem>> -> memref<1x512x1024xf32, #tpu.memory_space<vmem>>
    %dma_wait3A_168 = tpu.memref_squeeze %dma_wait3A_167 : memref<1x512x1024xf32, #tpu.memory_space<vmem>> -> memref<512x1024xf32, #tpu.memory_space<vmem>>
    tpu.wait_dma2 semaphore(%dma_wait3A_161 : memref<!tpu.dma_semaphore, #tpu.memory_space<semaphore_mem>>) src(%dma_wait3A_168 : memref<512x1024xf32, #tpu.memory_space<vmem>>) dst(%dma_wait3A_164 : memref<512x1024xf32, #tpu.memory_space<hbm>>)
    %dma_wait3A_169 = arith.constant 1 : i32
    %dma_wait3A_170 = arith.constant 1 : i32
    %dma_wait3A_171 = arith.constant 3 : i32
    %dma_wait3A_172 = tpu.memref_slice %arg13[%dma_wait3A_170, %dma_wait3A_171] : memref<3x4x!tpu.dma_semaphore, #tpu.memory_space<semaphore_mem>> -> memref<1x1x!tpu.dma_semaphore, #tpu.memory_space<semaphore_mem>>
    %dma_wait3A_173 = tpu.memref_squeeze %dma_wait3A_172 : memref<1x1x!tpu.dma_semaphore, #tpu.memory_space<semaphore_mem>> -> memref<!tpu.dma_semaphore, #tpu.memory_space<semaphore_mem>>
    %dma_wait3A_174 = arith.constant 95744 : i32
    %dma_wait3A_175 = arith.constant 0 : i32
    %dma_wait3A_176 = tpu.memref_slice %arg7[%dma_wait3A_174, %dma_wait3A_175] : memref<100000x1024xf32, #tpu.memory_space<hbm>> -> memref<512x1024xf32, #tpu.memory_space<hbm>>
    %dma_wait3A_177 = arith.constant 1536 : i32
    %dma_wait3A_178 = arith.constant 0 : i32
    %dma_wait3A_179 = tpu.memref_slice %arg10[%dma_wait3A_169, %dma_wait3A_177, %dma_wait3A_178] : memref<3x2048x1024xf32, #tpu.memory_space<vmem>> -> memref<1x512x1024xf32, #tpu.memory_space<vmem>>
    %dma_wait3A_180 = tpu.memref_squeeze %dma_wait3A_179 : memref<1x512x1024xf32, #tpu.memory_space<vmem>> -> memref<512x1024xf32, #tpu.memory_space<vmem>>
    tpu.wait_dma2 semaphore(%dma_wait3A_173 : memref<!tpu.dma_semaphore, #tpu.memory_space<semaphore_mem>>) src(%dma_wait3A_180 : memref<512x1024xf32, #tpu.memory_space<vmem>>) dst(%dma_wait3A_176 : memref<512x1024xf32, #tpu.memory_space<hbm>>)
    %dma_wait3A_181 = arith.constant 2 : i32
    %dma_wait3A_182 = arith.constant 2 : i32
    %dma_wait3A_183 = arith.constant 0 : i32
    %dma_wait3A_184 = tpu.memref_slice %arg13[%dma_wait3A_182, %dma_wait3A_183] : memref<3x4x!tpu.dma_semaphore, #tpu.memory_space<semaphore_mem>> -> memref<1x1x!tpu.dma_semaphore, #tpu.memory_space<semaphore_mem>>
    %dma_wait3A_185 = tpu.memref_squeeze %dma_wait3A_184 : memref<1x1x!tpu.dma_semaphore, #tpu.memory_space<semaphore_mem>> -> memref<!tpu.dma_semaphore, #tpu.memory_space<semaphore_mem>>
    %dma_wait3A_186 = arith.constant 96256 : i32
    %dma_wait3A_187 = arith.constant 0 : i32
    %dma_wait3A_188 = tpu.memref_slice %arg7[%dma_wait3A_186, %dma_wait3A_187] : memref<100000x1024xf32, #tpu.memory_space<hbm>> -> memref<512x1024xf32, #tpu.memory_space<hbm>>
    %dma_wait3A_189 = arith.constant 0 : i32
    %dma_wait3A_190 = arith.constant 0 : i32
    %dma_wait3A_191 = tpu.memref_slice %arg10[%dma_wait3A_181, %dma_wait3A_189, %dma_wait3A_190] : memref<3x2048x1024xf32, #tpu.memory_space<vmem>> -> memref<1x512x1024xf32, #tpu.memory_space<vmem>>
    %dma_wait3A_192 = tpu.memref_squeeze %dma_wait3A_191 : memref<1x512x1024xf32, #tpu.memory_space<vmem>> -> memref<512x1024xf32, #tpu.memory_space<vmem>>
    tpu.wait_dma2 semaphore(%dma_wait3A_185 : memref<!tpu.dma_semaphore, #tpu.memory_space<semaphore_mem>>) src(%dma_wait3A_192 : memref<512x1024xf32, #tpu.memory_space<vmem>>) dst(%dma_wait3A_188 : memref<512x1024xf32, #tpu.memory_space<hbm>>)
    %dma_wait3A_193 = arith.constant 2 : i32
    %dma_wait3A_194 = arith.constant 2 : i32
    %dma_wait3A_195 = arith.constant 1 : i32
    %dma_wait3A_196 = tpu.memref_slice %arg13[%dma_wait3A_194, %dma_wait3A_195] : memref<3x4x!tpu.dma_semaphore, #tpu.memory_space<semaphore_mem>> -> memref<1x1x!tpu.dma_semaphore, #tpu.memory_space<semaphore_mem>>
    %dma_wait3A_197 = tpu.memref_squeeze %dma_wait3A_196 : memref<1x1x!tpu.dma_semaphore, #tpu.memory_space<semaphore_mem>> -> memref<!tpu.dma_semaphore, #tpu.memory_space<semaphore_mem>>
    %dma_wait3A_198 = arith.constant 96768 : i32
    %dma_wait3A_199 = arith.constant 0 : i32
    %dma_wait3A_200 = tpu.memref_slice %arg7[%dma_wait3A_198, %dma_wait3A_199] : memref<100000x1024xf32, #tpu.memory_space<hbm>> -> memref<512x1024xf32, #tpu.memory_space<hbm>>
    %dma_wait3A_201 = arith.constant 512 : i32
    %dma_wait3A_202 = arith.constant 0 : i32
    %dma_wait3A_203 = tpu.memref_slice %arg10[%dma_wait3A_193, %dma_wait3A_201, %dma_wait3A_202] : memref<3x2048x1024xf32, #tpu.memory_space<vmem>> -> memref<1x512x1024xf32, #tpu.memory_space<vmem>>
    %dma_wait3A_204 = tpu.memref_squeeze %dma_wait3A_203 : memref<1x512x1024xf32, #tpu.memory_space<vmem>> -> memref<512x1024xf32, #tpu.memory_space<vmem>>
    tpu.wait_dma2 semaphore(%dma_wait3A_197 : memref<!tpu.dma_semaphore, #tpu.memory_space<semaphore_mem>>) src(%dma_wait3A_204 : memref<512x1024xf32, #tpu.memory_space<vmem>>) dst(%dma_wait3A_200 : memref<512x1024xf32, #tpu.memory_space<hbm>>)
    %dma_wait3A_205 = arith.constant 2 : i32
    %dma_wait3A_206 = arith.constant 2 : i32
    %dma_wait3A_207 = arith.constant 2 : i32
    %dma_wait3A_208 = tpu.memref_slice %arg13[%dma_wait3A_206, %dma_wait3A_207] : memref<3x4x!tpu.dma_semaphore, #tpu.memory_space<semaphore_mem>> -> memref<1x1x!tpu.dma_semaphore, #tpu.memory_space<semaphore_mem>>
    %dma_wait3A_209 = tpu.memref_squeeze %dma_wait3A_208 : memref<1x1x!tpu.dma_semaphore, #tpu.memory_space<semaphore_mem>> -> memref<!tpu.dma_semaphore, #tpu.memory_space<semaphore_mem>>
    %dma_wait3A_210 = arith.constant 97280 : i32
    %dma_wait3A_211 = arith.constant 0 : i32
    %dma_wait3A_212 = tpu.memref_slice %arg7[%dma_wait3A_210, %dma_wait3A_211] : memref<100000x1024xf32, #tpu.memory_space<hbm>> -> memref<512x1024xf32, #tpu.memory_space<hbm>>
    %dma_wait3A_213 = arith.constant 1024 : i32
    %dma_wait3A_214 = arith.constant 0 : i32
    %dma_wait3A_215 = tpu.memref_slice %arg10[%dma_wait3A_205, %dma_wait3A_213, %dma_wait3A_214] : memref<3x2048x1024xf32, #tpu.memory_space<vmem>> -> memref<1x512x1024xf32, #tpu.memory_space<vmem>>
    %dma_wait3A_216 = tpu.memref_squeeze %dma_wait3A_215 : memref<1x512x1024xf32, #tpu.memory_space<vmem>> -> memref<512x1024xf32, #tpu.memory_space<vmem>>
    tpu.wait_dma2 semaphore(%dma_wait3A_209 : memref<!tpu.dma_semaphore, #tpu.memory_space<semaphore_mem>>) src(%dma_wait3A_216 : memref<512x1024xf32, #tpu.memory_space<vmem>>) dst(%dma_wait3A_212 : memref<512x1024xf32, #tpu.memory_space<hbm>>)
    %dma_wait3A_217 = arith.constant 2 : i32
    %dma_wait3A_218 = arith.constant 2 : i32
    %dma_wait3A_219 = arith.constant 3 : i32
    %dma_wait3A_220 = tpu.memref_slice %arg13[%dma_wait3A_218, %dma_wait3A_219] : memref<3x4x!tpu.dma_semaphore, #tpu.memory_space<semaphore_mem>> -> memref<1x1x!tpu.dma_semaphore, #tpu.memory_space<semaphore_mem>>
    %dma_wait3A_221 = tpu.memref_squeeze %dma_wait3A_220 : memref<1x1x!tpu.dma_semaphore, #tpu.memory_space<semaphore_mem>> -> memref<!tpu.dma_semaphore, #tpu.memory_space<semaphore_mem>>
    %dma_wait3A_222 = arith.constant 97792 : i32
    %dma_wait3A_223 = arith.constant 0 : i32
    %dma_wait3A_224 = tpu.memref_slice %arg7[%dma_wait3A_222, %dma_wait3A_223] : memref<100000x1024xf32, #tpu.memory_space<hbm>> -> memref<512x1024xf32, #tpu.memory_space<hbm>>
    %dma_wait3A_225 = arith.constant 1536 : i32
    %dma_wait3A_226 = arith.constant 0 : i32
    %dma_wait3A_227 = tpu.memref_slice %arg10[%dma_wait3A_217, %dma_wait3A_225, %dma_wait3A_226] : memref<3x2048x1024xf32, #tpu.memory_space<vmem>> -> memref<1x512x1024xf32, #tpu.memory_space<vmem>>
    %dma_wait3A_228 = tpu.memref_squeeze %dma_wait3A_227 : memref<1x512x1024xf32, #tpu.memory_space<vmem>> -> memref<512x1024xf32, #tpu.memory_space<vmem>>
    tpu.wait_dma2 semaphore(%dma_wait3A_221 : memref<!tpu.dma_semaphore, #tpu.memory_space<semaphore_mem>>) src(%dma_wait3A_228 : memref<512x1024xf32, #tpu.memory_space<vmem>>) dst(%dma_wait3A_224 : memref<512x1024xf32, #tpu.memory_space<hbm>>)
    %dma_wait3A_229 = arith.constant 0 : i32
    %dma_wait3A_230 = tpu.memref_slice %arg14[%dma_wait3A_229] : memref<2x!tpu.dma_semaphore, #tpu.memory_space<semaphore_mem>> -> memref<1x!tpu.dma_semaphore, #tpu.memory_space<semaphore_mem>>
    %dma_wait3A_231 = tpu.memref_squeeze %dma_wait3A_230 : memref<1x!tpu.dma_semaphore, #tpu.memory_space<semaphore_mem>> -> memref<!tpu.dma_semaphore, #tpu.memory_space<semaphore_mem>>
    %dma_wait3A_232 = arith.constant 98304 : i32
    %dma_wait3A_233 = arith.constant 0 : i32
    %dma_wait3A_234 = tpu.memref_slice %arg7[%dma_wait3A_232, %dma_wait3A_233] : memref<100000x1024xf32, #tpu.memory_space<hbm>> -> memref<848x1024xf32, #tpu.memory_space<hbm>>
    %dma_wait3A_235 = arith.constant 0 : i32
    %dma_wait3A_236 = arith.constant 0 : i32
    %dma_wait3A_237 = tpu.memref_slice %arg11[%dma_wait3A_235, %dma_wait3A_236] : memref<1696x1024xf32, #tpu.memory_space<vmem>> -> memref<848x1024xf32, #tpu.memory_space<vmem>>
    tpu.wait_dma2 semaphore(%dma_wait3A_231 : memref<!tpu.dma_semaphore, #tpu.memory_space<semaphore_mem>>) src(%dma_wait3A_237 : memref<848x1024xf32, #tpu.memory_space<vmem>>) dst(%dma_wait3A_234 : memref<848x1024xf32, #tpu.memory_space<hbm>>)
    %dma_wait3A_238 = arith.constant 1 : i32
    %dma_wait3A_239 = tpu.memref_slice %arg14[%dma_wait3A_238] : memref<2x!tpu.dma_semaphore, #tpu.memory_space<semaphore_mem>> -> memref<1x!tpu.dma_semaphore, #tpu.memory_space<semaphore_mem>>
    %dma_wait3A_240 = tpu.memref_squeeze %dma_wait3A_239 : memref<1x!tpu.dma_semaphore, #tpu.memory_space<semaphore_mem>> -> memref<!tpu.dma_semaphore, #tpu.memory_space<semaphore_mem>>
    %dma_wait3A_241 = arith.constant 99152 : i32
    %dma_wait3A_242 = arith.constant 0 : i32
    %dma_wait3A_243 = tpu.memref_slice %arg7[%dma_wait3A_241, %dma_wait3A_242] : memref<100000x1024xf32, #tpu.memory_space<hbm>> -> memref<848x1024xf32, #tpu.memory_space<hbm>>
    %dma_wait3A_244 = arith.constant 848 : i32
    %dma_wait3A_245 = arith.constant 0 : i32
    %dma_wait3A_246 = tpu.memref_slice %arg11[%dma_wait3A_244, %dma_wait3A_245] : memref<1696x1024xf32, #tpu.memory_space<vmem>> -> memref<848x1024xf32, #tpu.memory_space<vmem>>
    tpu.wait_dma2 semaphore(%dma_wait3A_240 : memref<!tpu.dma_semaphore, #tpu.memory_space<semaphore_mem>>) src(%dma_wait3A_246 : memref<848x1024xf32, #tpu.memory_space<vmem>>) dst(%dma_wait3A_243 : memref<848x1024xf32, #tpu.memory_space<hbm>>)
    %multiple_of3A_247 = arith.constant 0 : i32
    %multiple_of3A_248 = tpu.assume_multiple %multiple_of3A_247, 2048 : i32
    %dma_start3A_249 = arith.constant 0 : i32
    %dma_start3A_250 = arith.constant 0 : i32
    %dma_start3A_251 = tpu.memref_slice %arg12[%dma_start3A_250] : memref<3x!tpu.dma_semaphore, #tpu.memory_space<semaphore_mem>> -> memref<1x!tpu.dma_semaphore, #tpu.memory_space<semaphore_mem>>
    %dma_start3A_252 = tpu.memref_squeeze %dma_start3A_251 : memref<1x!tpu.dma_semaphore, #tpu.memory_space<semaphore_mem>> -> memref<!tpu.dma_semaphore, #tpu.memory_space<semaphore_mem>>
    %dma_start3A_253 = arith.constant 0 : i32
    %dma_start3A_254 = arith.constant 0 : i32
    %dma_start3A_255 = tpu.memref_slice %arg9[%dma_start3A_249, %dma_start3A_253, %dma_start3A_254] : memref<3x256x2048xf32, #tpu.memory_space<vmem>> -> memref<1x256x2048xf32, #tpu.memory_space<vmem>>
    %dma_start3A_256 = tpu.memref_squeeze %dma_start3A_255 : memref<1x256x2048xf32, #tpu.memory_space<vmem>> -> memref<256x2048xf32, #tpu.memory_space<vmem>>
    %dma_start3A_257 = arith.constant 0 : i32
    %dma_start3A_258 = tpu.memref_slice %arg6[%dma_start3A_257, %multiple_of3A_248] : memref<256x100000xf32, #tpu.memory_space<hbm>> -> memref<256x2048xf32, #tpu.memory_space<hbm>>
    tpu.enqueue_dma source(%dma_start3A_258 : memref<256x2048xf32, #tpu.memory_space<hbm>>) target(%dma_start3A_256 : memref<256x2048xf32, #tpu.memory_space<vmem>>) target_semaphore(%dma_start3A_252 : memref<!tpu.dma_semaphore, #tpu.memory_space<semaphore_mem>>)
    %multiple_of3A_259 = arith.constant 2048 : i32
    %multiple_of3A_260 = tpu.assume_multiple %multiple_of3A_259, 2048 : i32
    %dma_start3A_261 = arith.constant 1 : i32
    %dma_start3A_262 = arith.constant 1 : i32
    %dma_start3A_263 = tpu.memref_slice %arg12[%dma_start3A_262] : memref<3x!tpu.dma_semaphore, #tpu.memory_space<semaphore_mem>> -> memref<1x!tpu.dma_semaphore, #tpu.memory_space<semaphore_mem>>
    %dma_start3A_264 = tpu.memref_squeeze %dma_start3A_263 : memref<1x!tpu.dma_semaphore, #tpu.memory_space<semaphore_mem>> -> memref<!tpu.dma_semaphore, #tpu.memory_space<semaphore_mem>>
    %dma_start3A_265 = arith.constant 0 : i32
    %dma_start3A_266 = arith.constant 0 : i32
    %dma_start3A_267 = tpu.memref_slice %arg9[%dma_start3A_261, %dma_start3A_265, %dma_start3A_266] : memref<3x256x2048xf32, #tpu.memory_space<vmem>> -> memref<1x256x2048xf32, #tpu.memory_space<vmem>>
    %dma_start3A_268 = tpu.memref_squeeze %dma_start3A_267 : memref<1x256x2048xf32, #tpu.memory_space<vmem>> -> memref<256x2048xf32, #tpu.memory_space<vmem>>
    %dma_start3A_269 = arith.constant 0 : i32
    %dma_start3A_270 = tpu.memref_slice %arg6[%dma_start3A_269, %multiple_of3A_260] : memref<256x100000xf32, #tpu.memory_space<hbm>> -> memref<256x2048xf32, #tpu.memory_space<hbm>>
    tpu.enqueue_dma source(%dma_start3A_270 : memref<256x2048xf32, #tpu.memory_space<hbm>>) target(%dma_start3A_268 : memref<256x2048xf32, #tpu.memory_space<vmem>>) target_semaphore(%dma_start3A_264 : memref<!tpu.dma_semaphore, #tpu.memory_space<semaphore_mem>>)
    %multiple_of3A_271 = arith.constant 4096 : i32
    %multiple_of3A_272 = tpu.assume_multiple %multiple_of3A_271, 2048 : i32
    %dma_start3A_273 = arith.constant 2 : i32
    %dma_start3A_274 = arith.constant 2 : i32
    %dma_start3A_275 = tpu.memref_slice %arg12[%dma_start3A_274] : memref<3x!tpu.dma_semaphore, #tpu.memory_space<semaphore_mem>> -> memref<1x!tpu.dma_semaphore, #tpu.memory_space<semaphore_mem>>
    %dma_start3A_276 = tpu.memref_squeeze %dma_start3A_275 : memref<1x!tpu.dma_semaphore, #tpu.memory_space<semaphore_mem>> -> memref<!tpu.dma_semaphore, #tpu.memory_space<semaphore_mem>>
    %dma_start3A_277 = arith.constant 0 : i32
    %dma_start3A_278 = arith.constant 0 : i32
    %dma_start3A_279 = tpu.memref_slice %arg9[%dma_start3A_273, %dma_start3A_277, %dma_start3A_278] : memref<3x256x2048xf32, #tpu.memory_space<vmem>> -> memref<1x256x2048xf32, #tpu.memory_space<vmem>>
    %dma_start3A_280 = tpu.memref_squeeze %dma_start3A_279 : memref<1x256x2048xf32, #tpu.memory_space<vmem>> -> memref<256x2048xf32, #tpu.memory_space<vmem>>
    %dma_start3A_281 = arith.constant 0 : i32
    %dma_start3A_282 = tpu.memref_slice %arg6[%dma_start3A_281, %multiple_of3A_272] : memref<256x100000xf32, #tpu.memory_space<hbm>> -> memref<256x2048xf32, #tpu.memory_space<hbm>>
    tpu.enqueue_dma source(%dma_start3A_282 : memref<256x2048xf32, #tpu.memory_space<hbm>>) target(%dma_start3A_280 : memref<256x2048xf32, #tpu.memory_space<vmem>>) target_semaphore(%dma_start3A_276 : memref<!tpu.dma_semaphore, #tpu.memory_space<semaphore_mem>>)
    %get3A_283 = arith.constant 0 : index
    %get3A_284 = arith.constant 0 : index
    %get3A_285 = vector.load %arg5[%get3A_283, %get3A_284] : memref<256x1696xf32, #tpu.memory_space<vmem>>, vector<256x1696xf32>
    %dot_general3A_286 = arith.constant dense<0.000000e+00> : vector<1696x1024xf32>
    %dot_general3A_287 = tpu.matmul %get3A_285, %max3A_11, %dot_general3A_286 {dimension_numbers = #tpu.dot_dimension_numbers<[0], [0], [1], [1], [0, 1, 1, 1], [], []>, transpose_lhs_hint = false} : vector<256x1696xf32>, vector<256x1024xf32>, vector<1696x1024xf32> -> vector<1696x1024xf32>
    %get3A_288 = arith.constant 0 : index
    %get3A_289 = arith.constant 0 : index
    %get3A_290 = vector.load %arg4[%get3A_288, %get3A_289] : memref<1696x1xf32, #tpu.memory_space<vmem>>, vector<1696x1xf32>
    %add3A_291 = vector.broadcast %get3A_290 : vector<1696x1xf32> to vector<1696x1024xf32>
    %add3A_292 = arith.addf %dot_general3A_287, %add3A_291 : vector<1696x1024xf32>
    %sub3A_293 = vector.broadcast %add3A_85 : vector<1x1024xf32> to vector<1696x1024xf32>
    %sub3A_294 = arith.subf %add3A_292, %sub3A_293 : vector<1696x1024xf32>
    %swap3A_295 = arith.constant 0 : index
    %swap3A_296 = arith.constant 0 : index
    %swap3A_297 = vector.load %arg11[%swap3A_295, %swap3A_296] : memref<1696x1024xf32, #tpu.memory_space<vmem>>, vector<1696x1024xf32>
    tpu.vector_store %arg11[%swap3A_295, %swap3A_296], %sub3A_294 {strides = array<i32>} : memref<1696x1024xf32, #tpu.memory_space<vmem>>, vector<1696x1024xf32>,
    %dma_start3A_298 = arith.constant 0 : i32
    %dma_start3A_299 = tpu.memref_slice %arg14[%dma_start3A_298] : memref<2x!tpu.dma_semaphore, #tpu.memory_space<semaphore_mem>> -> memref<1x!tpu.dma_semaphore, #tpu.memory_space<semaphore_mem>>
    %dma_start3A_300 = tpu.memref_squeeze %dma_start3A_299 : memref<1x!tpu.dma_semaphore, #tpu.memory_space<semaphore_mem>> -> memref<!tpu.dma_semaphore, #tpu.memory_space<semaphore_mem>>
    %dma_start3A_301 = arith.constant 98304 : i32
    %dma_start3A_302 = arith.constant 0 : i32
    %dma_start3A_303 = tpu.memref_slice %arg8[%dma_start3A_301, %dma_start3A_302] : memref<100000x1024xf32, #tpu.memory_space<hbm>> -> memref<848x1024xf32, #tpu.memory_space<hbm>>
    %dma_start3A_304 = arith.constant 0 : i32
    %dma_start3A_305 = arith.constant 0 : i32
    %dma_start3A_306 = tpu.memref_slice %arg11[%dma_start3A_304, %dma_start3A_305] : memref<1696x1024xf32, #tpu.memory_space<vmem>> -> memref<848x1024xf32, #tpu.memory_space<vmem>>
    tpu.enqueue_dma source(%dma_start3A_306 : memref<848x1024xf32, #tpu.memory_space<vmem>>) target(%dma_start3A_303 : memref<848x1024xf32, #tpu.memory_space<hbm>>) target_semaphore(%dma_start3A_300 : memref<!tpu.dma_semaphore, #tpu.memory_space<semaphore_mem>>)
    %dma_start3A_307 = arith.constant 1 : i32
    %dma_start3A_308 = tpu.memref_slice %arg14[%dma_start3A_307] : memref<2x!tpu.dma_semaphore, #tpu.memory_space<semaphore_mem>> -> memref<1x!tpu.dma_semaphore, #tpu.memory_space<semaphore_mem>>
    %dma_start3A_309 = tpu.memref_squeeze %dma_start3A_308 : memref<1x!tpu.dma_semaphore, #tpu.memory_space<semaphore_mem>> -> memref<!tpu.dma_semaphore, #tpu.memory_space<semaphore_mem>>
    %dma_start3A_310 = arith.constant 99152 : i32
    %dma_start3A_311 = arith.constant 0 : i32
    %dma_start3A_312 = tpu.memref_slice %arg8[%dma_start3A_310, %dma_start3A_311] : memref<100000x1024xf32, #tpu.memory_space<hbm>> -> memref<848x1024xf32, #tpu.memory_space<hbm>>
    %dma_start3A_313 = arith.constant 848 : i32
    %dma_start3A_314 = arith.constant 0 : i32
    %dma_start3A_315 = tpu.memref_slice %arg11[%dma_start3A_313, %dma_start3A_314] : memref<1696x1024xf32, #tpu.memory_space<vmem>> -> memref<848x1024xf32, #tpu.memory_space<vmem>>
    tpu.enqueue_dma source(%dma_start3A_315 : memref<848x1024xf32, #tpu.memory_space<vmem>>) target(%dma_start3A_312 : memref<848x1024xf32, #tpu.memory_space<hbm>>) target_semaphore(%dma_start3A_309 : memref<!tpu.dma_semaphore, #tpu.memory_space<semaphore_mem>>)
    %scan3A_316 = arith.constant 0 : i32
    %scan3A_317 = arith.constant 16 : i32
    %scan3A_318 = arith.addi %scan3A_316, %scan3A_317 : i32
    %scan3A_319 = arith.constant 1 : i32
    scf.for %scan3A_483 = %scan3A_316 to %scan3A_318 step %scan3A_319  : i32 {
      %mul3A = arith.constant 3 : i32
      %mul3A_484 = arith.muli %scan3A_483, %mul3A : i32
      %add3A_485 = arith.constant 0 : i32
      %add3A_486 = arith.addi %mul3A_484, %add3A_485 : i32
      %mul3A_487 = arith.constant 2048 : i32
      %mul3A_488 = arith.muli %add3A_486, %mul3A_487 : i32
      %multiple_of3A_489 = tpu.assume_multiple %mul3A_488, 2048 : i32
      %dma_wait3A_490 = arith.constant 0 : i32
      %dma_wait3A_491 = arith.constant 0 : i32
      %dma_wait3A_492 = tpu.memref_slice %arg12[%dma_wait3A_491] : memref<3x!tpu.dma_semaphore, #tpu.memory_space<semaphore_mem>> -> memref<1x!tpu.dma_semaphore, #tpu.memory_space<semaphore_mem>>
      %dma_wait3A_493 = tpu.memref_squeeze %dma_wait3A_492 : memref<1x!tpu.dma_semaphore, #tpu.memory_space<semaphore_mem>> -> memref<!tpu.dma_semaphore, #tpu.memory_space<semaphore_mem>>
      %dma_wait3A_494 = arith.constant 0 : i32
      %dma_wait3A_495 = arith.constant 0 : i32
      %dma_wait3A_496 = tpu.memref_slice %arg9[%dma_wait3A_490, %dma_wait3A_494, %dma_wait3A_495] : memref<3x256x2048xf32, #tpu.memory_space<vmem>> -> memref<1x256x2048xf32, #tpu.memory_space<vmem>>
      %dma_wait3A_497 = tpu.memref_squeeze %dma_wait3A_496 : memref<1x256x2048xf32, #tpu.memory_space<vmem>> -> memref<256x2048xf32, #tpu.memory_space<vmem>>
      %dma_wait3A_498 = arith.constant 0 : i32
      %dma_wait3A_499 = tpu.memref_slice %arg6[%dma_wait3A_498, %multiple_of3A_489] : memref<256x100000xf32, #tpu.memory_space<hbm>> -> memref<256x2048xf32, #tpu.memory_space<hbm>>
      tpu.wait_dma2 semaphore(%dma_wait3A_493 : memref<!tpu.dma_semaphore, #tpu.memory_space<semaphore_mem>>) src(%dma_wait3A_499 : memref<256x2048xf32, #tpu.memory_space<hbm>>) dst(%dma_wait3A_497 : memref<256x2048xf32, #tpu.memory_space<vmem>>)
      %get3A_500 = arith.constant 0 : index
      %get3A_501 = arith.constant 0 : index
      %get3A_502 = arith.constant 0 : index
      %get3A_503 = vector.load %arg9[%get3A_500, %get3A_501, %get3A_502] : memref<3x256x2048xf32, #tpu.memory_space<vmem>>, vector<1x256x2048xf32>
      %get3A_504 = vector.shape_cast %get3A_503 : vector<1x256x2048xf32> to vector<256x2048xf32>
      %dot_general3A_505 = arith.constant dense<0.000000e+00> : vector<2048x1024xf32>
      %dot_general3A_506 = tpu.matmul %get3A_504, %max3A_11, %dot_general3A_505 {dimension_numbers = #tpu.dot_dimension_numbers<[0], [0], [1], [1], [0, 1, 1, 1], [], []>, transpose_lhs_hint = false} : vector<256x2048xf32>, vector<256x1024xf32>, vector<2048x1024xf32> -> vector<2048x1024xf32>
      %get3A_507 = arith.index_cast %add3A_486 : i32 to index
      %get3A_508 = arith.constant 0 : index
      %get3A_509 = vector.load %arg3[%get3A_507, %get3A_508] : memref<48x2048xf32, #tpu.memory_space<vmem>>, vector<1x2048xf32>
      %transpose3A = tpu.transpose %get3A_509, [1, 0] : vector<1x2048xf32> -> vector<2048x1xf32>
      %add3A_510 = vector.broadcast %transpose3A : vector<2048x1xf32> to vector<2048x1024xf32>
      %add3A_511 = arith.addf %dot_general3A_506, %add3A_510 : vector<2048x1024xf32>
      %sub3A_512 = vector.broadcast %add3A_85 : vector<1x1024xf32> to vector<2048x1024xf32>
      %sub3A_513 = arith.subf %add3A_511, %sub3A_512 : vector<2048x1024xf32>
      %ge3A = arith.constant 1 : i32
      %ge3A_514 = arith.cmpi sge, %scan3A_483, %ge3A : i32
      %convert_element_type3A = arith.extui %ge3A_514 : i1 to i32
      %cond3A = arith.constant 0 : i32
      %cond3A_515 = arith.cmpi ne, %convert_element_type3A, %cond3A : i32
      scf.if %cond3A_515 {
        %mul3A_802 = arith.constant 2048 : i32
        %mul3A_803 = arith.muli %add3A_486, %mul3A_802 : i32
        %add3A_804 = arith.constant 0 : i32
        %add3A_805 = arith.addi %mul3A_803, %add3A_804 : i32
        %dma_wait3A_806 = arith.constant 0 : i32
        %dma_wait3A_807 = arith.constant 0 : i32
        %dma_wait3A_808 = arith.constant 0 : i32
        %dma_wait3A_809 = tpu.memref_slice %arg13[%dma_wait3A_807, %dma_wait3A_808] : memref<3x4x!tpu.dma_semaphore, #tpu.memory_space<semaphore_mem>> -> memref<1x1x!tpu.dma_semaphore, #tpu.memory_space<semaphore_mem>>
        %dma_wait3A_810 = tpu.memref_squeeze %dma_wait3A_809 : memref<1x1x!tpu.dma_semaphore, #tpu.memory_space<semaphore_mem>> -> memref<!tpu.dma_semaphore, #tpu.memory_space<semaphore_mem>>
        %dma_wait3A_811 = arith.constant 0 : i32
        %dma_wait3A_812 = tpu.memref_slice %arg8[%add3A_805, %dma_wait3A_811] : memref<100000x1024xf32, #tpu.memory_space<hbm>> -> memref<512x1024xf32, #tpu.memory_space<hbm>>
        %dma_wait3A_813 = arith.constant 0 : i32
        %dma_wait3A_814 = arith.constant 0 : i32
        %dma_wait3A_815 = tpu.memref_slice %arg10[%dma_wait3A_806, %dma_wait3A_813, %dma_wait3A_814] : memref<3x2048x1024xf32, #tpu.memory_space<vmem>> -> memref<1x512x1024xf32, #tpu.memory_space<vmem>>
        %dma_wait3A_816 = tpu.memref_squeeze %dma_wait3A_815 : memref<1x512x1024xf32, #tpu.memory_space<vmem>> -> memref<512x1024xf32, #tpu.memory_space<vmem>>
        tpu.wait_dma2 semaphore(%dma_wait3A_810 : memref<!tpu.dma_semaphore, #tpu.memory_space<semaphore_mem>>) src(%dma_wait3A_816 : memref<512x1024xf32, #tpu.memory_space<vmem>>) dst(%dma_wait3A_812 : memref<512x1024xf32, #tpu.memory_space<hbm>>)
        %mul3A_817 = arith.constant 2048 : i32
        %mul3A_818 = arith.muli %add3A_486, %mul3A_817 : i32
        %add3A_819 = arith.constant 512 : i32
        %add3A_820 = arith.addi %mul3A_818, %add3A_819 : i32
        %dma_wait3A_821 = arith.constant 0 : i32
        %dma_wait3A_822 = arith.constant 0 : i32
        %dma_wait3A_823 = arith.constant 1 : i32
        %dma_wait3A_824 = tpu.memref_slice %arg13[%dma_wait3A_822, %dma_wait3A_823] : memref<3x4x!tpu.dma_semaphore, #tpu.memory_space<semaphore_mem>> -> memref<1x1x!tpu.dma_semaphore, #tpu.memory_space<semaphore_mem>>
        %dma_wait3A_825 = tpu.memref_squeeze %dma_wait3A_824 : memref<1x1x!tpu.dma_semaphore, #tpu.memory_space<semaphore_mem>> -> memref<!tpu.dma_semaphore, #tpu.memory_space<semaphore_mem>>
        %dma_wait3A_826 = arith.constant 0 : i32
        %dma_wait3A_827 = tpu.memref_slice %arg8[%add3A_820, %dma_wait3A_826] : memref<100000x1024xf32, #tpu.memory_space<hbm>> -> memref<512x1024xf32, #tpu.memory_space<hbm>>
        %dma_wait3A_828 = arith.constant 512 : i32
        %dma_wait3A_829 = arith.constant 0 : i32
        %dma_wait3A_830 = tpu.memref_slice %arg10[%dma_wait3A_821, %dma_wait3A_828, %dma_wait3A_829] : memref<3x2048x1024xf32, #tpu.memory_space<vmem>> -> memref<1x512x1024xf32, #tpu.memory_space<vmem>>
        %dma_wait3A_831 = tpu.memref_squeeze %dma_wait3A_830 : memref<1x512x1024xf32, #tpu.memory_space<vmem>> -> memref<512x1024xf32, #tpu.memory_space<vmem>>
        tpu.wait_dma2 semaphore(%dma_wait3A_825 : memref<!tpu.dma_semaphore, #tpu.memory_space<semaphore_mem>>) src(%dma_wait3A_831 : memref<512x1024xf32, #tpu.memory_space<vmem>>) dst(%dma_wait3A_827 : memref<512x1024xf32, #tpu.memory_space<hbm>>)
        %mul3A_832 = arith.constant 2048 : i32
        %mul3A_833 = arith.muli %add3A_486, %mul3A_832 : i32
        %add3A_834 = arith.constant 1024 : i32
        %add3A_835 = arith.addi %mul3A_833, %add3A_834 : i32
        %dma_wait3A_836 = arith.constant 0 : i32
        %dma_wait3A_837 = arith.constant 0 : i32
        %dma_wait3A_838 = arith.constant 2 : i32
        %dma_wait3A_839 = tpu.memref_slice %arg13[%dma_wait3A_837, %dma_wait3A_838] : memref<3x4x!tpu.dma_semaphore, #tpu.memory_space<semaphore_mem>> -> memref<1x1x!tpu.dma_semaphore, #tpu.memory_space<semaphore_mem>>
        %dma_wait3A_840 = tpu.memref_squeeze %dma_wait3A_839 : memref<1x1x!tpu.dma_semaphore, #tpu.memory_space<semaphore_mem>> -> memref<!tpu.dma_semaphore, #tpu.memory_space<semaphore_mem>>
        %dma_wait3A_841 = arith.constant 0 : i32
        %dma_wait3A_842 = tpu.memref_slice %arg8[%add3A_835, %dma_wait3A_841] : memref<100000x1024xf32, #tpu.memory_space<hbm>> -> memref<512x1024xf32, #tpu.memory_space<hbm>>
        %dma_wait3A_843 = arith.constant 1024 : i32
        %dma_wait3A_844 = arith.constant 0 : i32
        %dma_wait3A_845 = tpu.memref_slice %arg10[%dma_wait3A_836, %dma_wait3A_843, %dma_wait3A_844] : memref<3x2048x1024xf32, #tpu.memory_space<vmem>> -> memref<1x512x1024xf32, #tpu.memory_space<vmem>>
        %dma_wait3A_846 = tpu.memref_squeeze %dma_wait3A_845 : memref<1x512x1024xf32, #tpu.memory_space<vmem>> -> memref<512x1024xf32, #tpu.memory_space<vmem>>
        tpu.wait_dma2 semaphore(%dma_wait3A_840 : memref<!tpu.dma_semaphore, #tpu.memory_space<semaphore_mem>>) src(%dma_wait3A_846 : memref<512x1024xf32, #tpu.memory_space<vmem>>) dst(%dma_wait3A_842 : memref<512x1024xf32, #tpu.memory_space<hbm>>)
        %mul3A_847 = arith.constant 2048 : i32
        %mul3A_848 = arith.muli %add3A_486, %mul3A_847 : i32
        %add3A_849 = arith.constant 1536 : i32
        %add3A_850 = arith.addi %mul3A_848, %add3A_849 : i32
        %dma_wait3A_851 = arith.constant 0 : i32
        %dma_wait3A_852 = arith.constant 0 : i32
        %dma_wait3A_853 = arith.constant 3 : i32
        %dma_wait3A_854 = tpu.memref_slice %arg13[%dma_wait3A_852, %dma_wait3A_853] : memref<3x4x!tpu.dma_semaphore, #tpu.memory_space<semaphore_mem>> -> memref<1x1x!tpu.dma_semaphore, #tpu.memory_space<semaphore_mem>>
        %dma_wait3A_855 = tpu.memref_squeeze %dma_wait3A_854 : memref<1x1x!tpu.dma_semaphore, #tpu.memory_space<semaphore_mem>> -> memref<!tpu.dma_semaphore, #tpu.memory_space<semaphore_mem>>
        %dma_wait3A_856 = arith.constant 0 : i32
        %dma_wait3A_857 = tpu.memref_slice %arg8[%add3A_850, %dma_wait3A_856] : memref<100000x1024xf32, #tpu.memory_space<hbm>> -> memref<512x1024xf32, #tpu.memory_space<hbm>>
        %dma_wait3A_858 = arith.constant 1536 : i32
        %dma_wait3A_859 = arith.constant 0 : i32
        %dma_wait3A_860 = tpu.memref_slice %arg10[%dma_wait3A_851, %dma_wait3A_858, %dma_wait3A_859] : memref<3x2048x1024xf32, #tpu.memory_space<vmem>> -> memref<1x512x1024xf32, #tpu.memory_space<vmem>>
        %dma_wait3A_861 = tpu.memref_squeeze %dma_wait3A_860 : memref<1x512x1024xf32, #tpu.memory_space<vmem>> -> memref<512x1024xf32, #tpu.memory_space<vmem>>
        tpu.wait_dma2 semaphore(%dma_wait3A_855 : memref<!tpu.dma_semaphore, #tpu.memory_space<semaphore_mem>>) src(%dma_wait3A_861 : memref<512x1024xf32, #tpu.memory_space<vmem>>) dst(%dma_wait3A_857 : memref<512x1024xf32, #tpu.memory_space<hbm>>)
      } else {
      }
      %swap3A_516 = arith.constant 0 : index
      %swap3A_517 = arith.constant 0 : index
      %swap3A_518 = arith.constant 0 : index
      %swap3A_519 = vector.load %arg10[%swap3A_516, %swap3A_517, %swap3A_518] : memref<3x2048x1024xf32, #tpu.memory_space<vmem>>, vector<1x2048x1024xf32>
      %swap3A_520 = vector.shape_cast %swap3A_519 : vector<1x2048x1024xf32> to vector<2048x1024xf32>
      %swap3A_521 = vector.shape_cast %sub3A_513 : vector<2048x1024xf32> to vector<1x2048x1024xf32>
      tpu.vector_store %arg10[%swap3A_516, %swap3A_517, %swap3A_518], %swap3A_521 {strides = array<i32>} : memref<3x2048x1024xf32, #tpu.memory_space<vmem>>, vector<1x2048x1024xf32>,
      %mul3A_522 = arith.constant 2048 : i32
      %mul3A_523 = arith.muli %add3A_486, %mul3A_522 : i32
      %add3A_524 = arith.constant 0 : i32
      %add3A_525 = arith.addi %mul3A_523, %add3A_524 : i32
      %dma_start3A_526 = arith.constant 0 : i32
      %dma_start3A_527 = arith.constant 0 : i32
      %dma_start3A_528 = arith.constant 0 : i32
      %dma_start3A_529 = tpu.memref_slice %arg13[%dma_start3A_527, %dma_start3A_528] : memref<3x4x!tpu.dma_semaphore, #tpu.memory_space<semaphore_mem>> -> memref<1x1x!tpu.dma_semaphore, #tpu.memory_space<semaphore_mem>>
      %dma_start3A_530 = tpu.memref_squeeze %dma_start3A_529 : memref<1x1x!tpu.dma_semaphore, #tpu.memory_space<semaphore_mem>> -> memref<!tpu.dma_semaphore, #tpu.memory_space<semaphore_mem>>
      %dma_start3A_531 = arith.constant 0 : i32
      %dma_start3A_532 = tpu.memref_slice %arg8[%add3A_525, %dma_start3A_531] : memref<100000x1024xf32, #tpu.memory_space<hbm>> -> memref<512x1024xf32, #tpu.memory_space<hbm>>
      %dma_start3A_533 = arith.constant 0 : i32
      %dma_start3A_534 = arith.constant 0 : i32
      %dma_start3A_535 = tpu.memref_slice %arg10[%dma_start3A_526, %dma_start3A_533, %dma_start3A_534] : memref<3x2048x1024xf32, #tpu.memory_space<vmem>> -> memref<1x512x1024xf32, #tpu.memory_space<vmem>>
      %dma_start3A_536 = tpu.memref_squeeze %dma_start3A_535 : memref<1x512x1024xf32, #tpu.memory_space<vmem>> -> memref<512x1024xf32, #tpu.memory_space<vmem>>
      tpu.enqueue_dma source(%dma_start3A_536 : memref<512x1024xf32, #tpu.memory_space<vmem>>) target(%dma_start3A_532 : memref<512x1024xf32, #tpu.memory_space<hbm>>) target_semaphore(%dma_start3A_530 : memref<!tpu.dma_semaphore, #tpu.memory_space<semaphore_mem>>)
      %mul3A_537 = arith.constant 2048 : i32
      %mul3A_538 = arith.muli %add3A_486, %mul3A_537 : i32
      %add3A_539 = arith.constant 512 : i32
      %add3A_540 = arith.addi %mul3A_538, %add3A_539 : i32
      %dma_start3A_541 = arith.constant 0 : i32
      %dma_start3A_542 = arith.constant 0 : i32
      %dma_start3A_543 = arith.constant 1 : i32
      %dma_start3A_544 = tpu.memref_slice %arg13[%dma_start3A_542, %dma_start3A_543] : memref<3x4x!tpu.dma_semaphore, #tpu.memory_space<semaphore_mem>> -> memref<1x1x!tpu.dma_semaphore, #tpu.memory_space<semaphore_mem>>
      %dma_start3A_545 = tpu.memref_squeeze %dma_start3A_544 : memref<1x1x!tpu.dma_semaphore, #tpu.memory_space<semaphore_mem>> -> memref<!tpu.dma_semaphore, #tpu.memory_space<semaphore_mem>>
      %dma_start3A_546 = arith.constant 0 : i32
      %dma_start3A_547 = tpu.memref_slice %arg8[%add3A_540, %dma_start3A_546] : memref<100000x1024xf32, #tpu.memory_space<hbm>> -> memref<512x1024xf32, #tpu.memory_space<hbm>>
      %dma_start3A_548 = arith.constant 512 : i32
      %dma_start3A_549 = arith.constant 0 : i32
      %dma_start3A_550 = tpu.memref_slice %arg10[%dma_start3A_541, %dma_start3A_548, %dma_start3A_549] : memref<3x2048x1024xf32, #tpu.memory_space<vmem>> -> memref<1x512x1024xf32, #tpu.memory_space<vmem>>
      %dma_start3A_551 = tpu.memref_squeeze %dma_start3A_550 : memref<1x512x1024xf32, #tpu.memory_space<vmem>> -> memref<512x1024xf32, #tpu.memory_space<vmem>>
      tpu.enqueue_dma source(%dma_start3A_551 : memref<512x1024xf32, #tpu.memory_space<vmem>>) target(%dma_start3A_547 : memref<512x1024xf32, #tpu.memory_space<hbm>>) target_semaphore(%dma_start3A_545 : memref<!tpu.dma_semaphore, #tpu.memory_space<semaphore_mem>>)
      %mul3A_552 = arith.constant 2048 : i32
      %mul3A_553 = arith.muli %add3A_486, %mul3A_552 : i32
      %add3A_554 = arith.constant 1024 : i32
      %add3A_555 = arith.addi %mul3A_553, %add3A_554 : i32
      %dma_start3A_556 = arith.constant 0 : i32
      %dma_start3A_557 = arith.constant 0 : i32
      %dma_start3A_558 = arith.constant 2 : i32
      %dma_start3A_559 = tpu.memref_slice %arg13[%dma_start3A_557, %dma_start3A_558] : memref<3x4x!tpu.dma_semaphore, #tpu.memory_space<semaphore_mem>> -> memref<1x1x!tpu.dma_semaphore, #tpu.memory_space<semaphore_mem>>
      %dma_start3A_560 = tpu.memref_squeeze %dma_start3A_559 : memref<1x1x!tpu.dma_semaphore, #tpu.memory_space<semaphore_mem>> -> memref<!tpu.dma_semaphore, #tpu.memory_space<semaphore_mem>>
      %dma_start3A_561 = arith.constant 0 : i32
      %dma_start3A_562 = tpu.memref_slice %arg8[%add3A_555, %dma_start3A_561] : memref<100000x1024xf32, #tpu.memory_space<hbm>> -> memref<512x1024xf32, #tpu.memory_space<hbm>>
      %dma_start3A_563 = arith.constant 1024 : i32
      %dma_start3A_564 = arith.constant 0 : i32
      %dma_start3A_565 = tpu.memref_slice %arg10[%dma_start3A_556, %dma_start3A_563, %dma_start3A_564] : memref<3x2048x1024xf32, #tpu.memory_space<vmem>> -> memref<1x512x1024xf32, #tpu.memory_space<vmem>>
      %dma_start3A_566 = tpu.memref_squeeze %dma_start3A_565 : memref<1x512x1024xf32, #tpu.memory_space<vmem>> -> memref<512x1024xf32, #tpu.memory_space<vmem>>
      tpu.enqueue_dma source(%dma_start3A_566 : memref<512x1024xf32, #tpu.memory_space<vmem>>) target(%dma_start3A_562 : memref<512x1024xf32, #tpu.memory_space<hbm>>) target_semaphore(%dma_start3A_560 : memref<!tpu.dma_semaphore, #tpu.memory_space<semaphore_mem>>)
      %mul3A_567 = arith.constant 2048 : i32
      %mul3A_568 = arith.muli %add3A_486, %mul3A_567 : i32
      %add3A_569 = arith.constant 1536 : i32
      %add3A_570 = arith.addi %mul3A_568, %add3A_569 : i32
      %dma_start3A_571 = arith.constant 0 : i32
      %dma_start3A_572 = arith.constant 0 : i32
      %dma_start3A_573 = arith.constant 3 : i32
      %dma_start3A_574 = tpu.memref_slice %arg13[%dma_start3A_572, %dma_start3A_573] : memref<3x4x!tpu.dma_semaphore, #tpu.memory_space<semaphore_mem>> -> memref<1x1x!tpu.dma_semaphore, #tpu.memory_space<semaphore_mem>>
      %dma_start3A_575 = tpu.memref_squeeze %dma_start3A_574 : memref<1x1x!tpu.dma_semaphore, #tpu.memory_space<semaphore_mem>> -> memref<!tpu.dma_semaphore, #tpu.memory_space<semaphore_mem>>
      %dma_start3A_576 = arith.constant 0 : i32
      %dma_start3A_577 = tpu.memref_slice %arg8[%add3A_570, %dma_start3A_576] : memref<100000x1024xf32, #tpu.memory_space<hbm>> -> memref<512x1024xf32, #tpu.memory_space<hbm>>
      %dma_start3A_578 = arith.constant 1536 : i32
      %dma_start3A_579 = arith.constant 0 : i32
      %dma_start3A_580 = tpu.memref_slice %arg10[%dma_start3A_571, %dma_start3A_578, %dma_start3A_579] : memref<3x2048x1024xf32, #tpu.memory_space<vmem>> -> memref<1x512x1024xf32, #tpu.memory_space<vmem>>
      %dma_start3A_581 = tpu.memref_squeeze %dma_start3A_580 : memref<1x512x1024xf32, #tpu.memory_space<vmem>> -> memref<512x1024xf32, #tpu.memory_space<vmem>>
      tpu.enqueue_dma source(%dma_start3A_581 : memref<512x1024xf32, #tpu.memory_space<vmem>>) target(%dma_start3A_577 : memref<512x1024xf32, #tpu.memory_space<hbm>>) target_semaphore(%dma_start3A_575 : memref<!tpu.dma_semaphore, #tpu.memory_space<semaphore_mem>>)
      %lt3A = arith.constant 15 : i32
      %lt3A_582 = arith.cmpi slt, %scan3A_483, %lt3A : i32
      %convert_element_type3A_583 = arith.extui %lt3A_582 : i1 to i32
      %cond3A_584 = arith.constant 0 : i32
      %cond3A_585 = arith.cmpi ne, %convert_element_type3A_583, %cond3A_584 : i32
      scf.if %cond3A_585 {
        %add3A_802 = arith.constant 3 : i32
        %add3A_803 = arith.addi %add3A_486, %add3A_802 : i32
        %mul3A_804 = arith.constant 2048 : i32
        %mul3A_805 = arith.muli %add3A_803, %mul3A_804 : i32
        %multiple_of3A_806 = tpu.assume_multiple %mul3A_805, 2048 : i32
        %dma_start3A_807 = arith.constant 0 : i32
        %dma_start3A_808 = arith.constant 0 : i32
        %dma_start3A_809 = tpu.memref_slice %arg12[%dma_start3A_808] : memref<3x!tpu.dma_semaphore, #tpu.memory_space<semaphore_mem>> -> memref<1x!tpu.dma_semaphore, #tpu.memory_space<semaphore_mem>>
        %dma_start3A_810 = tpu.memref_squeeze %dma_start3A_809 : memref<1x!tpu.dma_semaphore, #tpu.memory_space<semaphore_mem>> -> memref<!tpu.dma_semaphore, #tpu.memory_space<semaphore_mem>>
        %dma_start3A_811 = arith.constant 0 : i32
        %dma_start3A_812 = arith.constant 0 : i32
        %dma_start3A_813 = tpu.memref_slice %arg9[%dma_start3A_807, %dma_start3A_811, %dma_start3A_812] : memref<3x256x2048xf32, #tpu.memory_space<vmem>> -> memref<1x256x2048xf32, #tpu.memory_space<vmem>>
        %dma_start3A_814 = tpu.memref_squeeze %dma_start3A_813 : memref<1x256x2048xf32, #tpu.memory_space<vmem>> -> memref<256x2048xf32, #tpu.memory_space<vmem>>
        %dma_start3A_815 = arith.constant 0 : i32
        %dma_start3A_816 = tpu.memref_slice %arg6[%dma_start3A_815, %multiple_of3A_806] : memref<256x100000xf32, #tpu.memory_space<hbm>> -> memref<256x2048xf32, #tpu.memory_space<hbm>>
        tpu.enqueue_dma source(%dma_start3A_816 : memref<256x2048xf32, #tpu.memory_space<hbm>>) target(%dma_start3A_814 : memref<256x2048xf32, #tpu.memory_space<vmem>>) target_semaphore(%dma_start3A_810 : memref<!tpu.dma_semaphore, #tpu.memory_space<semaphore_mem>>)
      } else {
      }
      %mul3A_586 = arith.constant 3 : i32
      %mul3A_587 = arith.muli %scan3A_483, %mul3A_586 : i32
      %add3A_588 = arith.constant 1 : i32
      %add3A_589 = arith.addi %mul3A_587, %add3A_588 : i32
      %mul3A_590 = arith.constant 2048 : i32
      %mul3A_591 = arith.muli %add3A_589, %mul3A_590 : i32
      %multiple_of3A_592 = tpu.assume_multiple %mul3A_591, 2048 : i32
      %dma_wait3A_593 = arith.constant 1 : i32
      %dma_wait3A_594 = arith.constant 1 : i32
      %dma_wait3A_595 = tpu.memref_slice %arg12[%dma_wait3A_594] : memref<3x!tpu.dma_semaphore, #tpu.memory_space<semaphore_mem>> -> memref<1x!tpu.dma_semaphore, #tpu.memory_space<semaphore_mem>>
      %dma_wait3A_596 = tpu.memref_squeeze %dma_wait3A_595 : memref<1x!tpu.dma_semaphore, #tpu.memory_space<semaphore_mem>> -> memref<!tpu.dma_semaphore, #tpu.memory_space<semaphore_mem>>
      %dma_wait3A_597 = arith.constant 0 : i32
      %dma_wait3A_598 = arith.constant 0 : i32
      %dma_wait3A_599 = tpu.memref_slice %arg9[%dma_wait3A_593, %dma_wait3A_597, %dma_wait3A_598] : memref<3x256x2048xf32, #tpu.memory_space<vmem>> -> memref<1x256x2048xf32, #tpu.memory_space<vmem>>
      %dma_wait3A_600 = tpu.memref_squeeze %dma_wait3A_599 : memref<1x256x2048xf32, #tpu.memory_space<vmem>> -> memref<256x2048xf32, #tpu.memory_space<vmem>>
      %dma_wait3A_601 = arith.constant 0 : i32
      %dma_wait3A_602 = tpu.memref_slice %arg6[%dma_wait3A_601, %multiple_of3A_592] : memref<256x100000xf32, #tpu.memory_space<hbm>> -> memref<256x2048xf32, #tpu.memory_space<hbm>>
      tpu.wait_dma2 semaphore(%dma_wait3A_596 : memref<!tpu.dma_semaphore, #tpu.memory_space<semaphore_mem>>) src(%dma_wait3A_602 : memref<256x2048xf32, #tpu.memory_space<hbm>>) dst(%dma_wait3A_600 : memref<256x2048xf32, #tpu.memory_space<vmem>>)
      %get3A_603 = arith.constant 1 : index
      %get3A_604 = arith.constant 0 : index
      %get3A_605 = arith.constant 0 : index
      %get3A_606 = vector.load %arg9[%get3A_603, %get3A_604, %get3A_605] : memref<3x256x2048xf32, #tpu.memory_space<vmem>>, vector<1x256x2048xf32>
      %get3A_607 = vector.shape_cast %get3A_606 : vector<1x256x2048xf32> to vector<256x2048xf32>
      %dot_general3A_608 = arith.constant dense<0.000000e+00> : vector<2048x1024xf32>
      %dot_general3A_609 = tpu.matmul %get3A_607, %max3A_11, %dot_general3A_608 {dimension_numbers = #tpu.dot_dimension_numbers<[0], [0], [1], [1], [0, 1, 1, 1], [], []>, transpose_lhs_hint = false} : vector<256x2048xf32>, vector<256x1024xf32>, vector<2048x1024xf32> -> vector<2048x1024xf32>
      %get3A_610 = arith.index_cast %add3A_589 : i32 to index
      %get3A_611 = arith.constant 0 : index
      %get3A_612 = vector.load %arg3[%get3A_610, %get3A_611] : memref<48x2048xf32, #tpu.memory_space<vmem>>, vector<1x2048xf32>
      %transpose3A_613 = tpu.transpose %get3A_612, [1, 0] : vector<1x2048xf32> -> vector<2048x1xf32>
      %add3A_614 = vector.broadcast %transpose3A_613 : vector<2048x1xf32> to vector<2048x1024xf32>
      %add3A_615 = arith.addf %dot_general3A_609, %add3A_614 : vector<2048x1024xf32>
      %sub3A_616 = vector.broadcast %add3A_85 : vector<1x1024xf32> to vector<2048x1024xf32>
      %sub3A_617 = arith.subf %add3A_615, %sub3A_616 : vector<2048x1024xf32>
      %ge3A_618 = arith.constant 1 : i32
      %ge3A_619 = arith.cmpi sge, %scan3A_483, %ge3A_618 : i32
      %convert_element_type3A_620 = arith.extui %ge3A_619 : i1 to i32
      %cond3A_621 = arith.constant 0 : i32
      %cond3A_622 = arith.cmpi ne, %convert_element_type3A_620, %cond3A_621 : i32
      scf.if %cond3A_622 {
        %mul3A_802 = arith.constant 2048 : i32
        %mul3A_803 = arith.muli %add3A_589, %mul3A_802 : i32
        %add3A_804 = arith.constant 0 : i32
        %add3A_805 = arith.addi %mul3A_803, %add3A_804 : i32
        %dma_wait3A_806 = arith.constant 1 : i32
        %dma_wait3A_807 = arith.constant 1 : i32
        %dma_wait3A_808 = arith.constant 0 : i32
        %dma_wait3A_809 = tpu.memref_slice %arg13[%dma_wait3A_807, %dma_wait3A_808] : memref<3x4x!tpu.dma_semaphore, #tpu.memory_space<semaphore_mem>> -> memref<1x1x!tpu.dma_semaphore, #tpu.memory_space<semaphore_mem>>
        %dma_wait3A_810 = tpu.memref_squeeze %dma_wait3A_809 : memref<1x1x!tpu.dma_semaphore, #tpu.memory_space<semaphore_mem>> -> memref<!tpu.dma_semaphore, #tpu.memory_space<semaphore_mem>>
        %dma_wait3A_811 = arith.constant 0 : i32
        %dma_wait3A_812 = tpu.memref_slice %arg8[%add3A_805, %dma_wait3A_811] : memref<100000x1024xf32, #tpu.memory_space<hbm>> -> memref<512x1024xf32, #tpu.memory_space<hbm>>
        %dma_wait3A_813 = arith.constant 0 : i32
        %dma_wait3A_814 = arith.constant 0 : i32
        %dma_wait3A_815 = tpu.memref_slice %arg10[%dma_wait3A_806, %dma_wait3A_813, %dma_wait3A_814] : memref<3x2048x1024xf32, #tpu.memory_space<vmem>> -> memref<1x512x1024xf32, #tpu.memory_space<vmem>>
        %dma_wait3A_816 = tpu.memref_squeeze %dma_wait3A_815 : memref<1x512x1024xf32, #tpu.memory_space<vmem>> -> memref<512x1024xf32, #tpu.memory_space<vmem>>
        tpu.wait_dma2 semaphore(%dma_wait3A_810 : memref<!tpu.dma_semaphore, #tpu.memory_space<semaphore_mem>>) src(%dma_wait3A_816 : memref<512x1024xf32, #tpu.memory_space<vmem>>) dst(%dma_wait3A_812 : memref<512x1024xf32, #tpu.memory_space<hbm>>)
        %mul3A_817 = arith.constant 2048 : i32
        %mul3A_818 = arith.muli %add3A_589, %mul3A_817 : i32
        %add3A_819 = arith.constant 512 : i32
        %add3A_820 = arith.addi %mul3A_818, %add3A_819 : i32
        %dma_wait3A_821 = arith.constant 1 : i32
        %dma_wait3A_822 = arith.constant 1 : i32
        %dma_wait3A_823 = arith.constant 1 : i32
        %dma_wait3A_824 = tpu.memref_slice %arg13[%dma_wait3A_822, %dma_wait3A_823] : memref<3x4x!tpu.dma_semaphore, #tpu.memory_space<semaphore_mem>> -> memref<1x1x!tpu.dma_semaphore, #tpu.memory_space<semaphore_mem>>
        %dma_wait3A_825 = tpu.memref_squeeze %dma_wait3A_824 : memref<1x1x!tpu.dma_semaphore, #tpu.memory_space<semaphore_mem>> -> memref<!tpu.dma_semaphore, #tpu.memory_space<semaphore_mem>>
        %dma_wait3A_826 = arith.constant 0 : i32
        %dma_wait3A_827 = tpu.memref_slice %arg8[%add3A_820, %dma_wait3A_826] : memref<100000x1024xf32, #tpu.memory_space<hbm>> -> memref<512x1024xf32, #tpu.memory_space<hbm>>
        %dma_wait3A_828 = arith.constant 512 : i32
        %dma_wait3A_829 = arith.constant 0 : i32
        %dma_wait3A_830 = tpu.memref_slice %arg10[%dma_wait3A_821, %dma_wait3A_828, %dma_wait3A_829] : memref<3x2048x1024xf32, #tpu.memory_space<vmem>> -> memref<1x512x1024xf32, #tpu.memory_space<vmem>>
        %dma_wait3A_831 = tpu.memref_squeeze %dma_wait3A_830 : memref<1x512x1024xf32, #tpu.memory_space<vmem>> -> memref<512x1024xf32, #tpu.memory_space<vmem>>
        tpu.wait_dma2 semaphore(%dma_wait3A_825 : memref<!tpu.dma_semaphore, #tpu.memory_space<semaphore_mem>>) src(%dma_wait3A_831 : memref<512x1024xf32, #tpu.memory_space<vmem>>) dst(%dma_wait3A_827 : memref<512x1024xf32, #tpu.memory_space<hbm>>)
        %mul3A_832 = arith.constant 2048 : i32
        %mul3A_833 = arith.muli %add3A_589, %mul3A_832 : i32
        %add3A_834 = arith.constant 1024 : i32
        %add3A_835 = arith.addi %mul3A_833, %add3A_834 : i32
        %dma_wait3A_836 = arith.constant 1 : i32
        %dma_wait3A_837 = arith.constant 1 : i32
        %dma_wait3A_838 = arith.constant 2 : i32
        %dma_wait3A_839 = tpu.memref_slice %arg13[%dma_wait3A_837, %dma_wait3A_838] : memref<3x4x!tpu.dma_semaphore, #tpu.memory_space<semaphore_mem>> -> memref<1x1x!tpu.dma_semaphore, #tpu.memory_space<semaphore_mem>>
        %dma_wait3A_840 = tpu.memref_squeeze %dma_wait3A_839 : memref<1x1x!tpu.dma_semaphore, #tpu.memory_space<semaphore_mem>> -> memref<!tpu.dma_semaphore, #tpu.memory_space<semaphore_mem>>
        %dma_wait3A_841 = arith.constant 0 : i32
        %dma_wait3A_842 = tpu.memref_slice %arg8[%add3A_835, %dma_wait3A_841] : memref<100000x1024xf32, #tpu.memory_space<hbm>> -> memref<512x1024xf32, #tpu.memory_space<hbm>>
        %dma_wait3A_843 = arith.constant 1024 : i32
        %dma_wait3A_844 = arith.constant 0 : i32
        %dma_wait3A_845 = tpu.memref_slice %arg10[%dma_wait3A_836, %dma_wait3A_843, %dma_wait3A_844] : memref<3x2048x1024xf32, #tpu.memory_space<vmem>> -> memref<1x512x1024xf32, #tpu.memory_space<vmem>>
        %dma_wait3A_846 = tpu.memref_squeeze %dma_wait3A_845 : memref<1x512x1024xf32, #tpu.memory_space<vmem>> -> memref<512x1024xf32, #tpu.memory_space<vmem>>
        tpu.wait_dma2 semaphore(%dma_wait3A_840 : memref<!tpu.dma_semaphore, #tpu.memory_space<semaphore_mem>>) src(%dma_wait3A_846 : memref<512x1024xf32, #tpu.memory_space<vmem>>) dst(%dma_wait3A_842 : memref<512x1024xf32, #tpu.memory_space<hbm>>)
        %mul3A_847 = arith.constant 2048 : i32
        %mul3A_848 = arith.muli %add3A_589, %mul3A_847 : i32
        %add3A_849 = arith.constant 1536 : i32
        %add3A_850 = arith.addi %mul3A_848, %add3A_849 : i32
        %dma_wait3A_851 = arith.constant 1 : i32
        %dma_wait3A_852 = arith.constant 1 : i32
        %dma_wait3A_853 = arith.constant 3 : i32
        %dma_wait3A_854 = tpu.memref_slice %arg13[%dma_wait3A_852, %dma_wait3A_853] : memref<3x4x!tpu.dma_semaphore, #tpu.memory_space<semaphore_mem>> -> memref<1x1x!tpu.dma_semaphore, #tpu.memory_space<semaphore_mem>>
        %dma_wait3A_855 = tpu.memref_squeeze %dma_wait3A_854 : memref<1x1x!tpu.dma_semaphore, #tpu.memory_space<semaphore_mem>> -> memref<!tpu.dma_semaphore, #tpu.memory_space<semaphore_mem>>
        %dma_wait3A_856 = arith.constant 0 : i32
        %dma_wait3A_857 = tpu.memref_slice %arg8[%add3A_850, %dma_wait3A_856] : memref<100000x1024xf32, #tpu.memory_space<hbm>> -> memref<512x1024xf32, #tpu.memory_space<hbm>>
        %dma_wait3A_858 = arith.constant 1536 : i32
        %dma_wait3A_859 = arith.constant 0 : i32
        %dma_wait3A_860 = tpu.memref_slice %arg10[%dma_wait3A_851, %dma_wait3A_858, %dma_wait3A_859] : memref<3x2048x1024xf32, #tpu.memory_space<vmem>> -> memref<1x512x1024xf32, #tpu.memory_space<vmem>>
        %dma_wait3A_861 = tpu.memref_squeeze %dma_wait3A_860 : memref<1x512x1024xf32, #tpu.memory_space<vmem>> -> memref<512x1024xf32, #tpu.memory_space<vmem>>
        tpu.wait_dma2 semaphore(%dma_wait3A_855 : memref<!tpu.dma_semaphore, #tpu.memory_space<semaphore_mem>>) src(%dma_wait3A_861 : memref<512x1024xf32, #tpu.memory_space<vmem>>) dst(%dma_wait3A_857 : memref<512x1024xf32, #tpu.memory_space<hbm>>)
      } else {
      }
      %swap3A_623 = arith.constant 1 : index
      %swap3A_624 = arith.constant 0 : index
      %swap3A_625 = arith.constant 0 : index
      %swap3A_626 = vector.load %arg10[%swap3A_623, %swap3A_624, %swap3A_625] : memref<3x2048x1024xf32, #tpu.memory_space<vmem>>, vector<1x2048x1024xf32>
      %swap3A_627 = vector.shape_cast %swap3A_626 : vector<1x2048x1024xf32> to vector<2048x1024xf32>
      %swap3A_628 = vector.shape_cast %sub3A_617 : vector<2048x1024xf32> to vector<1x2048x1024xf32>
      tpu.vector_store %arg10[%swap3A_623, %swap3A_624, %swap3A_625], %swap3A_628 {strides = array<i32>} : memref<3x2048x1024xf32, #tpu.memory_space<vmem>>, vector<1x2048x1024xf32>,
      %mul3A_629 = arith.constant 2048 : i32
      %mul3A_630 = arith.muli %add3A_589, %mul3A_629 : i32
      %add3A_631 = arith.constant 0 : i32
      %add3A_632 = arith.addi %mul3A_630, %add3A_631 : i32
      %dma_start3A_633 = arith.constant 1 : i32
      %dma_start3A_634 = arith.constant 1 : i32
      %dma_start3A_635 = arith.constant 0 : i32
      %dma_start3A_636 = tpu.memref_slice %arg13[%dma_start3A_634, %dma_start3A_635] : memref<3x4x!tpu.dma_semaphore, #tpu.memory_space<semaphore_mem>> -> memref<1x1x!tpu.dma_semaphore, #tpu.memory_space<semaphore_mem>>
      %dma_start3A_637 = tpu.memref_squeeze %dma_start3A_636 : memref<1x1x!tpu.dma_semaphore, #tpu.memory_space<semaphore_mem>> -> memref<!tpu.dma_semaphore, #tpu.memory_space<semaphore_mem>>
      %dma_start3A_638 = arith.constant 0 : i32
      %dma_start3A_639 = tpu.memref_slice %arg8[%add3A_632, %dma_start3A_638] : memref<100000x1024xf32, #tpu.memory_space<hbm>> -> memref<512x1024xf32, #tpu.memory_space<hbm>>
      %dma_start3A_640 = arith.constant 0 : i32
      %dma_start3A_641 = arith.constant 0 : i32
      %dma_start3A_642 = tpu.memref_slice %arg10[%dma_start3A_633, %dma_start3A_640, %dma_start3A_641] : memref<3x2048x1024xf32, #tpu.memory_space<vmem>> -> memref<1x512x1024xf32, #tpu.memory_space<vmem>>
      %dma_start3A_643 = tpu.memref_squeeze %dma_start3A_642 : memref<1x512x1024xf32, #tpu.memory_space<vmem>> -> memref<512x1024xf32, #tpu.memory_space<vmem>>
      tpu.enqueue_dma source(%dma_start3A_643 : memref<512x1024xf32, #tpu.memory_space<vmem>>) target(%dma_start3A_639 : memref<512x1024xf32, #tpu.memory_space<hbm>>) target_semaphore(%dma_start3A_637 : memref<!tpu.dma_semaphore, #tpu.memory_space<semaphore_mem>>)
      %mul3A_644 = arith.constant 2048 : i32
      %mul3A_645 = arith.muli %add3A_589, %mul3A_644 : i32
      %add3A_646 = arith.constant 512 : i32
      %add3A_647 = arith.addi %mul3A_645, %add3A_646 : i32
      %dma_start3A_648 = arith.constant 1 : i32
      %dma_start3A_649 = arith.constant 1 : i32
      %dma_start3A_650 = arith.constant 1 : i32
      %dma_start3A_651 = tpu.memref_slice %arg13[%dma_start3A_649, %dma_start3A_650] : memref<3x4x!tpu.dma_semaphore, #tpu.memory_space<semaphore_mem>> -> memref<1x1x!tpu.dma_semaphore, #tpu.memory_space<semaphore_mem>>
      %dma_start3A_652 = tpu.memref_squeeze %dma_start3A_651 : memref<1x1x!tpu.dma_semaphore, #tpu.memory_space<semaphore_mem>> -> memref<!tpu.dma_semaphore, #tpu.memory_space<semaphore_mem>>
      %dma_start3A_653 = arith.constant 0 : i32
      %dma_start3A_654 = tpu.memref_slice %arg8[%add3A_647, %dma_start3A_653] : memref<100000x1024xf32, #tpu.memory_space<hbm>> -> memref<512x1024xf32, #tpu.memory_space<hbm>>
      %dma_start3A_655 = arith.constant 512 : i32
      %dma_start3A_656 = arith.constant 0 : i32
      %dma_start3A_657 = tpu.memref_slice %arg10[%dma_start3A_648, %dma_start3A_655, %dma_start3A_656] : memref<3x2048x1024xf32, #tpu.memory_space<vmem>> -> memref<1x512x1024xf32, #tpu.memory_space<vmem>>
      %dma_start3A_658 = tpu.memref_squeeze %dma_start3A_657 : memref<1x512x1024xf32, #tpu.memory_space<vmem>> -> memref<512x1024xf32, #tpu.memory_space<vmem>>
      tpu.enqueue_dma source(%dma_start3A_658 : memref<512x1024xf32, #tpu.memory_space<vmem>>) target(%dma_start3A_654 : memref<512x1024xf32, #tpu.memory_space<hbm>>) target_semaphore(%dma_start3A_652 : memref<!tpu.dma_semaphore, #tpu.memory_space<semaphore_mem>>)
      %mul3A_659 = arith.constant 2048 : i32
      %mul3A_660 = arith.muli %add3A_589, %mul3A_659 : i32
      %add3A_661 = arith.constant 1024 : i32
      %add3A_662 = arith.addi %mul3A_660, %add3A_661 : i32
      %dma_start3A_663 = arith.constant 1 : i32
      %dma_start3A_664 = arith.constant 1 : i32
      %dma_start3A_665 = arith.constant 2 : i32
      %dma_start3A_666 = tpu.memref_slice %arg13[%dma_start3A_664, %dma_start3A_665] : memref<3x4x!tpu.dma_semaphore, #tpu.memory_space<semaphore_mem>> -> memref<1x1x!tpu.dma_semaphore, #tpu.memory_space<semaphore_mem>>
      %dma_start3A_667 = tpu.memref_squeeze %dma_start3A_666 : memref<1x1x!tpu.dma_semaphore, #tpu.memory_space<semaphore_mem>> -> memref<!tpu.dma_semaphore, #tpu.memory_space<semaphore_mem>>
      %dma_start3A_668 = arith.constant 0 : i32
      %dma_start3A_669 = tpu.memref_slice %arg8[%add3A_662, %dma_start3A_668] : memref<100000x1024xf32, #tpu.memory_space<hbm>> -> memref<512x1024xf32, #tpu.memory_space<hbm>>
      %dma_start3A_670 = arith.constant 1024 : i32
      %dma_start3A_671 = arith.constant 0 : i32
      %dma_start3A_672 = tpu.memref_slice %arg10[%dma_start3A_663, %dma_start3A_670, %dma_start3A_671] : memref<3x2048x1024xf32, #tpu.memory_space<vmem>> -> memref<1x512x1024xf32, #tpu.memory_space<vmem>>
      %dma_start3A_673 = tpu.memref_squeeze %dma_start3A_672 : memref<1x512x1024xf32, #tpu.memory_space<vmem>> -> memref<512x1024xf32, #tpu.memory_space<vmem>>
      tpu.enqueue_dma source(%dma_start3A_673 : memref<512x1024xf32, #tpu.memory_space<vmem>>) target(%dma_start3A_669 : memref<512x1024xf32, #tpu.memory_space<hbm>>) target_semaphore(%dma_start3A_667 : memref<!tpu.dma_semaphore, #tpu.memory_space<semaphore_mem>>)
      %mul3A_674 = arith.constant 2048 : i32
      %mul3A_675 = arith.muli %add3A_589, %mul3A_674 : i32
      %add3A_676 = arith.constant 1536 : i32
      %add3A_677 = arith.addi %mul3A_675, %add3A_676 : i32
      %dma_start3A_678 = arith.constant 1 : i32
      %dma_start3A_679 = arith.constant 1 : i32
      %dma_start3A_680 = arith.constant 3 : i32
      %dma_start3A_681 = tpu.memref_slice %arg13[%dma_start3A_679, %dma_start3A_680] : memref<3x4x!tpu.dma_semaphore, #tpu.memory_space<semaphore_mem>> -> memref<1x1x!tpu.dma_semaphore, #tpu.memory_space<semaphore_mem>>
      %dma_start3A_682 = tpu.memref_squeeze %dma_start3A_681 : memref<1x1x!tpu.dma_semaphore, #tpu.memory_space<semaphore_mem>> -> memref<!tpu.dma_semaphore, #tpu.memory_space<semaphore_mem>>
      %dma_start3A_683 = arith.constant 0 : i32
      %dma_start3A_684 = tpu.memref_slice %arg8[%add3A_677, %dma_start3A_683] : memref<100000x1024xf32, #tpu.memory_space<hbm>> -> memref<512x1024xf32, #tpu.memory_space<hbm>>
      %dma_start3A_685 = arith.constant 1536 : i32
      %dma_start3A_686 = arith.constant 0 : i32
      %dma_start3A_687 = tpu.memref_slice %arg10[%dma_start3A_678, %dma_start3A_685, %dma_start3A_686] : memref<3x2048x1024xf32, #tpu.memory_space<vmem>> -> memref<1x512x1024xf32, #tpu.memory_space<vmem>>
      %dma_start3A_688 = tpu.memref_squeeze %dma_start3A_687 : memref<1x512x1024xf32, #tpu.memory_space<vmem>> -> memref<512x1024xf32, #tpu.memory_space<vmem>>
      tpu.enqueue_dma source(%dma_start3A_688 : memref<512x1024xf32, #tpu.memory_space<vmem>>) target(%dma_start3A_684 : memref<512x1024xf32, #tpu.memory_space<hbm>>) target_semaphore(%dma_start3A_682 : memref<!tpu.dma_semaphore, #tpu.memory_space<semaphore_mem>>)
      %lt3A_689 = arith.constant 15 : i32
      %lt3A_690 = arith.cmpi slt, %scan3A_483, %lt3A_689 : i32
      %convert_element_type3A_691 = arith.extui %lt3A_690 : i1 to i32
      %cond3A_692 = arith.constant 0 : i32
      %cond3A_693 = arith.cmpi ne, %convert_element_type3A_691, %cond3A_692 : i32
      scf.if %cond3A_693 {
        %add3A_802 = arith.constant 3 : i32
        %add3A_803 = arith.addi %add3A_589, %add3A_802 : i32
        %mul3A_804 = arith.constant 2048 : i32
        %mul3A_805 = arith.muli %add3A_803, %mul3A_804 : i32
        %multiple_of3A_806 = tpu.assume_multiple %mul3A_805, 2048 : i32
        %dma_start3A_807 = arith.constant 1 : i32
        %dma_start3A_808 = arith.constant 1 : i32
        %dma_start3A_809 = tpu.memref_slice %arg12[%dma_start3A_808] : memref<3x!tpu.dma_semaphore, #tpu.memory_space<semaphore_mem>> -> memref<1x!tpu.dma_semaphore, #tpu.memory_space<semaphore_mem>>
        %dma_start3A_810 = tpu.memref_squeeze %dma_start3A_809 : memref<1x!tpu.dma_semaphore, #tpu.memory_space<semaphore_mem>> -> memref<!tpu.dma_semaphore, #tpu.memory_space<semaphore_mem>>
        %dma_start3A_811 = arith.constant 0 : i32
        %dma_start3A_812 = arith.constant 0 : i32
        %dma_start3A_813 = tpu.memref_slice %arg9[%dma_start3A_807, %dma_start3A_811, %dma_start3A_812] : memref<3x256x2048xf32, #tpu.memory_space<vmem>> -> memref<1x256x2048xf32, #tpu.memory_space<vmem>>
        %dma_start3A_814 = tpu.memref_squeeze %dma_start3A_813 : memref<1x256x2048xf32, #tpu.memory_space<vmem>> -> memref<256x2048xf32, #tpu.memory_space<vmem>>
        %dma_start3A_815 = arith.constant 0 : i32
        %dma_start3A_816 = tpu.memref_slice %arg6[%dma_start3A_815, %multiple_of3A_806] : memref<256x100000xf32, #tpu.memory_space<hbm>> -> memref<256x2048xf32, #tpu.memory_space<hbm>>
        tpu.enqueue_dma source(%dma_start3A_816 : memref<256x2048xf32, #tpu.memory_space<hbm>>) target(%dma_start3A_814 : memref<256x2048xf32, #tpu.memory_space<vmem>>) target_semaphore(%dma_start3A_810 : memref<!tpu.dma_semaphore, #tpu.memory_space<semaphore_mem>>)
      } else {
      }
      %mul3A_694 = arith.constant 3 : i32
      %mul3A_695 = arith.muli %scan3A_483, %mul3A_694 : i32
      %add3A_696 = arith.constant 2 : i32
      %add3A_697 = arith.addi %mul3A_695, %add3A_696 : i32
      %mul3A_698 = arith.constant 2048 : i32
      %mul3A_699 = arith.muli %add3A_697, %mul3A_698 : i32
      %multiple_of3A_700 = tpu.assume_multiple %mul3A_699, 2048 : i32
      %dma_wait3A_701 = arith.constant 2 : i32
      %dma_wait3A_702 = arith.constant 2 : i32
      %dma_wait3A_703 = tpu.memref_slice %arg12[%dma_wait3A_702] : memref<3x!tpu.dma_semaphore, #tpu.memory_space<semaphore_mem>> -> memref<1x!tpu.dma_semaphore, #tpu.memory_space<semaphore_mem>>
      %dma_wait3A_704 = tpu.memref_squeeze %dma_wait3A_703 : memref<1x!tpu.dma_semaphore, #tpu.memory_space<semaphore_mem>> -> memref<!tpu.dma_semaphore, #tpu.memory_space<semaphore_mem>>
      %dma_wait3A_705 = arith.constant 0 : i32
      %dma_wait3A_706 = arith.constant 0 : i32
      %dma_wait3A_707 = tpu.memref_slice %arg9[%dma_wait3A_701, %dma_wait3A_705, %dma_wait3A_706] : memref<3x256x2048xf32, #tpu.memory_space<vmem>> -> memref<1x256x2048xf32, #tpu.memory_space<vmem>>
      %dma_wait3A_708 = tpu.memref_squeeze %dma_wait3A_707 : memref<1x256x2048xf32, #tpu.memory_space<vmem>> -> memref<256x2048xf32, #tpu.memory_space<vmem>>
      %dma_wait3A_709 = arith.constant 0 : i32
      %dma_wait3A_710 = tpu.memref_slice %arg6[%dma_wait3A_709, %multiple_of3A_700] : memref<256x100000xf32, #tpu.memory_space<hbm>> -> memref<256x2048xf32, #tpu.memory_space<hbm>>
      tpu.wait_dma2 semaphore(%dma_wait3A_704 : memref<!tpu.dma_semaphore, #tpu.memory_space<semaphore_mem>>) src(%dma_wait3A_710 : memref<256x2048xf32, #tpu.memory_space<hbm>>) dst(%dma_wait3A_708 : memref<256x2048xf32, #tpu.memory_space<vmem>>)
      %get3A_711 = arith.constant 2 : index
      %get3A_712 = arith.constant 0 : index
      %get3A_713 = arith.constant 0 : index
      %get3A_714 = vector.load %arg9[%get3A_711, %get3A_712, %get3A_713] : memref<3x256x2048xf32, #tpu.memory_space<vmem>>, vector<1x256x2048xf32>
      %get3A_715 = vector.shape_cast %get3A_714 : vector<1x256x2048xf32> to vector<256x2048xf32>
      %dot_general3A_716 = arith.constant dense<0.000000e+00> : vector<2048x1024xf32>
      %dot_general3A_717 = tpu.matmul %get3A_715, %max3A_11, %dot_general3A_716 {dimension_numbers = #tpu.dot_dimension_numbers<[0], [0], [1], [1], [0, 1, 1, 1], [], []>, transpose_lhs_hint = false} : vector<256x2048xf32>, vector<256x1024xf32>, vector<2048x1024xf32> -> vector<2048x1024xf32>
      %get3A_718 = arith.index_cast %add3A_697 : i32 to index
      %get3A_719 = arith.constant 0 : index
      %get3A_720 = vector.load %arg3[%get3A_718, %get3A_719] : memref<48x2048xf32, #tpu.memory_space<vmem>>, vector<1x2048xf32>
      %transpose3A_721 = tpu.transpose %get3A_720, [1, 0] : vector<1x2048xf32> -> vector<2048x1xf32>
      %add3A_722 = vector.broadcast %transpose3A_721 : vector<2048x1xf32> to vector<2048x1024xf32>
      %add3A_723 = arith.addf %dot_general3A_717, %add3A_722 : vector<2048x1024xf32>
      %sub3A_724 = vector.broadcast %add3A_85 : vector<1x1024xf32> to vector<2048x1024xf32>
      %sub3A_725 = arith.subf %add3A_723, %sub3A_724 : vector<2048x1024xf32>
      %ge3A_726 = arith.constant 1 : i32
      %ge3A_727 = arith.cmpi sge, %scan3A_483, %ge3A_726 : i32
      %convert_element_type3A_728 = arith.extui %ge3A_727 : i1 to i32
      %cond3A_729 = arith.constant 0 : i32
      %cond3A_730 = arith.cmpi ne, %convert_element_type3A_728, %cond3A_729 : i32
      scf.if %cond3A_730 {
        %mul3A_802 = arith.constant 2048 : i32
        %mul3A_803 = arith.muli %add3A_697, %mul3A_802 : i32
        %add3A_804 = arith.constant 0 : i32
        %add3A_805 = arith.addi %mul3A_803, %add3A_804 : i32
        %dma_wait3A_806 = arith.constant 2 : i32
        %dma_wait3A_807 = arith.constant 2 : i32
        %dma_wait3A_808 = arith.constant 0 : i32
        %dma_wait3A_809 = tpu.memref_slice %arg13[%dma_wait3A_807, %dma_wait3A_808] : memref<3x4x!tpu.dma_semaphore, #tpu.memory_space<semaphore_mem>> -> memref<1x1x!tpu.dma_semaphore, #tpu.memory_space<semaphore_mem>>
        %dma_wait3A_810 = tpu.memref_squeeze %dma_wait3A_809 : memref<1x1x!tpu.dma_semaphore, #tpu.memory_space<semaphore_mem>> -> memref<!tpu.dma_semaphore, #tpu.memory_space<semaphore_mem>>
        %dma_wait3A_811 = arith.constant 0 : i32
        %dma_wait3A_812 = tpu.memref_slice %arg8[%add3A_805, %dma_wait3A_811] : memref<100000x1024xf32, #tpu.memory_space<hbm>> -> memref<512x1024xf32, #tpu.memory_space<hbm>>
        %dma_wait3A_813 = arith.constant 0 : i32
        %dma_wait3A_814 = arith.constant 0 : i32
        %dma_wait3A_815 = tpu.memref_slice %arg10[%dma_wait3A_806, %dma_wait3A_813, %dma_wait3A_814] : memref<3x2048x1024xf32, #tpu.memory_space<vmem>> -> memref<1x512x1024xf32, #tpu.memory_space<vmem>>
        %dma_wait3A_816 = tpu.memref_squeeze %dma_wait3A_815 : memref<1x512x1024xf32, #tpu.memory_space<vmem>> -> memref<512x1024xf32, #tpu.memory_space<vmem>>
        tpu.wait_dma2 semaphore(%dma_wait3A_810 : memref<!tpu.dma_semaphore, #tpu.memory_space<semaphore_mem>>) src(%dma_wait3A_816 : memref<512x1024xf32, #tpu.memory_space<vmem>>) dst(%dma_wait3A_812 : memref<512x1024xf32, #tpu.memory_space<hbm>>)
        %mul3A_817 = arith.constant 2048 : i32
        %mul3A_818 = arith.muli %add3A_697, %mul3A_817 : i32
        %add3A_819 = arith.constant 512 : i32
        %add3A_820 = arith.addi %mul3A_818, %add3A_819 : i32
        %dma_wait3A_821 = arith.constant 2 : i32
        %dma_wait3A_822 = arith.constant 2 : i32
        %dma_wait3A_823 = arith.constant 1 : i32
        %dma_wait3A_824 = tpu.memref_slice %arg13[%dma_wait3A_822, %dma_wait3A_823] : memref<3x4x!tpu.dma_semaphore, #tpu.memory_space<semaphore_mem>> -> memref<1x1x!tpu.dma_semaphore, #tpu.memory_space<semaphore_mem>>
        %dma_wait3A_825 = tpu.memref_squeeze %dma_wait3A_824 : memref<1x1x!tpu.dma_semaphore, #tpu.memory_space<semaphore_mem>> -> memref<!tpu.dma_semaphore, #tpu.memory_space<semaphore_mem>>
        %dma_wait3A_826 = arith.constant 0 : i32
        %dma_wait3A_827 = tpu.memref_slice %arg8[%add3A_820, %dma_wait3A_826] : memref<100000x1024xf32, #tpu.memory_space<hbm>> -> memref<512x1024xf32, #tpu.memory_space<hbm>>
        %dma_wait3A_828 = arith.constant 512 : i32
        %dma_wait3A_829 = arith.constant 0 : i32
        %dma_wait3A_830 = tpu.memref_slice %arg10[%dma_wait3A_821, %dma_wait3A_828, %dma_wait3A_829] : memref<3x2048x1024xf32, #tpu.memory_space<vmem>> -> memref<1x512x1024xf32, #tpu.memory_space<vmem>>
        %dma_wait3A_831 = tpu.memref_squeeze %dma_wait3A_830 : memref<1x512x1024xf32, #tpu.memory_space<vmem>> -> memref<512x1024xf32, #tpu.memory_space<vmem>>
        tpu.wait_dma2 semaphore(%dma_wait3A_825 : memref<!tpu.dma_semaphore, #tpu.memory_space<semaphore_mem>>) src(%dma_wait3A_831 : memref<512x1024xf32, #tpu.memory_space<vmem>>) dst(%dma_wait3A_827 : memref<512x1024xf32, #tpu.memory_space<hbm>>)
        %mul3A_832 = arith.constant 2048 : i32
        %mul3A_833 = arith.muli %add3A_697, %mul3A_832 : i32
        %add3A_834 = arith.constant 1024 : i32
        %add3A_835 = arith.addi %mul3A_833, %add3A_834 : i32
        %dma_wait3A_836 = arith.constant 2 : i32
        %dma_wait3A_837 = arith.constant 2 : i32
        %dma_wait3A_838 = arith.constant 2 : i32
        %dma_wait3A_839 = tpu.memref_slice %arg13[%dma_wait3A_837, %dma_wait3A_838] : memref<3x4x!tpu.dma_semaphore, #tpu.memory_space<semaphore_mem>> -> memref<1x1x!tpu.dma_semaphore, #tpu.memory_space<semaphore_mem>>
        %dma_wait3A_840 = tpu.memref_squeeze %dma_wait3A_839 : memref<1x1x!tpu.dma_semaphore, #tpu.memory_space<semaphore_mem>> -> memref<!tpu.dma_semaphore, #tpu.memory_space<semaphore_mem>>
        %dma_wait3A_841 = arith.constant 0 : i32
        %dma_wait3A_842 = tpu.memref_slice %arg8[%add3A_835, %dma_wait3A_841] : memref<100000x1024xf32, #tpu.memory_space<hbm>> -> memref<512x1024xf32, #tpu.memory_space<hbm>>
        %dma_wait3A_843 = arith.constant 1024 : i32
        %dma_wait3A_844 = arith.constant 0 : i32
        %dma_wait3A_845 = tpu.memref_slice %arg10[%dma_wait3A_836, %dma_wait3A_843, %dma_wait3A_844] : memref<3x2048x1024xf32, #tpu.memory_space<vmem>> -> memref<1x512x1024xf32, #tpu.memory_space<vmem>>
        %dma_wait3A_846 = tpu.memref_squeeze %dma_wait3A_845 : memref<1x512x1024xf32, #tpu.memory_space<vmem>> -> memref<512x1024xf32, #tpu.memory_space<vmem>>
        tpu.wait_dma2 semaphore(%dma_wait3A_840 : memref<!tpu.dma_semaphore, #tpu.memory_space<semaphore_mem>>) src(%dma_wait3A_846 : memref<512x1024xf32, #tpu.memory_space<vmem>>) dst(%dma_wait3A_842 : memref<512x1024xf32, #tpu.memory_space<hbm>>)
        %mul3A_847 = arith.constant 2048 : i32
        %mul3A_848 = arith.muli %add3A_697, %mul3A_847 : i32
        %add3A_849 = arith.constant 1536 : i32
        %add3A_850 = arith.addi %mul3A_848, %add3A_849 : i32
        %dma_wait3A_851 = arith.constant 2 : i32
        %dma_wait3A_852 = arith.constant 2 : i32
        %dma_wait3A_853 = arith.constant 3 : i32
        %dma_wait3A_854 = tpu.memref_slice %arg13[%dma_wait3A_852, %dma_wait3A_853] : memref<3x4x!tpu.dma_semaphore, #tpu.memory_space<semaphore_mem>> -> memref<1x1x!tpu.dma_semaphore, #tpu.memory_space<semaphore_mem>>
        %dma_wait3A_855 = tpu.memref_squeeze %dma_wait3A_854 : memref<1x1x!tpu.dma_semaphore, #tpu.memory_space<semaphore_mem>> -> memref<!tpu.dma_semaphore, #tpu.memory_space<semaphore_mem>>
        %dma_wait3A_856 = arith.constant 0 : i32
        %dma_wait3A_857 = tpu.memref_slice %arg8[%add3A_850, %dma_wait3A_856] : memref<100000x1024xf32, #tpu.memory_space<hbm>> -> memref<512x1024xf32, #tpu.memory_space<hbm>>
        %dma_wait3A_858 = arith.constant 1536 : i32
        %dma_wait3A_859 = arith.constant 0 : i32
        %dma_wait3A_860 = tpu.memref_slice %arg10[%dma_wait3A_851, %dma_wait3A_858, %dma_wait3A_859] : memref<3x2048x1024xf32, #tpu.memory_space<vmem>> -> memref<1x512x1024xf32, #tpu.memory_space<vmem>>
        %dma_wait3A_861 = tpu.memref_squeeze %dma_wait3A_860 : memref<1x512x1024xf32, #tpu.memory_space<vmem>> -> memref<512x1024xf32, #tpu.memory_space<vmem>>
        tpu.wait_dma2 semaphore(%dma_wait3A_855 : memref<!tpu.dma_semaphore, #tpu.memory_space<semaphore_mem>>) src(%dma_wait3A_861 : memref<512x1024xf32, #tpu.memory_space<vmem>>) dst(%dma_wait3A_857 : memref<512x1024xf32, #tpu.memory_space<hbm>>)
      } else {
      }
      %swap3A_731 = arith.constant 2 : index
      %swap3A_732 = arith.constant 0 : index
      %swap3A_733 = arith.constant 0 : index
      %swap3A_734 = vector.load %arg10[%swap3A_731, %swap3A_732, %swap3A_733] : memref<3x2048x1024xf32, #tpu.memory_space<vmem>>, vector<1x2048x1024xf32>
      %swap3A_735 = vector.shape_cast %swap3A_734 : vector<1x2048x1024xf32> to vector<2048x1024xf32>
      %swap3A_736 = vector.shape_cast %sub3A_725 : vector<2048x1024xf32> to vector<1x2048x1024xf32>
      tpu.vector_store %arg10[%swap3A_731, %swap3A_732, %swap3A_733], %swap3A_736 {strides = array<i32>} : memref<3x2048x1024xf32, #tpu.memory_space<vmem>>, vector<1x2048x1024xf32>,
      %mul3A_737 = arith.constant 2048 : i32
      %mul3A_738 = arith.muli %add3A_697, %mul3A_737 : i32
      %add3A_739 = arith.constant 0 : i32
      %add3A_740 = arith.addi %mul3A_738, %add3A_739 : i32
      %dma_start3A_741 = arith.constant 2 : i32
      %dma_start3A_742 = arith.constant 2 : i32
      %dma_start3A_743 = arith.constant 0 : i32
      %dma_start3A_744 = tpu.memref_slice %arg13[%dma_start3A_742, %dma_start3A_743] : memref<3x4x!tpu.dma_semaphore, #tpu.memory_space<semaphore_mem>> -> memref<1x1x!tpu.dma_semaphore, #tpu.memory_space<semaphore_mem>>
      %dma_start3A_745 = tpu.memref_squeeze %dma_start3A_744 : memref<1x1x!tpu.dma_semaphore, #tpu.memory_space<semaphore_mem>> -> memref<!tpu.dma_semaphore, #tpu.memory_space<semaphore_mem>>
      %dma_start3A_746 = arith.constant 0 : i32
      %dma_start3A_747 = tpu.memref_slice %arg8[%add3A_740, %dma_start3A_746] : memref<100000x1024xf32, #tpu.memory_space<hbm>> -> memref<512x1024xf32, #tpu.memory_space<hbm>>
      %dma_start3A_748 = arith.constant 0 : i32
      %dma_start3A_749 = arith.constant 0 : i32
      %dma_start3A_750 = tpu.memref_slice %arg10[%dma_start3A_741, %dma_start3A_748, %dma_start3A_749] : memref<3x2048x1024xf32, #tpu.memory_space<vmem>> -> memref<1x512x1024xf32, #tpu.memory_space<vmem>>
      %dma_start3A_751 = tpu.memref_squeeze %dma_start3A_750 : memref<1x512x1024xf32, #tpu.memory_space<vmem>> -> memref<512x1024xf32, #tpu.memory_space<vmem>>
      tpu.enqueue_dma source(%dma_start3A_751 : memref<512x1024xf32, #tpu.memory_space<vmem>>) target(%dma_start3A_747 : memref<512x1024xf32, #tpu.memory_space<hbm>>) target_semaphore(%dma_start3A_745 : memref<!tpu.dma_semaphore, #tpu.memory_space<semaphore_mem>>)
      %mul3A_752 = arith.constant 2048 : i32
      %mul3A_753 = arith.muli %add3A_697, %mul3A_752 : i32
      %add3A_754 = arith.constant 512 : i32
      %add3A_755 = arith.addi %mul3A_753, %add3A_754 : i32
      %dma_start3A_756 = arith.constant 2 : i32
      %dma_start3A_757 = arith.constant 2 : i32
      %dma_start3A_758 = arith.constant 1 : i32
      %dma_start3A_759 = tpu.memref_slice %arg13[%dma_start3A_757, %dma_start3A_758] : memref<3x4x!tpu.dma_semaphore, #tpu.memory_space<semaphore_mem>> -> memref<1x1x!tpu.dma_semaphore, #tpu.memory_space<semaphore_mem>>
      %dma_start3A_760 = tpu.memref_squeeze %dma_start3A_759 : memref<1x1x!tpu.dma_semaphore, #tpu.memory_space<semaphore_mem>> -> memref<!tpu.dma_semaphore, #tpu.memory_space<semaphore_mem>>
      %dma_start3A_761 = arith.constant 0 : i32
      %dma_start3A_762 = tpu.memref_slice %arg8[%add3A_755, %dma_start3A_761] : memref<100000x1024xf32, #tpu.memory_space<hbm>> -> memref<512x1024xf32, #tpu.memory_space<hbm>>
      %dma_start3A_763 = arith.constant 512 : i32
      %dma_start3A_764 = arith.constant 0 : i32
      %dma_start3A_765 = tpu.memref_slice %arg10[%dma_start3A_756, %dma_start3A_763, %dma_start3A_764] : memref<3x2048x1024xf32, #tpu.memory_space<vmem>> -> memref<1x512x1024xf32, #tpu.memory_space<vmem>>
      %dma_start3A_766 = tpu.memref_squeeze %dma_start3A_765 : memref<1x512x1024xf32, #tpu.memory_space<vmem>> -> memref<512x1024xf32, #tpu.memory_space<vmem>>
      tpu.enqueue_dma source(%dma_start3A_766 : memref<512x1024xf32, #tpu.memory_space<vmem>>) target(%dma_start3A_762 : memref<512x1024xf32, #tpu.memory_space<hbm>>) target_semaphore(%dma_start3A_760 : memref<!tpu.dma_semaphore, #tpu.memory_space<semaphore_mem>>)
      %mul3A_767 = arith.constant 2048 : i32
      %mul3A_768 = arith.muli %add3A_697, %mul3A_767 : i32
      %add3A_769 = arith.constant 1024 : i32
      %add3A_770 = arith.addi %mul3A_768, %add3A_769 : i32
      %dma_start3A_771 = arith.constant 2 : i32
      %dma_start3A_772 = arith.constant 2 : i32
      %dma_start3A_773 = arith.constant 2 : i32
      %dma_start3A_774 = tpu.memref_slice %arg13[%dma_start3A_772, %dma_start3A_773] : memref<3x4x!tpu.dma_semaphore, #tpu.memory_space<semaphore_mem>> -> memref<1x1x!tpu.dma_semaphore, #tpu.memory_space<semaphore_mem>>
      %dma_start3A_775 = tpu.memref_squeeze %dma_start3A_774 : memref<1x1x!tpu.dma_semaphore, #tpu.memory_space<semaphore_mem>> -> memref<!tpu.dma_semaphore, #tpu.memory_space<semaphore_mem>>
      %dma_start3A_776 = arith.constant 0 : i32
      %dma_start3A_777 = tpu.memref_slice %arg8[%add3A_770, %dma_start3A_776] : memref<100000x1024xf32, #tpu.memory_space<hbm>> -> memref<512x1024xf32, #tpu.memory_space<hbm>>
      %dma_start3A_778 = arith.constant 1024 : i32
      %dma_start3A_779 = arith.constant 0 : i32
      %dma_start3A_780 = tpu.memref_slice %arg10[%dma_start3A_771, %dma_start3A_778, %dma_start3A_779] : memref<3x2048x1024xf32, #tpu.memory_space<vmem>> -> memref<1x512x1024xf32, #tpu.memory_space<vmem>>
      %dma_start3A_781 = tpu.memref_squeeze %dma_start3A_780 : memref<1x512x1024xf32, #tpu.memory_space<vmem>> -> memref<512x1024xf32, #tpu.memory_space<vmem>>
      tpu.enqueue_dma source(%dma_start3A_781 : memref<512x1024xf32, #tpu.memory_space<vmem>>) target(%dma_start3A_777 : memref<512x1024xf32, #tpu.memory_space<hbm>>) target_semaphore(%dma_start3A_775 : memref<!tpu.dma_semaphore, #tpu.memory_space<semaphore_mem>>)
      %mul3A_782 = arith.constant 2048 : i32
      %mul3A_783 = arith.muli %add3A_697, %mul3A_782 : i32
      %add3A_784 = arith.constant 1536 : i32
      %add3A_785 = arith.addi %mul3A_783, %add3A_784 : i32
      %dma_start3A_786 = arith.constant 2 : i32
      %dma_start3A_787 = arith.constant 2 : i32
      %dma_start3A_788 = arith.constant 3 : i32
      %dma_start3A_789 = tpu.memref_slice %arg13[%dma_start3A_787, %dma_start3A_788] : memref<3x4x!tpu.dma_semaphore, #tpu.memory_space<semaphore_mem>> -> memref<1x1x!tpu.dma_semaphore, #tpu.memory_space<semaphore_mem>>
      %dma_start3A_790 = tpu.memref_squeeze %dma_start3A_789 : memref<1x1x!tpu.dma_semaphore, #tpu.memory_space<semaphore_mem>> -> memref<!tpu.dma_semaphore, #tpu.memory_space<semaphore_mem>>
      %dma_start3A_791 = arith.constant 0 : i32
      %dma_start3A_792 = tpu.memref_slice %arg8[%add3A_785, %dma_start3A_791] : memref<100000x1024xf32, #tpu.memory_space<hbm>> -> memref<512x1024xf32, #tpu.memory_space<hbm>>
      %dma_start3A_793 = arith.constant 1536 : i32
      %dma_start3A_794 = arith.constant 0 : i32
      %dma_start3A_795 = tpu.memref_slice %arg10[%dma_start3A_786, %dma_start3A_793, %dma_start3A_794] : memref<3x2048x1024xf32, #tpu.memory_space<vmem>> -> memref<1x512x1024xf32, #tpu.memory_space<vmem>>
      %dma_start3A_796 = tpu.memref_squeeze %dma_start3A_795 : memref<1x512x1024xf32, #tpu.memory_space<vmem>> -> memref<512x1024xf32, #tpu.memory_space<vmem>>
      tpu.enqueue_dma source(%dma_start3A_796 : memref<512x1024xf32, #tpu.memory_space<vmem>>) target(%dma_start3A_792 : memref<512x1024xf32, #tpu.memory_space<hbm>>) target_semaphore(%dma_start3A_790 : memref<!tpu.dma_semaphore, #tpu.memory_space<semaphore_mem>>)
      %lt3A_797 = arith.constant 15 : i32
      %lt3A_798 = arith.cmpi slt, %scan3A_483, %lt3A_797 : i32
      %convert_element_type3A_799 = arith.extui %lt3A_798 : i1 to i32
      %cond3A_800 = arith.constant 0 : i32
      %cond3A_801 = arith.cmpi ne, %convert_element_type3A_799, %cond3A_800 : i32
      scf.if %cond3A_801 {
        %add3A_802 = arith.constant 3 : i32
        %add3A_803 = arith.addi %add3A_697, %add3A_802 : i32
        %mul3A_804 = arith.constant 2048 : i32
        %mul3A_805 = arith.muli %add3A_803, %mul3A_804 : i32
        %multiple_of3A_806 = tpu.assume_multiple %mul3A_805, 2048 : i32
        %dma_start3A_807 = arith.constant 2 : i32
        %dma_start3A_808 = arith.constant 2 : i32
        %dma_start3A_809 = tpu.memref_slice %arg12[%dma_start3A_808] : memref<3x!tpu.dma_semaphore, #tpu.memory_space<semaphore_mem>> -> memref<1x!tpu.dma_semaphore, #tpu.memory_space<semaphore_mem>>
        %dma_start3A_810 = tpu.memref_squeeze %dma_start3A_809 : memref<1x!tpu.dma_semaphore, #tpu.memory_space<semaphore_mem>> -> memref<!tpu.dma_semaphore, #tpu.memory_space<semaphore_mem>>
        %dma_start3A_811 = arith.constant 0 : i32
        %dma_start3A_812 = arith.constant 0 : i32
        %dma_start3A_813 = tpu.memref_slice %arg9[%dma_start3A_807, %dma_start3A_811, %dma_start3A_812] : memref<3x256x2048xf32, #tpu.memory_space<vmem>> -> memref<1x256x2048xf32, #tpu.memory_space<vmem>>
        %dma_start3A_814 = tpu.memref_squeeze %dma_start3A_813 : memref<1x256x2048xf32, #tpu.memory_space<vmem>> -> memref<256x2048xf32, #tpu.memory_space<vmem>>
        %dma_start3A_815 = arith.constant 0 : i32
        %dma_start3A_816 = tpu.memref_slice %arg6[%dma_start3A_815, %multiple_of3A_806] : memref<256x100000xf32, #tpu.memory_space<hbm>> -> memref<256x2048xf32, #tpu.memory_space<hbm>>
        tpu.enqueue_dma source(%dma_start3A_816 : memref<256x2048xf32, #tpu.memory_space<hbm>>) target(%dma_start3A_814 : memref<256x2048xf32, #tpu.memory_space<vmem>>) target_semaphore(%dma_start3A_810 : memref<!tpu.dma_semaphore, #tpu.memory_space<semaphore_mem>>)
      } else {
      }
    }
    %scan3A_320 = arith.constant 16 : i32
    %dma_wait3A_321 = arith.constant 0 : i32
    %dma_wait3A_322 = arith.constant 0 : i32
    %dma_wait3A_323 = arith.constant 0 : i32
    %dma_wait3A_324 = tpu.memref_slice %arg13[%dma_wait3A_322, %dma_wait3A_323] : memref<3x4x!tpu.dma_semaphore, #tpu.memory_space<semaphore_mem>> -> memref<1x1x!tpu.dma_semaphore, #tpu.memory_space<semaphore_mem>>
    %dma_wait3A_325 = tpu.memref_squeeze %dma_wait3A_324 : memref<1x1x!tpu.dma_semaphore, #tpu.memory_space<semaphore_mem>> -> memref<!tpu.dma_semaphore, #tpu.memory_space<semaphore_mem>>
    %dma_wait3A_326 = arith.constant 92160 : i32
    %dma_wait3A_327 = arith.constant 0 : i32
    %dma_wait3A_328 = tpu.memref_slice %arg8[%dma_wait3A_326, %dma_wait3A_327] : memref<100000x1024xf32, #tpu.memory_space<hbm>> -> memref<512x1024xf32, #tpu.memory_space<hbm>>
    %dma_wait3A_329 = arith.constant 0 : i32
    %dma_wait3A_330 = arith.constant 0 : i32
    %dma_wait3A_331 = tpu.memref_slice %arg10[%dma_wait3A_321, %dma_wait3A_329, %dma_wait3A_330] : memref<3x2048x1024xf32, #tpu.memory_space<vmem>> -> memref<1x512x1024xf32, #tpu.memory_space<vmem>>
    %dma_wait3A_332 = tpu.memref_squeeze %dma_wait3A_331 : memref<1x512x1024xf32, #tpu.memory_space<vmem>> -> memref<512x1024xf32, #tpu.memory_space<vmem>>
    tpu.wait_dma2 semaphore(%dma_wait3A_325 : memref<!tpu.dma_semaphore, #tpu.memory_space<semaphore_mem>>) src(%dma_wait3A_332 : memref<512x1024xf32, #tpu.memory_space<vmem>>) dst(%dma_wait3A_328 : memref<512x1024xf32, #tpu.memory_space<hbm>>)
    %dma_wait3A_333 = arith.constant 0 : i32
    %dma_wait3A_334 = arith.constant 0 : i32
    %dma_wait3A_335 = arith.constant 1 : i32
    %dma_wait3A_336 = tpu.memref_slice %arg13[%dma_wait3A_334, %dma_wait3A_335] : memref<3x4x!tpu.dma_semaphore, #tpu.memory_space<semaphore_mem>> -> memref<1x1x!tpu.dma_semaphore, #tpu.memory_space<semaphore_mem>>
    %dma_wait3A_337 = tpu.memref_squeeze %dma_wait3A_336 : memref<1x1x!tpu.dma_semaphore, #tpu.memory_space<semaphore_mem>> -> memref<!tpu.dma_semaphore, #tpu.memory_space<semaphore_mem>>
    %dma_wait3A_338 = arith.constant 92672 : i32
    %dma_wait3A_339 = arith.constant 0 : i32
    %dma_wait3A_340 = tpu.memref_slice %arg8[%dma_wait3A_338, %dma_wait3A_339] : memref<100000x1024xf32, #tpu.memory_space<hbm>> -> memref<512x1024xf32, #tpu.memory_space<hbm>>
    %dma_wait3A_341 = arith.constant 512 : i32
    %dma_wait3A_342 = arith.constant 0 : i32
    %dma_wait3A_343 = tpu.memref_slice %arg10[%dma_wait3A_333, %dma_wait3A_341, %dma_wait3A_342] : memref<3x2048x1024xf32, #tpu.memory_space<vmem>> -> memref<1x512x1024xf32, #tpu.memory_space<vmem>>
    %dma_wait3A_344 = tpu.memref_squeeze %dma_wait3A_343 : memref<1x512x1024xf32, #tpu.memory_space<vmem>> -> memref<512x1024xf32, #tpu.memory_space<vmem>>
    tpu.wait_dma2 semaphore(%dma_wait3A_337 : memref<!tpu.dma_semaphore, #tpu.memory_space<semaphore_mem>>) src(%dma_wait3A_344 : memref<512x1024xf32, #tpu.memory_space<vmem>>) dst(%dma_wait3A_340 : memref<512x1024xf32, #tpu.memory_space<hbm>>)
    %dma_wait3A_345 = arith.constant 0 : i32
    %dma_wait3A_346 = arith.constant 0 : i32
    %dma_wait3A_347 = arith.constant 2 : i32
    %dma_wait3A_348 = tpu.memref_slice %arg13[%dma_wait3A_346, %dma_wait3A_347] : memref<3x4x!tpu.dma_semaphore, #tpu.memory_space<semaphore_mem>> -> memref<1x1x!tpu.dma_semaphore, #tpu.memory_space<semaphore_mem>>
    %dma_wait3A_349 = tpu.memref_squeeze %dma_wait3A_348 : memref<1x1x!tpu.dma_semaphore, #tpu.memory_space<semaphore_mem>> -> memref<!tpu.dma_semaphore, #tpu.memory_space<semaphore_mem>>
    %dma_wait3A_350 = arith.constant 93184 : i32
    %dma_wait3A_351 = arith.constant 0 : i32
    %dma_wait3A_352 = tpu.memref_slice %arg8[%dma_wait3A_350, %dma_wait3A_351] : memref<100000x1024xf32, #tpu.memory_space<hbm>> -> memref<512x1024xf32, #tpu.memory_space<hbm>>
    %dma_wait3A_353 = arith.constant 1024 : i32
    %dma_wait3A_354 = arith.constant 0 : i32
    %dma_wait3A_355 = tpu.memref_slice %arg10[%dma_wait3A_345, %dma_wait3A_353, %dma_wait3A_354] : memref<3x2048x1024xf32, #tpu.memory_space<vmem>> -> memref<1x512x1024xf32, #tpu.memory_space<vmem>>
    %dma_wait3A_356 = tpu.memref_squeeze %dma_wait3A_355 : memref<1x512x1024xf32, #tpu.memory_space<vmem>> -> memref<512x1024xf32, #tpu.memory_space<vmem>>
    tpu.wait_dma2 semaphore(%dma_wait3A_349 : memref<!tpu.dma_semaphore, #tpu.memory_space<semaphore_mem>>) src(%dma_wait3A_356 : memref<512x1024xf32, #tpu.memory_space<vmem>>) dst(%dma_wait3A_352 : memref<512x1024xf32, #tpu.memory_space<hbm>>)
    %dma_wait3A_357 = arith.constant 0 : i32
    %dma_wait3A_358 = arith.constant 0 : i32
    %dma_wait3A_359 = arith.constant 3 : i32
    %dma_wait3A_360 = tpu.memref_slice %arg13[%dma_wait3A_358, %dma_wait3A_359] : memref<3x4x!tpu.dma_semaphore, #tpu.memory_space<semaphore_mem>> -> memref<1x1x!tpu.dma_semaphore, #tpu.memory_space<semaphore_mem>>
    %dma_wait3A_361 = tpu.memref_squeeze %dma_wait3A_360 : memref<1x1x!tpu.dma_semaphore, #tpu.memory_space<semaphore_mem>> -> memref<!tpu.dma_semaphore, #tpu.memory_space<semaphore_mem>>
    %dma_wait3A_362 = arith.constant 93696 : i32
    %dma_wait3A_363 = arith.constant 0 : i32
    %dma_wait3A_364 = tpu.memref_slice %arg8[%dma_wait3A_362, %dma_wait3A_363] : memref<100000x1024xf32, #tpu.memory_space<hbm>> -> memref<512x1024xf32, #tpu.memory_space<hbm>>
    %dma_wait3A_365 = arith.constant 1536 : i32
    %dma_wait3A_366 = arith.constant 0 : i32
    %dma_wait3A_367 = tpu.memref_slice %arg10[%dma_wait3A_357, %dma_wait3A_365, %dma_wait3A_366] : memref<3x2048x1024xf32, #tpu.memory_space<vmem>> -> memref<1x512x1024xf32, #tpu.memory_space<vmem>>
    %dma_wait3A_368 = tpu.memref_squeeze %dma_wait3A_367 : memref<1x512x1024xf32, #tpu.memory_space<vmem>> -> memref<512x1024xf32, #tpu.memory_space<vmem>>
    tpu.wait_dma2 semaphore(%dma_wait3A_361 : memref<!tpu.dma_semaphore, #tpu.memory_space<semaphore_mem>>) src(%dma_wait3A_368 : memref<512x1024xf32, #tpu.memory_space<vmem>>) dst(%dma_wait3A_364 : memref<512x1024xf32, #tpu.memory_space<hbm>>)
    %dma_wait3A_369 = arith.constant 1 : i32
    %dma_wait3A_370 = arith.constant 1 : i32
    %dma_wait3A_371 = arith.constant 0 : i32
    %dma_wait3A_372 = tpu.memref_slice %arg13[%dma_wait3A_370, %dma_wait3A_371] : memref<3x4x!tpu.dma_semaphore, #tpu.memory_space<semaphore_mem>> -> memref<1x1x!tpu.dma_semaphore, #tpu.memory_space<semaphore_mem>>
    %dma_wait3A_373 = tpu.memref_squeeze %dma_wait3A_372 : memref<1x1x!tpu.dma_semaphore, #tpu.memory_space<semaphore_mem>> -> memref<!tpu.dma_semaphore, #tpu.memory_space<semaphore_mem>>
    %dma_wait3A_374 = arith.constant 94208 : i32
    %dma_wait3A_375 = arith.constant 0 : i32
    %dma_wait3A_376 = tpu.memref_slice %arg8[%dma_wait3A_374, %dma_wait3A_375] : memref<100000x1024xf32, #tpu.memory_space<hbm>> -> memref<512x1024xf32, #tpu.memory_space<hbm>>
    %dma_wait3A_377 = arith.constant 0 : i32
    %dma_wait3A_378 = arith.constant 0 : i32
    %dma_wait3A_379 = tpu.memref_slice %arg10[%dma_wait3A_369, %dma_wait3A_377, %dma_wait3A_378] : memref<3x2048x1024xf32, #tpu.memory_space<vmem>> -> memref<1x512x1024xf32, #tpu.memory_space<vmem>>
    %dma_wait3A_380 = tpu.memref_squeeze %dma_wait3A_379 : memref<1x512x1024xf32, #tpu.memory_space<vmem>> -> memref<512x1024xf32, #tpu.memory_space<vmem>>
    tpu.wait_dma2 semaphore(%dma_wait3A_373 : memref<!tpu.dma_semaphore, #tpu.memory_space<semaphore_mem>>) src(%dma_wait3A_380 : memref<512x1024xf32, #tpu.memory_space<vmem>>) dst(%dma_wait3A_376 : memref<512x1024xf32, #tpu.memory_space<hbm>>)
    %dma_wait3A_381 = arith.constant 1 : i32
    %dma_wait3A_382 = arith.constant 1 : i32
    %dma_wait3A_383 = arith.constant 1 : i32
    %dma_wait3A_384 = tpu.memref_slice %arg13[%dma_wait3A_382, %dma_wait3A_383] : memref<3x4x!tpu.dma_semaphore, #tpu.memory_space<semaphore_mem>> -> memref<1x1x!tpu.dma_semaphore, #tpu.memory_space<semaphore_mem>>
    %dma_wait3A_385 = tpu.memref_squeeze %dma_wait3A_384 : memref<1x1x!tpu.dma_semaphore, #tpu.memory_space<semaphore_mem>> -> memref<!tpu.dma_semaphore, #tpu.memory_space<semaphore_mem>>
    %dma_wait3A_386 = arith.constant 94720 : i32
    %dma_wait3A_387 = arith.constant 0 : i32
    %dma_wait3A_388 = tpu.memref_slice %arg8[%dma_wait3A_386, %dma_wait3A_387] : memref<100000x1024xf32, #tpu.memory_space<hbm>> -> memref<512x1024xf32, #tpu.memory_space<hbm>>
    %dma_wait3A_389 = arith.constant 512 : i32
    %dma_wait3A_390 = arith.constant 0 : i32
    %dma_wait3A_391 = tpu.memref_slice %arg10[%dma_wait3A_381, %dma_wait3A_389, %dma_wait3A_390] : memref<3x2048x1024xf32, #tpu.memory_space<vmem>> -> memref<1x512x1024xf32, #tpu.memory_space<vmem>>
    %dma_wait3A_392 = tpu.memref_squeeze %dma_wait3A_391 : memref<1x512x1024xf32, #tpu.memory_space<vmem>> -> memref<512x1024xf32, #tpu.memory_space<vmem>>
    tpu.wait_dma2 semaphore(%dma_wait3A_385 : memref<!tpu.dma_semaphore, #tpu.memory_space<semaphore_mem>>) src(%dma_wait3A_392 : memref<512x1024xf32, #tpu.memory_space<vmem>>) dst(%dma_wait3A_388 : memref<512x1024xf32, #tpu.memory_space<hbm>>)
    %dma_wait3A_393 = arith.constant 1 : i32
    %dma_wait3A_394 = arith.constant 1 : i32
    %dma_wait3A_395 = arith.constant 2 : i32
    %dma_wait3A_396 = tpu.memref_slice %arg13[%dma_wait3A_394, %dma_wait3A_395] : memref<3x4x!tpu.dma_semaphore, #tpu.memory_space<semaphore_mem>> -> memref<1x1x!tpu.dma_semaphore, #tpu.memory_space<semaphore_mem>>
    %dma_wait3A_397 = tpu.memref_squeeze %dma_wait3A_396 : memref<1x1x!tpu.dma_semaphore, #tpu.memory_space<semaphore_mem>> -> memref<!tpu.dma_semaphore, #tpu.memory_space<semaphore_mem>>
    %dma_wait3A_398 = arith.constant 95232 : i32
    %dma_wait3A_399 = arith.constant 0 : i32
    %dma_wait3A_400 = tpu.memref_slice %arg8[%dma_wait3A_398, %dma_wait3A_399] : memref<100000x1024xf32, #tpu.memory_space<hbm>> -> memref<512x1024xf32, #tpu.memory_space<hbm>>
    %dma_wait3A_401 = arith.constant 1024 : i32
    %dma_wait3A_402 = arith.constant 0 : i32
    %dma_wait3A_403 = tpu.memref_slice %arg10[%dma_wait3A_393, %dma_wait3A_401, %dma_wait3A_402] : memref<3x2048x1024xf32, #tpu.memory_space<vmem>> -> memref<1x512x1024xf32, #tpu.memory_space<vmem>>
    %dma_wait3A_404 = tpu.memref_squeeze %dma_wait3A_403 : memref<1x512x1024xf32, #tpu.memory_space<vmem>> -> memref<512x1024xf32, #tpu.memory_space<vmem>>
    tpu.wait_dma2 semaphore(%dma_wait3A_397 : memref<!tpu.dma_semaphore, #tpu.memory_space<semaphore_mem>>) src(%dma_wait3A_404 : memref<512x1024xf32, #tpu.memory_space<vmem>>) dst(%dma_wait3A_400 : memref<512x1024xf32, #tpu.memory_space<hbm>>)
    %dma_wait3A_405 = arith.constant 1 : i32
    %dma_wait3A_406 = arith.constant 1 : i32
    %dma_wait3A_407 = arith.constant 3 : i32
    %dma_wait3A_408 = tpu.memref_slice %arg13[%dma_wait3A_406, %dma_wait3A_407] : memref<3x4x!tpu.dma_semaphore, #tpu.memory_space<semaphore_mem>> -> memref<1x1x!tpu.dma_semaphore, #tpu.memory_space<semaphore_mem>>
    %dma_wait3A_409 = tpu.memref_squeeze %dma_wait3A_408 : memref<1x1x!tpu.dma_semaphore, #tpu.memory_space<semaphore_mem>> -> memref<!tpu.dma_semaphore, #tpu.memory_space<semaphore_mem>>
    %dma_wait3A_410 = arith.constant 95744 : i32
    %dma_wait3A_411 = arith.constant 0 : i32
    %dma_wait3A_412 = tpu.memref_slice %arg8[%dma_wait3A_410, %dma_wait3A_411] : memref<100000x1024xf32, #tpu.memory_space<hbm>> -> memref<512x1024xf32, #tpu.memory_space<hbm>>
    %dma_wait3A_413 = arith.constant 1536 : i32
    %dma_wait3A_414 = arith.constant 0 : i32
    %dma_wait3A_415 = tpu.memref_slice %arg10[%dma_wait3A_405, %dma_wait3A_413, %dma_wait3A_414] : memref<3x2048x1024xf32, #tpu.memory_space<vmem>> -> memref<1x512x1024xf32, #tpu.memory_space<vmem>>
    %dma_wait3A_416 = tpu.memref_squeeze %dma_wait3A_415 : memref<1x512x1024xf32, #tpu.memory_space<vmem>> -> memref<512x1024xf32, #tpu.memory_space<vmem>>
    tpu.wait_dma2 semaphore(%dma_wait3A_409 : memref<!tpu.dma_semaphore, #tpu.memory_space<semaphore_mem>>) src(%dma_wait3A_416 : memref<512x1024xf32, #tpu.memory_space<vmem>>) dst(%dma_wait3A_412 : memref<512x1024xf32, #tpu.memory_space<hbm>>)
    %dma_wait3A_417 = arith.constant 2 : i32
    %dma_wait3A_418 = arith.constant 2 : i32
    %dma_wait3A_419 = arith.constant 0 : i32
    %dma_wait3A_420 = tpu.memref_slice %arg13[%dma_wait3A_418, %dma_wait3A_419] : memref<3x4x!tpu.dma_semaphore, #tpu.memory_space<semaphore_mem>> -> memref<1x1x!tpu.dma_semaphore, #tpu.memory_space<semaphore_mem>>
    %dma_wait3A_421 = tpu.memref_squeeze %dma_wait3A_420 : memref<1x1x!tpu.dma_semaphore, #tpu.memory_space<semaphore_mem>> -> memref<!tpu.dma_semaphore, #tpu.memory_space<semaphore_mem>>
    %dma_wait3A_422 = arith.constant 96256 : i32
    %dma_wait3A_423 = arith.constant 0 : i32
    %dma_wait3A_424 = tpu.memref_slice %arg8[%dma_wait3A_422, %dma_wait3A_423] : memref<100000x1024xf32, #tpu.memory_space<hbm>> -> memref<512x1024xf32, #tpu.memory_space<hbm>>
    %dma_wait3A_425 = arith.constant 0 : i32
    %dma_wait3A_426 = arith.constant 0 : i32
    %dma_wait3A_427 = tpu.memref_slice %arg10[%dma_wait3A_417, %dma_wait3A_425, %dma_wait3A_426] : memref<3x2048x1024xf32, #tpu.memory_space<vmem>> -> memref<1x512x1024xf32, #tpu.memory_space<vmem>>
    %dma_wait3A_428 = tpu.memref_squeeze %dma_wait3A_427 : memref<1x512x1024xf32, #tpu.memory_space<vmem>> -> memref<512x1024xf32, #tpu.memory_space<vmem>>
    tpu.wait_dma2 semaphore(%dma_wait3A_421 : memref<!tpu.dma_semaphore, #tpu.memory_space<semaphore_mem>>) src(%dma_wait3A_428 : memref<512x1024xf32, #tpu.memory_space<vmem>>) dst(%dma_wait3A_424 : memref<512x1024xf32, #tpu.memory_space<hbm>>)
    %dma_wait3A_429 = arith.constant 2 : i32
    %dma_wait3A_430 = arith.constant 2 : i32
    %dma_wait3A_431 = arith.constant 1 : i32
    %dma_wait3A_432 = tpu.memref_slice %arg13[%dma_wait3A_430, %dma_wait3A_431] : memref<3x4x!tpu.dma_semaphore, #tpu.memory_space<semaphore_mem>> -> memref<1x1x!tpu.dma_semaphore, #tpu.memory_space<semaphore_mem>>
    %dma_wait3A_433 = tpu.memref_squeeze %dma_wait3A_432 : memref<1x1x!tpu.dma_semaphore, #tpu.memory_space<semaphore_mem>> -> memref<!tpu.dma_semaphore, #tpu.memory_space<semaphore_mem>>
    %dma_wait3A_434 = arith.constant 96768 : i32
    %dma_wait3A_435 = arith.constant 0 : i32
    %dma_wait3A_436 = tpu.memref_slice %arg8[%dma_wait3A_434, %dma_wait3A_435] : memref<100000x1024xf32, #tpu.memory_space<hbm>> -> memref<512x1024xf32, #tpu.memory_space<hbm>>
    %dma_wait3A_437 = arith.constant 512 : i32
    %dma_wait3A_438 = arith.constant 0 : i32
    %dma_wait3A_439 = tpu.memref_slice %arg10[%dma_wait3A_429, %dma_wait3A_437, %dma_wait3A_438] : memref<3x2048x1024xf32, #tpu.memory_space<vmem>> -> memref<1x512x1024xf32, #tpu.memory_space<vmem>>
    %dma_wait3A_440 = tpu.memref_squeeze %dma_wait3A_439 : memref<1x512x1024xf32, #tpu.memory_space<vmem>> -> memref<512x1024xf32, #tpu.memory_space<vmem>>
    tpu.wait_dma2 semaphore(%dma_wait3A_433 : memref<!tpu.dma_semaphore, #tpu.memory_space<semaphore_mem>>) src(%dma_wait3A_440 : memref<512x1024xf32, #tpu.memory_space<vmem>>) dst(%dma_wait3A_436 : memref<512x1024xf32, #tpu.memory_space<hbm>>)
    %dma_wait3A_441 = arith.constant 2 : i32
    %dma_wait3A_442 = arith.constant 2 : i32
    %dma_wait3A_443 = arith.constant 2 : i32
    %dma_wait3A_444 = tpu.memref_slice %arg13[%dma_wait3A_442, %dma_wait3A_443] : memref<3x4x!tpu.dma_semaphore, #tpu.memory_space<semaphore_mem>> -> memref<1x1x!tpu.dma_semaphore, #tpu.memory_space<semaphore_mem>>
    %dma_wait3A_445 = tpu.memref_squeeze %dma_wait3A_444 : memref<1x1x!tpu.dma_semaphore, #tpu.memory_space<semaphore_mem>> -> memref<!tpu.dma_semaphore, #tpu.memory_space<semaphore_mem>>
    %dma_wait3A_446 = arith.constant 97280 : i32
    %dma_wait3A_447 = arith.constant 0 : i32
    %dma_wait3A_448 = tpu.memref_slice %arg8[%dma_wait3A_446, %dma_wait3A_447] : memref<100000x1024xf32, #tpu.memory_space<hbm>> -> memref<512x1024xf32, #tpu.memory_space<hbm>>
    %dma_wait3A_449 = arith.constant 1024 : i32
    %dma_wait3A_450 = arith.constant 0 : i32
    %dma_wait3A_451 = tpu.memref_slice %arg10[%dma_wait3A_441, %dma_wait3A_449, %dma_wait3A_450] : memref<3x2048x1024xf32, #tpu.memory_space<vmem>> -> memref<1x512x1024xf32, #tpu.memory_space<vmem>>
    %dma_wait3A_452 = tpu.memref_squeeze %dma_wait3A_451 : memref<1x512x1024xf32, #tpu.memory_space<vmem>> -> memref<512x1024xf32, #tpu.memory_space<vmem>>
    tpu.wait_dma2 semaphore(%dma_wait3A_445 : memref<!tpu.dma_semaphore, #tpu.memory_space<semaphore_mem>>) src(%dma_wait3A_452 : memref<512x1024xf32, #tpu.memory_space<vmem>>) dst(%dma_wait3A_448 : memref<512x1024xf32, #tpu.memory_space<hbm>>)
    %dma_wait3A_453 = arith.constant 2 : i32
    %dma_wait3A_454 = arith.constant 2 : i32
    %dma_wait3A_455 = arith.constant 3 : i32
    %dma_wait3A_456 = tpu.memref_slice %arg13[%dma_wait3A_454, %dma_wait3A_455] : memref<3x4x!tpu.dma_semaphore, #tpu.memory_space<semaphore_mem>> -> memref<1x1x!tpu.dma_semaphore, #tpu.memory_space<semaphore_mem>>
    %dma_wait3A_457 = tpu.memref_squeeze %dma_wait3A_456 : memref<1x1x!tpu.dma_semaphore, #tpu.memory_space<semaphore_mem>> -> memref<!tpu.dma_semaphore, #tpu.memory_space<semaphore_mem>>
    %dma_wait3A_458 = arith.constant 97792 : i32
    %dma_wait3A_459 = arith.constant 0 : i32
    %dma_wait3A_460 = tpu.memref_slice %arg8[%dma_wait3A_458, %dma_wait3A_459] : memref<100000x1024xf32, #tpu.memory_space<hbm>> -> memref<512x1024xf32, #tpu.memory_space<hbm>>
    %dma_wait3A_461 = arith.constant 1536 : i32
    %dma_wait3A_462 = arith.constant 0 : i32
    %dma_wait3A_463 = tpu.memref_slice %arg10[%dma_wait3A_453, %dma_wait3A_461, %dma_wait3A_462] : memref<3x2048x1024xf32, #tpu.memory_space<vmem>> -> memref<1x512x1024xf32, #tpu.memory_space<vmem>>
    %dma_wait3A_464 = tpu.memref_squeeze %dma_wait3A_463 : memref<1x512x1024xf32, #tpu.memory_space<vmem>> -> memref<512x1024xf32, #tpu.memory_space<vmem>>
    tpu.wait_dma2 semaphore(%dma_wait3A_457 : memref<!tpu.dma_semaphore, #tpu.memory_space<semaphore_mem>>) src(%dma_wait3A_464 : memref<512x1024xf32, #tpu.memory_space<vmem>>) dst(%dma_wait3A_460 : memref<512x1024xf32, #tpu.memory_space<hbm>>)
    %dma_wait3A_465 = arith.constant 0 : i32
    %dma_wait3A_466 = tpu.memref_slice %arg14[%dma_wait3A_465] : memref<2x!tpu.dma_semaphore, #tpu.memory_space<semaphore_mem>> -> memref<1x!tpu.dma_semaphore, #tpu.memory_space<semaphore_mem>>
    %dma_wait3A_467 = tpu.memref_squeeze %dma_wait3A_466 : memref<1x!tpu.dma_semaphore, #tpu.memory_space<semaphore_mem>> -> memref<!tpu.dma_semaphore, #tpu.memory_space<semaphore_mem>>
    %dma_wait3A_468 = arith.constant 98304 : i32
    %dma_wait3A_469 = arith.constant 0 : i32
    %dma_wait3A_470 = tpu.memref_slice %arg8[%dma_wait3A_468, %dma_wait3A_469] : memref<100000x1024xf32, #tpu.memory_space<hbm>> -> memref<848x1024xf32, #tpu.memory_space<hbm>>
    %dma_wait3A_471 = arith.constant 0 : i32
    %dma_wait3A_472 = arith.constant 0 : i32
    %dma_wait3A_473 = tpu.memref_slice %arg11[%dma_wait3A_471, %dma_wait3A_472] : memref<1696x1024xf32, #tpu.memory_space<vmem>> -> memref<848x1024xf32, #tpu.memory_space<vmem>>
    tpu.wait_dma2 semaphore(%dma_wait3A_467 : memref<!tpu.dma_semaphore, #tpu.memory_space<semaphore_mem>>) src(%dma_wait3A_473 : memref<848x1024xf32, #tpu.memory_space<vmem>>) dst(%dma_wait3A_470 : memref<848x1024xf32, #tpu.memory_space<hbm>>)
    %dma_wait3A_474 = arith.constant 1 : i32
    %dma_wait3A_475 = tpu.memref_slice %arg14[%dma_wait3A_474] : memref<2x!tpu.dma_semaphore, #tpu.memory_space<semaphore_mem>> -> memref<1x!tpu.dma_semaphore, #tpu.memory_space<semaphore_mem>>
    %dma_wait3A_476 = tpu.memref_squeeze %dma_wait3A_475 : memref<1x!tpu.dma_semaphore, #tpu.memory_space<semaphore_mem>> -> memref<!tpu.dma_semaphore, #tpu.memory_space<semaphore_mem>>
    %dma_wait3A_477 = arith.constant 99152 : i32
    %dma_wait3A_478 = arith.constant 0 : i32
    %dma_wait3A_479 = tpu.memref_slice %arg8[%dma_wait3A_477, %dma_wait3A_478] : memref<100000x1024xf32, #tpu.memory_space<hbm>> -> memref<848x1024xf32, #tpu.memory_space<hbm>>
    %dma_wait3A_480 = arith.constant 848 : i32
    %dma_wait3A_481 = arith.constant 0 : i32
    %dma_wait3A_482 = tpu.memref_slice %arg11[%dma_wait3A_480, %dma_wait3A_481] : memref<1696x1024xf32, #tpu.memory_space<vmem>> -> memref<848x1024xf32, #tpu.memory_space<vmem>>
    tpu.wait_dma2 semaphore(%dma_wait3A_476 : memref<!tpu.dma_semaphore, #tpu.memory_space<semaphore_mem>>) src(%dma_wait3A_482 : memref<848x1024xf32, #tpu.memory_space<vmem>>) dst(%dma_wait3A_479 : memref<848x1024xf32, #tpu.memory_space<hbm>>)
    return
  }
}

</mosaic_0001>

<sc_bundles>
// kernel: kernel.4.cloned.1.call-start
scs
__scs_entry_jumppad:
0x0: {  	(pc) =	sbr.rel $0x88, $3  }
0x1: {  	(tag) =	ssettag $0x0;
	lr =	simm.s32 $0x1  }
0x2: {  	[smem:$0x3F9B] =	sst lr;
	_ =	strace $0xD0000000  }
0x3: {  	_ = 	snop  }
0x4: {  	_ = 	snop  }
0x5: {  	_ = 	snop  }
0x6: {  	_ = 	snop  }
0x7: {  	_ = 	snop  }
__scs_overlays_trampoline_lowered:
0x8: {  	[smem:$0x3FAA] =	sst s0  }
0x9: {  	[smem:$0x3FAB] =	sst s1  }
0xa: {  	[smem:$0x3FAC] =	sst s2  }
0xb: {  	[smem:$0x3FAD] =	sst s3  }
0xc: {  	[smem:$0x3FAE] =	sst s4  }
0xd: {  	[smem:$0x3FAF] =	sst s5  }
0xe: {  	[smem:$0x3FB0] =	sst s6  }
0xf: {  	[smem:$0x3FB1] =	sst s7  }
0x10: {  	[smem:$0x3FB2] =	sst s8  }
0x11: {  	[smem:$0x3FB3] =	sst s9;
	s0 =	simm.s32 @!p0 $0x0  }
0x12: {  	s1 =	sld [smem:$0x3F99];
	s0 =	simm.s32 @p0 $0x1  }
0x13: {  	[smem:$0x3FB4] =	sst s0;
	s0 =	simm.s32 @!p1 $0x0  }
0x14: {  	s2 =	sld [smem:$0x3F98];
	s0 =	simm.s32 @p1 $0x1  }
0x15: {  	[smem:$0x3FB5] =	sst s0;
	s0 =	simm.s32 @!p2 $0x0  }
0x16: {  	s3 =	sld [smem:$0x3FDB];
	s0 =	simm.s32 @p2 $0x1  }
0x17: {  	s4 =	simm.s32 $0x1BF5;
	[smem:$0x3FB7] =	sst s0  }
0x18: {  	s0 =	sld [smem:$0x3F9A];
	_ =	swait.ge [sflag:s4], $0x0  }
0x19: {  	s7 =	sld [smem:$0x3F9B]  }
0x1a: {  	s8 =	sadd.s32 $0xFFFFE003, lr  }
0x1b: {  	s9 =	sadd.s32 $0xFFFFFEF7, lr;
	s5 =	simm.s32 $0xFFFFFFFF;
	p2 =	slt.u32 s8, $0xFFFFF086  }
0x1c: {  	p1 =	slt.u32 s9, $0xF7A;
	s5 =	simm.s32 @!p2 $0x0  }
0x1d: {  	s5 =	simm.s32 @p1 $0x1;
	p0 =	seq.s32 s7, s2  }
0x1e: {  	s7 =	smul.u32 @!p0 $0xF7A, s2;
	p2 =	seq.s32 @!p0 s5, $0x0  }
0x1f: {  	s9 =	smul.u32 $0xF7A, s1;
	s8 =	simm.s32 @!p0 $0x1BF5;
	p2 =	por !p2, p0  }
0x20: {  	[sflag:s8] =	ssyncset.s32 @!p0 $0xFFFFF086;
	s6 =	sadd.s32 @!p0 s3, s7;
	s7 =	simm.s32 @!p0 $0x108  }
0x21: {  	s3 =	sadd.s32 s3, s9;
	s6 =	sadd.s32 @!p0 $0x88, s6;
	s7 =	simm.s32 @p2 $0x1082  }
0x22: {  	[simem:s7], [sflag:s8] =	dma.local @!p0 [hbm:s6], $0xF7A  }
0x23: {  	s9 =	sor.u32 $0xD0000000, s2;
	s6 =	simm.s32 $0x108;
	_ =	swait.ge @!p0 [sflag:s8], $0x0  }
0x24: {  	s3 =	sadd.s32 $0x88, s3;
	s6 =	simm.s32 @!p1 $0x1082;
	[sflag:s4] =	ssyncset.s32 $0xFFFFF086  }
0x25: {  	[simem:s6], [sflag:s4] =	dma.local [hbm:s3], $0xF7A  }
0x26: {  	[smem:$0x3F9B] =	sst s1;
	(tag) =	ssettag s2;
	_ =	strace s9  }
0x27: {  	s1 =	sld [smem:$0x3FAB]  }
0x28: {  	s2 =	sld [smem:$0x3FAC]  }
0x29: {  	s4 =	sld [smem:$0x3FAE]  }
0x2a: {  	p0 =	seq.s32 s5, $0x0;
	s5 =	sld [smem:$0x3FAF]  }
0x2b: {  	s6 =	sld [smem:$0x3FB0]  }
0x2c: {  	s7 =	sld [smem:$0x3FB1]  }
0x2d: {  	s3 =	simm.s32 $0x108;
	s8 =	sld [smem:$0x3FB2]  }
0x2e: {  	s3 =	simm.s32 @!p0 $0x1082;
	s9 =	sld [smem:$0x3FB3]  }
0x2f: {  	lr =	sadd.s32 s0, s3;
	s0 =	sld [smem:$0x3FAA]  }
0x30: {  	s3 =	sld [smem:$0x3FAD]  }
0x31: {  	[smem:$0x3FB6] =	sst s10  }
0x32: {  	s10 =	sld [smem:$0x3FB4];
	_ =	sdelay $0x3  }
0x33: {  	p0 =	seq.s32 s10, $0x1;
	s10 =	sld [smem:$0x3FB6];
	_ =	sdelay $0x3  }
0x34: {  	[smem:$0x3FB6] =	sst s10  }
0x35: {  	s10 =	sld [smem:$0x3FB5];
	_ =	sdelay $0x3  }
0x36: {  	p1 =	seq.s32 s10, $0x1;
	s10 =	sld [smem:$0x3FB6];
	_ =	sdelay $0x3  }
0x37: {  	[smem:$0x3FB6] =	sst s10  }
0x38: {  	s10 =	sld [smem:$0x3FB7]  }
0x39: {  	_ = 	snop;
	(pc) =	sbr.ind lr, $3  }
0x3a: {  	_ = 	snop  }
0x3b: {  	_ = 	snop  }
0x3c: {  	p2 =	seq.s32 s10, $0x1;
	s10 =	sld [smem:$0x3FB6]  }
0x3d: {  	_ =	shalt  }
0x3e: {  	_ =	shalt  }
0x3f: {  	_ =	shalt  }
0x40: {  	_ =	shalt  }
0x41: {  	_ =	shalt  }
0x42: {  	_ =	shalt  }
0x43: {  	_ =	shalt  }
0x44: {  	_ =	shalt  }
0x45: {  	_ =	shalt  }
0x46: {  	_ =	shalt  }
0x47: {  	_ =	shalt  }
0x48: {  	_ =	shalt  }
0x49: {  	_ =	shalt  }
0x4a: {  	_ =	shalt  }
0x4b: {  	_ =	shalt  }
0x4c: {  	_ =	shalt  }
0x4d: {  	_ =	shalt  }
0x4e: {  	_ =	shalt  }
0x4f: {  	_ =	shalt  }
0x50: {  	_ =	shalt  }
0x51: {  	_ =	shalt  }
0x52: {  	_ =	shalt  }
0x53: {  	_ =	shalt  }
0x54: {  	_ =	shalt  }
0x55: {  	_ =	shalt  }
0x56: {  	_ =	shalt  }
0x57: {  	_ =	shalt  }
0x58: {  	_ =	shalt  }
0x59: {  	_ =	shalt  }
0x5a: {  	_ =	shalt  }
0x5b: {  	_ =	shalt  }
0x5c: {  	_ =	shalt  }
0x5d: {  	_ =	shalt  }
0x5e: {  	_ =	shalt  }
0x5f: {  	_ =	shalt  }
0x60: {  	_ =	shalt  }
0x61: {  	_ =	shalt  }
0x62: {  	_ =	shalt  }
0x63: {  	_ =	shalt  }
0x64: {  	_ =	shalt  }
0x65: {  	_ =	shalt  }
0x66: {  	_ =	shalt  }
0x67: {  	_ =	shalt  }
0x68: {  	_ =	shalt  }
0x69: {  	_ =	shalt  }
0x6a: {  	_ =	shalt  }
0x6b: {  	_ =	shalt  }
0x6c: {  	_ =	shalt  }
0x6d: {  	_ =	shalt  }
0x6e: {  	_ =	shalt  }
0x6f: {  	_ =	shalt  }
0x70: {  	_ =	shalt  }
0x71: {  	_ =	shalt  }
0x72: {  	_ =	shalt  }
0x73: {  	_ =	shalt  }
0x74: {  	_ =	shalt  }
0x75: {  	_ =	shalt  }
0x76: {  	_ =	shalt  }
0x77: {  	_ =	shalt  }
0x78: {  	_ =	shalt  }
0x79: {  	_ =	shalt  }
0x7a: {  	_ =	shalt  }
0x7b: {  	_ =	shalt  }
0x7c: {  	_ =	shalt  }
0x7d: {  	_ =	shalt  }
0x7e: {  	_ =	shalt  }
0x7f: {  	_ =	shalt  }
0x80: {  	_ =	shalt  }
0x81: {  	_ =	shalt  }
0x82: {  	_ =	shalt  }
0x83: {  	_ =	shalt  }
0x84: {  	_ =	shalt  }
0x85: {  	_ =	shalt  }
0x86: {  	_ =	shalt  }
0x87: {  	_ =	shalt  }
.Lfunc_end0:
.L_simem_size_0:
called_computation_lowered:
.L_overlay_start_0:
0x88: {  	s2 =	sld [smem:$0x3FD9]  }
0x89: {  	s3 =	sld [smem:$0x3FFE];
	_ =	sdelay $0x1  }
0x8a: {  	s1 =	srdreg.scid  }
0x8b: {  	s0 =	sand.u32 $0x1, s1  }
0x8c: {  	s14 =	sshll.u32 s0, $0xA;
	s2 =	sadd.s32 s3, s2  }
0x8d: {  	s2 =	sadd.s32 s2, s14  }
0x8e: {  	[smem:$0x3FC2] =	sst s2  }
0x8f: {  	_ = 	snop  }
0x90: {  	s2 =	sld [smem:$0x3FD0];
	_ =	sdelay $0x2  }
0x91: {  	s15 =	simm.s32 $0xA;
	s4 =	simm.s32 $0x10  }
0x92: {  	[smem:s4], [sflag:s15] =	dma.local [hbm:s2], $0x1  }
0x93: {  	_ =	swait.eq [sflag:s15], $0x1  }
0x94: {  	[sflag:s15] =	ssyncset.done $0x0  }
0x95: {  	s16 =	sld [smem:$0x10];
	[sflag:s15] =	ssyncadd.s32 $0xFFFFFFFF  }
0x96: {  	s17 =	sld [smem:$0x11];
	(tm) =	ssettm $0x1  }
0x97: {  	s18 =	sld [smem:$0x3FFB];
	_ =	sdelay $0x3  }
0x98: {  	_ =	strace s18  }
0x99: {  	s4 =	sld [smem:$0x3FFC];
	_ =	sdelay $0x3  }
0x9a: {  	_ =	strace s4  }
0x9b: {  	s4 =	sld [smem:$0x3FFD];
	_ =	sdelay $0x3  }
0x9c: {  	_ =	strace s4  }
0x9d: {  	_ =	strace $0x8FFFFFFF  }
0x9e: {  	s19 =	sld [smem:$0x3FDB];
	_ =	sdelay $0x1  }
0x9f: {  	s5 =	simm.s32 $_scs_section_size  }
0xa0: {  	s6 =	simm.s32 $_size__tile_overlayer_lowered;
	s7 =	simm.s32 $_tile_overlayer_lowered  }
0xa1: {  	s22 =	simm.s32 $0x1BFF;
	s21 =	sshll.u32 s7, $0x1;
	s4 =	sadd.s32 s5, s19  }
0xa2: {  	s8 =	simm.s32 $0x0;
	s20 =	sshll.u32 s6, $0x1;
	s6 =	sadd.s32 s21, s4  }
0xa3: {  	[timem:s8], [sflag:s22] =	dma.local [hbm:s6], s20  }
0xa4: {  	_ =	swait.ge [sflag:s22], s20  }
0xa5: {  	s5 =	ssub.s32 $0x0, s20;
	[sflag:s22] =	ssyncset.done $0x0  }
0xa6: {  	[sflag:s22] =	ssyncadd.s32 s5;
	_ =	sdelay $0x1  }
0xa7: {  	s23 =	simm.s32 $0x1B8B  }
0xa8: {  	_ =	swait.ge [sflag:s23], $0x1  }
0xa9: {  	[sflag:s23] =	ssyncset.done $0x0  }
0xaa: {  	s25 =	simm.s32 $0x1B8E;
	s24 =	sld [smem:$0x3FFE];
	[sflag:s23] =	ssyncadd.s32 $0xFFFFFFFF  }
0xab: {  	s26 =	simm.s32 $execute0_lowered;
	[smem:$0x3FD2] =	sst s25  }
0xac: {  	s6 =	sshll.u32 s26, $0x1;
	_ =	strace $0x80000046;
	[dreg:$0x1] =	wrdreg $0xFFFFFFFF  }
0xad: {  	s28 =	simm.s32 $_size_execute0_lowered;
	s4 =	sadd.s32 s4, s6;
	[dreg:$0x0] =	wrdreg $0x0  }
0xae: {  	s6 =	sshll.u32 s28, $0x1;
	[dreg:$0x2] =	wrdreg s4  }
0xaf: {  	[dreg:$0x3] =	wrdreg s6  }
0xb0: {  	[dreg:$0x4] =	wrdreg $0xC0  }
0xb1: {  	_ =	task [dreg:s8], $0x5FFFF  }
0xb2: {  	[dreg:$0x1] =	wrdreg $0xFFFFFFFF  }
0xb3: {  	[dreg:$0x0] =	wrdreg $0x60  }
0xb4: {  	[dreg:$0x2] =	wrdreg s16  }
0xb5: {  	[dreg:$0x3] =	wrdreg s24  }
0xb6: {  	[dreg:$0x4] =	wrdreg s17  }
0xb7: {  	[dreg:$0x5] =	wrdreg $0x9  }
0xb8: {  	_ =	task.clear_ibuf [dreg:s8], $0x6FFFF;
	_ =	strace $0x90000046  }
0xb9: {  	s29 =	simm.s32 $0x9;
	_ =	strace $0x80000048  }
0xba: {  	_ =	swait.ge [sflag:s29], $0x1  }
0xbb: {  	[sflag:s29] =	ssyncadd.s32 $0xFFFFFFFF  }
0xbc: {  	_ =	strace $0x90000048  }
0xbd: {  	_ =	sfence  }
0xbe: {  	s30 =	sld [smem:$0x0];
	_ =	sdelay $0x2  }
0xbf: {  	s31 =	sshll.u32 s1, $0xD;
	s1 =	sshrl.u32 s1, $0x2  }
0xc0: {  	s3 =	sand.u32 $0x4000, s31;
	s1 =	sadd.s32 s1, s30  }
0xc1: {  	s0 =	sor.u32 s3, s0;
	s1 =	sshll.u32 s1, $0x11  }
0xc2: {  	s0 =	sor.u32 s1, s0  }
0xc3: {  	s0 =	sadd.s32 $0x8F2B, s0  }
0xc4: {  	[sflag:s0] =	ssyncadd.remote.s32 $0x1  }
0xc5: {  	_ =	sfence.sel $0xFFFF  }
0xc6: {  	[dreg:$0x0] =	wrdreg $0xFFFFFFFF;
	(pc) =	sbr.abs _section_cstart, $3  }
0xc7: {  	[dreg:$0x1] =	wrdreg $0xFFFFFFFF  }
0xc8: {  	_ =	task.clear_ibuf [dreg:s8], $0x2FFFF;
	_ =	strace $0x9FFFFFFF  }
0xc9: {  	(tm) =	ssettm $0x7FFFFFFF  }
tec
execute0_lowered:
.L_overlay_start_1:
0x0: {  	(tag) =	ssettag $0x1  }
0x1: {  	s1 =	srdreg.scid;
	s0 =	stileid.u32  }
0x2: {  	s2 =	rddreg [dreg:$0x0];
	s16 =	sand.u32 $0x1, s1;
	s30 =	sshll.u32 s0, $0x1  }
0x3: {  	s4 =	rddreg [dreg:$0x1];
	s17 =	sor.u32 s16, s30  }
0x4: {  	s18 =	rddreg [dreg:$0x2];
	s5 =	smul.u32 $0x50, s17  }
0x5: {  	s3 =	simm.s32 $0x0;
	s1 =	rddreg [dreg:$0x3]  }
0x6: {  	[smem:$0x7FF] =	sst s3;
	s4 =	sadd.s32 s5, s4  }
0x7: {  	_ =	strace $0x80000047;
	s5 =	sadd.s32 $0x1000, s4;
	s4 =	simm.s32 $0x2  }
0x8: {  	[tilespmem:s3], [sflag:$0x2] =	stream.linear.gather [hbm4b:s5+s3], $0x280, $0x38;
	[tilespmem:$0xA280] =	vst v63  }
0x9: {  	_ =	swait.ge [sflag:s4], $0x280  }
0xa: {  	[sflag:s4] =	ssyncset.done $0x0  }
0xb: {  	s6 =	simm.s32 $0x80;
	s7 =	simm.s32 $0x280;
	[sflag:s4] =	ssyncadd.s32 $0xFFFFFD80  }
0xc: {  	[tilespmem:s7], [sflag:$0x1] =	stream.indirect.gather [hbm4b:s2+s6], $0x40, s3, s6, $0xb8;
	[tilespmem:$0xA280] =	vst v63  }
0xd: {  	s8 =	simm.s32 $0x2280  }
0xe: {  	[tilespmem:s8], [sflag:$0x1] =	stream.indirect.gather [hbm4b:s2+s6], $0x40, s6, s6, $0xb8;
	[tilespmem:$0xA280] =	vst v63  }
0xf: {  	s9 =	simm.s32 $0x100;
	s10 =	simm.s32 $0x4280  }
0x10: {  	[tilespmem:s10], [sflag:$0x1] =	stream.indirect.gather [hbm4b:s2+s6], $0x40, s9, s6, $0xb8;
	[tilespmem:$0xA280] =	vst v63  }
0x11: {  	s11 =	simm.s32 $0x180;
	s12 =	simm.s32 $0x6280  }
0x12: {  	[tilespmem:s12], [sflag:$0x1] =	stream.indirect.gather [hbm4b:s2+s6], $0x40, s11, s6, $0xb8;
	[tilespmem:$0xA280] =	vst v63  }
0x13: {  	s13 =	simm.s32 $0x200;
	s14 =	simm.s32 $0x8280;
	s15 =	simm.s32 $0x1  }
0x14: {  	[tilespmem:s14], [sflag:$0x1] =	stream.indirect.gather [hbm4b:s2+s6], $0x40, s13, s6, $0xb8;
	[tilespmem:$0xA280] =	vst v63  }
0x15: {  	_ =	swait.ge [sflag:s15], $0x2000  }
0x16: {  	[sflag:s15] =	ssyncset.done $0x0  }
0x17: {  	[sflag:s15] =	ssyncadd.s32 $0xFFFFE000  }
0x18: {  	_ =	swait.ge [sflag:s15], $0x2000  }
0x19: {  	[sflag:s15] =	ssyncset.done $0x0  }
0x1a: {  	[sflag:s15] =	ssyncadd.s32 $0xFFFFE000  }
0x1b: {  	_ =	swait.ge [sflag:s15], $0x2000  }
0x1c: {  	[sflag:s15] =	ssyncset.done $0x0  }
0x1d: {  	s16 =	ssub.s32 $0x2, s16;
	[sflag:s15] =	ssyncadd.s32 $0xFFFFE000  }
0x1e: {  	s19 =	sshrl.u32 s16, $0x1;
	_ =	swait.ge [sflag:s15], $0x2000  }
0x1f: {  	s19 =	ssub.s32 s16, s19;
	[sflag:s15] =	ssyncset.done $0x0  }
0x20: {  	s31 =	smax.u32 s19, $0x1;
	[sflag:s15] =	ssyncadd.s32 $0xFFFFE000  }
0x21: {  	s17 =	smul.u32 $0x1400, s17;
	p0 =	sne.s32 s31, $0x1;
	_ =	swait.ge [sflag:s15], $0x2000  }
.Ltmp0:
0x22: {  	[sflag:s15] =	ssyncset.done $0x0;
	(pc) =	sbr.rel @!p0 .LBB2_2-.Ltmp0, $4  }
0x23: {  	s16 =	sadd.s32 s18, s17;
	[sflag:s15] =	ssyncadd.s32 $0xFFFFE000  }
0x24: {  	[hbm4b:s16+s3] =	stream.linear.scatter [tilespmem:s7], [sflag:$0x2], $0xA000, $0x38;
	[tilespmem:$0xA280] =	vst v63  }
0x25: {  	_ =	swait.ge [sflag:s4], $0xA000  }
0x26: {  	s17 =	sadd.s32 $0xFFFFFFFF, s31;
	[sflag:s4] =	ssyncset.done $0x0  }
.LBB2_1:
0x27: {  	p0 =	sne.s32 s17, $0x1;
	s17 =	sadd.s32 $0xFFFFFFFF, s17;
	[sflag:s4] =	ssyncadd.s32 $0xFFFF6000  }
0x28: {  	[tilespmem:s3], [sflag:$0x2] =	stream.linear.gather [hbm4b:s5+s3], $0x280, $0x38;
	[tilespmem:$0xA280] =	vst v63  }
0x29: {  	_ =	swait.ge [sflag:s4], $0x280  }
0x2a: {  	[sflag:s4] =	ssyncset.done $0x0  }
0x2b: {  	[sflag:s4] =	ssyncadd.s32 $0xFFFFFD80  }
0x2c: {  	[tilespmem:s7], [sflag:$0x1] =	stream.indirect.gather [hbm4b:s2+s6], $0x40, s3, s6, $0xb8;
	[tilespmem:$0xA280] =	vst v63  }
0x2d: {  	_ = 	snop  }
0x2e: {  	[tilespmem:s8], [sflag:$0x1] =	stream.indirect.gather [hbm4b:s2+s6], $0x40, s6, s6, $0xb8;
	[tilespmem:$0xA280] =	vst v63  }
0x2f: {  	_ = 	snop  }
0x30: {  	[tilespmem:s10], [sflag:$0x1] =	stream.indirect.gather [hbm4b:s2+s6], $0x40, s9, s6, $0xb8;
	[tilespmem:$0xA280] =	vst v63  }
0x31: {  	_ = 	snop  }
0x32: {  	[tilespmem:s12], [sflag:$0x1] =	stream.indirect.gather [hbm4b:s2+s6], $0x40, s11, s6, $0xb8;
	[tilespmem:$0xA280] =	vst v63  }
0x33: {  	_ = 	snop  }
0x34: {  	[tilespmem:s14], [sflag:$0x1] =	stream.indirect.gather [hbm4b:s2+s6], $0x40, s13, s6, $0xb8;
	[tilespmem:$0xA280] =	vst v63  }
0x35: {  	_ =	swait.ge [sflag:s15], $0x2000  }
0x36: {  	[sflag:s15] =	ssyncset.done $0x0  }
0x37: {  	[sflag:s15] =	ssyncadd.s32 $0xFFFFE000  }
0x38: {  	_ =	swait.ge [sflag:s15], $0x2000  }
0x39: {  	[sflag:s15] =	ssyncset.done $0x0  }
0x3a: {  	[sflag:s15] =	ssyncadd.s32 $0xFFFFE000  }
0x3b: {  	_ =	swait.ge [sflag:s15], $0x2000  }
0x3c: {  	[sflag:s15] =	ssyncset.done $0x0  }
0x3d: {  	[sflag:s15] =	ssyncadd.s32 $0xFFFFE000  }
0x3e: {  	_ =	swait.ge [sflag:s15], $0x2000  }
0x3f: {  	[sflag:s15] =	ssyncset.done $0x0  }
0x40: {  	[sflag:s15] =	ssyncadd.s32 $0xFFFFE000  }
0x41: {  	_ =	swait.ge [sflag:s15], $0x2000  }
.Ltmp1:
0x42: {  	[sflag:s15] =	ssyncset.done $0x0;
	(pc) =	sbr.rel @p0 .LBB2_1-.Ltmp1, $4  }
0x43: {  	[sflag:s15] =	ssyncadd.s32 $0xFFFFE000  }
0x44: {  	[hbm4b:s16+s3] =	stream.linear.scatter [tilespmem:s7], [sflag:$0x2], $0xA000, $0x38;
	[tilespmem:$0xA280] =	vst v63  }
0x45: {  	_ =	swait.ge [sflag:s4], $0xA000  }
0x46: {  	[sflag:s4] =	ssyncset.done $0x0  }
.LBB2_2:
0x47: {  	[sflag:s4] =	ssyncadd.s32 $0xFFFF6000  }
0x48: {  	_ =	sfence.sel $0x180000  }
0x49: {  	[bflag:$0x0] =	sbarrier.arrive $0xFFFF  }
0x4a: {  	p0 =	sne.s32 s0, $0x0;
	_ =	strace $0x90000047  }
0x4b: {  	s0 =	sadd.s32 @!p0 $0x100000, s1;
	[bflag:$0x2] =	sbarrier.arrive $0xFFFF  }
0x4c: {  	[sflag:s0] =	ssyncadd.tile.s32 @!p0 $0x1;
	_ =	shalt  }
.Lfunc_end2:
_tile_overlayer_lowered:
.L_overlay_start_2:
0x4d: {  	(tag) =	ssettag $0x2  }
0x4e: {  	s0 =	rddreg [dreg:$0x0];
	s2 =	stileid.u32  }
0x4f: {  	s1 =	rddreg [dreg:$0x1];
	p0 =	sne.s32 s2, $0x0  }
0x50: {  	s3 =	rddreg [dreg:$0x2];
	[bflag:$0x3] =	sbarrier.arrive $0xFFFF;
	s2 =	simm.s32 @!p0 $0x1C02  }
0x51: {  	[timem:s3], [sflag:s2] =	dma.local @!p0 [hbm:s0], s1  }
0x52: {  	s0 =	simm.s32 @!p0 $0x2  }
0x53: {  	_ =	swait.ge @!p0 [sflag:s0], s1  }
0x54: {  	s1 =	ssub.s32 @!p0 $0x0, s1;
	[sflag:s0] =	ssyncset.done @!p0 $0x0  }
0x55: {  	[sflag:s0] =	ssyncadd.s32 @!p0 s1  }
0x56: {  	[bflag:$0x3] =	sbarrier.arrive $0xFFFF  }
0x57: {  	_ =	shalt  }

</sc_bundles>
